<compile_context>
chip_gen: v7x
topology: tpu7x:2x2x1
jax: 0.10.2.dev20260603
libtpu: 0.0.44.dev20260713+nightly
codegen_flags: <defaults>
</compile_context>

<pallas_src>
import functools

import jax
import jax.numpy as jnp
from jax import lax
from jax.experimental import pallas as pl
from jax.experimental.pallas import tpu as pltpu
from jax.experimental.pallas import tpu_sc as plsc

BB, CC, NN, KK = 8, 128, 2048, 8
NKT = NN * KK
RBLK = 512
_NC, _NS = 2, 16
_NW = _NC * _NS
_CPT = CC // _NW


def _prep_body(pts_full_ref, pts_blk_ref, w2_ref, feat_ref, t_ref, idx_ref):
    pts_full = pts_full_ref[0]
    pts_blk = pts_blk_ref[0]
    feat = jnp.where(pts_blk >= 0, pts_blk, 0.01 * pts_blk)
    feat_ref[0] = feat
    t_ref[0] = lax.dot_general(w2_ref[...], feat, (((1,), (0,)), ((), ())))
    xx = jnp.sum(pts_full * pts_full, axis=0, keepdims=True)
    inner = -2.0 * lax.dot_general(
        pts_blk, pts_full, (((0,), (0,)), ((), ())))
    ones = jnp.ones((CC, 1), jnp.float32)
    xxr = lax.dot_general(
        pts_blk * pts_blk, ones, (((0,), (0,)), ((), ())))
    pw = (-xx - inner) - xxr
    colf = lax.broadcasted_iota(jnp.int32, (RBLK, NN), 1).astype(jnp.float32)
    cols = []
    for _ in range(KK):
        m = jnp.max(pw, axis=1, keepdims=True)
        cand = jnp.where(pw == m, colf, float(NN))
        af = jnp.min(cand, axis=1, keepdims=True)
        cols.append(af.astype(jnp.int32))
        pw = jnp.where(colf == af, -jnp.inf, pw)
    idx_ref[0] = jnp.concatenate(cols, axis=1)


def _make_prep(nb):
    return pl.pallas_call(
        _prep_body,
        grid=(nb, NN // RBLK),
        in_specs=[
            pl.BlockSpec((1, CC, NN), lambda b, r: (b, 0, 0)),
            pl.BlockSpec((1, CC, RBLK), lambda b, r: (b, 0, r)),
            pl.BlockSpec((CC, CC), lambda b, r: (0, 0)),
        ],
        out_specs=[
            pl.BlockSpec((1, CC, RBLK), lambda b, r: (b, 0, r)),
            pl.BlockSpec((1, CC, RBLK), lambda b, r: (b, 0, r)),
            pl.BlockSpec((1, RBLK, KK), lambda b, r: (b, r, 0)),
        ],
        out_shape=[
            jax.ShapeDtypeStruct((nb, CC, NN), jnp.float32),
            jax.ShapeDtypeStruct((nb, CC, NN), jnp.float32),
            jax.ShapeDtypeStruct((nb, NN, KK), jnp.int32),
        ],
    )


def _sc_body_rows(_ROWS, feat_hbm, t_hbm, idxf_hbm, idxt_hbm, pts_hbm,
             g_hbm, gnn_hbm, o_hbm,
             idxf_v, idxt_v,
             srcf_a, srct_a, pts_a, g_a, g2_a, o_a,
             srcf_b, srct_b, pts_b, g_b, g2_b, o_b,
             sem_ra, sem_rb, sem_wa, sem_wb):
    cid = lax.axis_index("c")
    sid = lax.axis_index("s")
    wid = sid * _NC + cid

    bufs = ((srcf_a, srct_a, pts_a, g_a, g2_a, o_a, sem_ra, sem_wa),
            (srcf_b, srct_b, pts_b, g_b, g2_b, o_b, sem_rb, sem_wb))

    def rc(r):
        return r // _CPT, wid * _CPT + (r % _CPT)

    def issue_reads(r, P):
        b, c = rc(r)
        srcf, srct, pts, _, _, _, sem_r, _ = bufs[P]
        pltpu.async_copy(feat_hbm.at[b, c], srcf, sem_r)
        pltpu.async_copy(t_hbm.at[b, c], srct, sem_r)
        pltpu.async_copy(pts_hbm.at[b, c], pts, sem_r)

    def drain_reads(r, P):
        b, c = rc(r)
        srcf, srct, pts, _, _, _, sem_r, _ = bufs[P]
        pltpu.make_async_copy(feat_hbm.at[b, c], srcf, sem_r).wait()
        pltpu.make_async_copy(t_hbm.at[b, c], srct, sem_r).wait()
        pltpu.make_async_copy(pts_hbm.at[b, c], pts, sem_r).wait()

    def drain_writes(r, P):
        b, c = rc(r)
        _, _, _, g, g2, o, _, sem_w = bufs[P]
        pltpu.make_async_copy(g, g_hbm.at[b, c], sem_w).wait()
        pltpu.make_async_copy(g2, gnn_hbm.at[b, c], sem_w).wait()
        pltpu.make_async_copy(o, o_hbm.at[b, c], sem_w).wait()

    def do_row(r, P):
        b, c = rc(r)
        srcf, srct, pts, g, g2, o, _, sem_w = bufs[P]

        @pl.when(r + 1 < _ROWS)
        def _():
            issue_reads(r + 1, P ^ 1)

        @pl.when(jnp.logical_and(r % _CPT == 0, r > 0))
        def _():
            bb = r // _CPT
            pltpu.sync_copy(idxf_hbm.at[bb], idxf_v)
            pltpu.sync_copy(idxt_hbm.at[bb], idxt_v)

        drain_reads(r, P)

        @pl.when(r >= 2)
        def _():
            drain_writes(r - 2, P)

        @plsc.parallel_loop(0, NKT, step=16, unroll=16)
        def _(s):
            iv = idxf_v[pl.ds(s, 16)]
            g[pl.ds(s, 16)] = plsc.load_gather(srcf, [iv])

        pltpu.async_copy(g, g_hbm.at[b, c], sem_w)

        @plsc.parallel_loop(0, NKT, step=16, unroll=16)
        def _(s):
            iv = idxf_v[pl.ds(s, 16)]
            g2[pl.ds(s, 16)] = plsc.load_gather(srct, [iv])

        pltpu.async_copy(g2, gnn_hbm.at[b, c], sem_w)

        @plsc.parallel_loop(0, NN, step=16, unroll=8)
        def _(s):
            sl = pl.ds(s, 16)
            acc = srcf[sl]
            for j in range(KK):
                iv = idxt_v[pl.ds(j * NN + s, 16)]
                acc = acc + plsc.load_gather(srcf, [iv])
            o[sl] = acc * (1.0 / 9.0) + pts[sl]

        pltpu.async_copy(o, o_hbm.at[b, c], sem_w)

    pltpu.sync_copy(idxf_hbm.at[0], idxf_v)
    pltpu.sync_copy(idxt_hbm.at[0], idxt_v)
    issue_reads(0, 0)

    def pair(p, u):
        do_row(2 * p, 0)
        do_row(2 * p + 1, 1)
        return u

    lax.fori_loop(0, _ROWS // 2, pair, 0)
    drain_writes(_ROWS - 2, 0)
    drain_writes(_ROWS - 1, 1)


@functools.cache
def _gather_sc(nb):
    return pl.kernel(
        functools.partial(_sc_body_rows, nb * _CPT),
        out_type=(
            jax.ShapeDtypeStruct((nb, CC, NKT), jnp.float32),
            jax.ShapeDtypeStruct((nb, CC, NKT), jnp.float32),
            jax.ShapeDtypeStruct((nb, CC, NN), jnp.float32),
        ),
        mesh=plsc.VectorSubcoreMesh(core_axis_name="c", subcore_axis_name="s",
                                    num_cores=_NC, num_subcores=_NS),
        compiler_params=pltpu.CompilerParams(needs_layout_passes=False),
        scratch_types=(
            [pltpu.VMEM((NKT,), jnp.int32)] * 2
            + [pltpu.VMEM((NN,), jnp.float32),
               pltpu.VMEM((NN,), jnp.float32),
               pltpu.VMEM((NN,), jnp.float32),
               pltpu.VMEM((NKT,), jnp.float32),
               pltpu.VMEM((NKT,), jnp.float32),
               pltpu.VMEM((NN,), jnp.float32)] * 2
            + [pltpu.SemaphoreType.DMA] * 4
        ),
    )


def kernel(points, W, W2, k):
    del W
    pts = points + jnp.asarray(k - KK, points.dtype)
    feat, t, idx = _make_prep(BB)(pts, pts, W2)
    idxf = idx.reshape(BB, NKT)
    idxt = jnp.swapaxes(idx, 1, 2).reshape(BB, NKT)
    g, gnn, out = _gather_sc(BB)(feat, t, idxf, idxt, pts)
    center = feat[:, :, :, None]
    return (out, center,
            g.reshape(BB, CC, NN, KK), gnn.reshape(BB, CC, NN, KK))

# --- scband reference (transcript-rebuilt; emitter-appended) ---
"""Pipeline reference for scband-res-gat-block-5738076307725 (READ-ONLY COPY).

The authoritative reference and input builder live on the scoring server;
editing this copy changes nothing except your own understanding.
"""

import jax, jax.numpy as jnp
import numpy as np

B, C, N, K = 8, 128, 2048, 8


def knn_point(k, x):
    # x: [B, N, C] -> idx [B, N, k]
    xt = jnp.swapaxes(x, 2, 1)  # [B, C, N]
    inner = -2.0 * jnp.matmul(jnp.swapaxes(xt, 2, 1), xt)  # [B, N, N]
    xx = jnp.sum(xt ** 2, axis=1, keepdims=True)  # [B, 1, N]
    pairwise = -xx - inner - jnp.swapaxes(xx, 2, 1)  # [B, N, N]
    idx = jax.lax.top_k(pairwise, k)[1]
    return idx


def setup_inputs(seed: int = 0):
    key = jax.random.key(seed)
    k1, k2, k3 = jax.random.split(key, 3)
    points = jax.random.normal(k1, (B, C, N), dtype=jnp.float32)
    # xavier_uniform on W[C,1] with gain=1.414
    bound = 1.414 * (6.0 / (C + 1)) ** 0.5
    W = jax.random.uniform(k2, (C, 1), minval=-bound, maxval=bound, dtype=jnp.float32)
    # conv2 1x1 weight [out=C, in=C]
    W2 = jax.random.normal(k3, (C, C), dtype=jnp.float32) * (1.0 / C) ** 0.5
    return {"points": points, "W": W, "W2": W2, "k": K}


def reference(points, W, W2, k=8):
    points = points + jnp.asarray(k - K, points.dtype)
    shortcut = points
    feature = jax.lax.stop_gradient(jnp.swapaxes(points, 2, 1))  # detach, [B, N, C]
    idx = knn_point(K, feature)  # [B, N, k]
    features = jax.nn.leaky_relu(points, negative_slope=0.01)  # self.relu
    # grouping_operation: features [B,C,N], idx [B,N,k] -> [B,C,N,k]
    grouped_points = jax.vmap(lambda f, i: f[:, i])(features, idx)
    center_points = features[:, :, :, None]  # [B,C,N,1]
    feats = jnp.concatenate([grouped_points, center_points], axis=3)  # [B,C,N,k+1]
    feats = jnp.transpose(feats, (0, 2, 3, 1))  # [B,N,k+1,C]
    attention = jnp.matmul(feats, W)  # [B,N,k+1,1]
    attention = jax.nn.softmax(attention, axis=2)
    attention = jnp.tile(attention, (1, 1, 1, K + 1))  # repeat to 9
    feats = jnp.matmul(attention, feats)  # [B,N,k+1,C]
    feats = jnp.transpose(feats, (0, 3, 1, 2))  # [B,C,N,k+1]
    out = jnp.mean(feats, axis=3) + shortcut  # [B,C,N]
    # conv2: 1x1 conv over [B,C,N,k]
    grouped_points_nn = jnp.einsum('oc,bcnk->bonk', W2, grouped_points)
    return (out, center_points, grouped_points, grouped_points_nn)

if __name__ == "__main__":
    import jax
    _d = setup_inputs()
    print(jax.jit(kernel)(*tuple(_d.values())))

</pallas_src>

<mosaic_0001>
#map = affine_map<(d0, d1) -> (0, 0, 0)>
#map1 = affine_map<(d0, d1) -> (0, 0)>
module attributes {stable_mosaic.version = 14 : i64} {
  func.func @_sc_body_rows(%arg0: i32, %arg1: i32, %arg2: memref<8x128x2048xf32, #tpu.memory_space<hbm>>, %arg3: memref<8x128x2048xf32, #tpu.memory_space<hbm>>, %arg4: memref<8x16384xi32, #tpu.memory_space<hbm>>, %arg5: memref<8x16384xi32, #tpu.memory_space<hbm>>, %arg6: memref<8x128x2048xf32, #tpu.memory_space<hbm>>, %arg7: memref<8x128x16384xf32, #tpu.memory_space<hbm>>, %arg8: memref<8x128x16384xf32, #tpu.memory_space<hbm>>, %arg9: memref<8x128x2048xf32, #tpu.memory_space<hbm>>, %arg10: memref<16384xi32, #tpu.memory_space<vmem>>, %arg11: memref<16384xi32, #tpu.memory_space<vmem>>, %arg12: memref<2048xf32, #tpu.memory_space<vmem>>, %arg13: memref<2048xf32, #tpu.memory_space<vmem>>, %arg14: memref<2048xf32, #tpu.memory_space<vmem>>, %arg15: memref<16384xf32, #tpu.memory_space<vmem>>, %arg16: memref<16384xf32, #tpu.memory_space<vmem>>, %arg17: memref<2048xf32, #tpu.memory_space<vmem>>, %arg18: memref<2048xf32, #tpu.memory_space<vmem>>, %arg19: memref<2048xf32, #tpu.memory_space<vmem>>, %arg20: memref<2048xf32, #tpu.memory_space<vmem>>, %arg21: memref<16384xf32, #tpu.memory_space<vmem>>, %arg22: memref<16384xf32, #tpu.memory_space<vmem>>, %arg23: memref<2048xf32, #tpu.memory_space<vmem>>, %arg24: memref<!tpu.dma_semaphore, #tpu.memory_space<semaphore_mem>>, %arg25: memref<!tpu.dma_semaphore, #tpu.memory_space<semaphore_mem>>, %arg26: memref<!tpu.dma_semaphore, #tpu.memory_space<semaphore_mem>>, %arg27: memref<!tpu.dma_semaphore, #tpu.memory_space<semaphore_mem>>) attributes {dimension_semantics = [#tpu.dimension_semantics<core_parallel>, #tpu.dimension_semantics<subcore_parallel>], iteration_bounds = array<i64: 2, 16>, scalar_prefetch = 0 : i64, scratch_operands = 18 : i64, tpu.core_type = #tpu.core_type<sc_vector_subcore>, window_params = [{transform_indices = #map}, {transform_indices = #map}, {transform_indices = #map1}, {transform_indices = #map1}, {transform_indices = #map}, {transform_indices = #map}, {transform_indices = #map}, {transform_indices = #map}]} {
    %mul3A = arith.constant 2 : i32
    %mul3A_0 = arith.muli %arg1, %mul3A : i32
    %add3A = arith.addi %mul3A_0, %arg0 : i32
    %run_scoped3A = arith.constant 0 : i32
    "tpu.region"() ({
      %run_scoped3A_80 = tpu.sem_alloc : memref<!tpu.dma_semaphore, #tpu.memory_space<semaphore_mem>>
      %dma_start3A_81 = arith.constant 0 : i32
      %dma_start3A_82 = tpu.memref_slice %arg4[%run_scoped3A, %dma_start3A_81] : memref<8x16384xi32, #tpu.memory_space<hbm>> -> memref<1x16384xi32, #tpu.memory_space<hbm>>
      %dma_start3A_83 = tpu.memref_squeeze %dma_start3A_82 : memref<1x16384xi32, #tpu.memory_space<hbm>> -> memref<16384xi32, #tpu.memory_space<hbm>>
      %dma_start3A_84 = arith.constant 0 : i32
      %dma_start3A_85 = tpu.memref_slice %arg4[%run_scoped3A, %dma_start3A_84] : memref<8x16384xi32, #tpu.memory_space<hbm>> -> memref<1x16384xi32, #tpu.memory_space<hbm>>
      %dma_start3A_86 = tpu.memref_squeeze %dma_start3A_85 : memref<1x16384xi32, #tpu.memory_space<hbm>> -> memref<16384xi32, #tpu.memory_space<hbm>>
      tpu.enqueue_dma source(%dma_start3A_86 : memref<16384xi32, #tpu.memory_space<hbm>>) target(%arg10 : memref<16384xi32, #tpu.memory_space<vmem>>) target_semaphore(%run_scoped3A_80 : memref<!tpu.dma_semaphore, #tpu.memory_space<semaphore_mem>>)
      %dma_wait3A_87 = arith.constant 0 : i32
      %dma_wait3A_88 = tpu.memref_slice %arg4[%run_scoped3A, %dma_wait3A_87] : memref<8x16384xi32, #tpu.memory_space<hbm>> -> memref<1x16384xi32, #tpu.memory_space<hbm>>
      %dma_wait3A_89 = tpu.memref_squeeze %dma_wait3A_88 : memref<1x16384xi32, #tpu.memory_space<hbm>> -> memref<16384xi32, #tpu.memory_space<hbm>>
      %dma_wait3A_90 = arith.constant 0 : i32
      %dma_wait3A_91 = tpu.memref_slice %arg4[%run_scoped3A, %dma_wait3A_90] : memref<8x16384xi32, #tpu.memory_space<hbm>> -> memref<1x16384xi32, #tpu.memory_space<hbm>>
      %dma_wait3A_92 = tpu.memref_squeeze %dma_wait3A_91 : memref<1x16384xi32, #tpu.memory_space<hbm>> -> memref<16384xi32, #tpu.memory_space<hbm>>
      tpu.wait_dma2 semaphore(%run_scoped3A_80 : memref<!tpu.dma_semaphore, #tpu.memory_space<semaphore_mem>>) src(%dma_wait3A_92 : memref<16384xi32, #tpu.memory_space<hbm>>) dst(%arg10 : memref<16384xi32, #tpu.memory_space<vmem>>)
      tpu.yield
    }) : () -> ()
    %run_scoped3A_1 = arith.constant 0 : i32
    "tpu.region"() ({
      %run_scoped3A_80 = tpu.sem_alloc : memref<!tpu.dma_semaphore, #tpu.memory_space<semaphore_mem>>
      %dma_start3A_81 = arith.constant 0 : i32
      %dma_start3A_82 = tpu.memref_slice %arg5[%run_scoped3A_1, %dma_start3A_81] : memref<8x16384xi32, #tpu.memory_space<hbm>> -> memref<1x16384xi32, #tpu.memory_space<hbm>>
      %dma_start3A_83 = tpu.memref_squeeze %dma_start3A_82 : memref<1x16384xi32, #tpu.memory_space<hbm>> -> memref<16384xi32, #tpu.memory_space<hbm>>
      %dma_start3A_84 = arith.constant 0 : i32
      %dma_start3A_85 = tpu.memref_slice %arg5[%run_scoped3A_1, %dma_start3A_84] : memref<8x16384xi32, #tpu.memory_space<hbm>> -> memref<1x16384xi32, #tpu.memory_space<hbm>>
      %dma_start3A_86 = tpu.memref_squeeze %dma_start3A_85 : memref<1x16384xi32, #tpu.memory_space<hbm>> -> memref<16384xi32, #tpu.memory_space<hbm>>
      tpu.enqueue_dma source(%dma_start3A_86 : memref<16384xi32, #tpu.memory_space<hbm>>) target(%arg11 : memref<16384xi32, #tpu.memory_space<vmem>>) target_semaphore(%run_scoped3A_80 : memref<!tpu.dma_semaphore, #tpu.memory_space<semaphore_mem>>)
      %dma_wait3A_87 = arith.constant 0 : i32
      %dma_wait3A_88 = tpu.memref_slice %arg5[%run_scoped3A_1, %dma_wait3A_87] : memref<8x16384xi32, #tpu.memory_space<hbm>> -> memref<1x16384xi32, #tpu.memory_space<hbm>>
      %dma_wait3A_89 = tpu.memref_squeeze %dma_wait3A_88 : memref<1x16384xi32, #tpu.memory_space<hbm>> -> memref<16384xi32, #tpu.memory_space<hbm>>
      %dma_wait3A_90 = arith.constant 0 : i32
      %dma_wait3A_91 = tpu.memref_slice %arg5[%run_scoped3A_1, %dma_wait3A_90] : memref<8x16384xi32, #tpu.memory_space<hbm>> -> memref<1x16384xi32, #tpu.memory_space<hbm>>
      %dma_wait3A_92 = tpu.memref_squeeze %dma_wait3A_91 : memref<1x16384xi32, #tpu.memory_space<hbm>> -> memref<16384xi32, #tpu.memory_space<hbm>>
      tpu.wait_dma2 semaphore(%run_scoped3A_80 : memref<!tpu.dma_semaphore, #tpu.memory_space<semaphore_mem>>) src(%dma_wait3A_92 : memref<16384xi32, #tpu.memory_space<hbm>>) dst(%arg11 : memref<16384xi32, #tpu.memory_space<vmem>>)
      tpu.yield
    }) : () -> ()
    %mul3A_2 = arith.constant 4 : i32
    %mul3A_3 = arith.muli %add3A, %mul3A_2 : i32
    %add3A_4 = arith.constant 0 : i32
    %add3A_5 = arith.addi %mul3A_3, %add3A_4 : i32
    %dma_start3A = arith.constant 0 : i32
    %dma_start3A_6 = arith.constant 0 : i32
    %dma_start3A_7 = tpu.memref_slice %arg2[%dma_start3A, %add3A_5, %dma_start3A_6] : memref<8x128x2048xf32, #tpu.memory_space<hbm>> -> memref<1x1x2048xf32, #tpu.memory_space<hbm>>
    %dma_start3A_8 = tpu.memref_squeeze %dma_start3A_7 : memref<1x1x2048xf32, #tpu.memory_space<hbm>> -> memref<2048xf32, #tpu.memory_space<hbm>>
    %dma_start3A_9 = arith.constant 0 : i32
    %dma_start3A_10 = tpu.memref_slice %arg2[%dma_start3A, %add3A_5, %dma_start3A_9] : memref<8x128x2048xf32, #tpu.memory_space<hbm>> -> memref<1x1x2048xf32, #tpu.memory_space<hbm>>
    %dma_start3A_11 = tpu.memref_squeeze %dma_start3A_10 : memref<1x1x2048xf32, #tpu.memory_space<hbm>> -> memref<2048xf32, #tpu.memory_space<hbm>>
    tpu.enqueue_dma source(%dma_start3A_11 : memref<2048xf32, #tpu.memory_space<hbm>>) target(%arg12 : memref<2048xf32, #tpu.memory_space<vmem>>) target_semaphore(%arg24 : memref<!tpu.dma_semaphore, #tpu.memory_space<semaphore_mem>>)
    %dma_start3A_12 = arith.constant 0 : i32
    %dma_start3A_13 = arith.constant 0 : i32
    %dma_start3A_14 = tpu.memref_slice %arg3[%dma_start3A_12, %add3A_5, %dma_start3A_13] : memref<8x128x2048xf32, #tpu.memory_space<hbm>> -> memref<1x1x2048xf32, #tpu.memory_space<hbm>>
    %dma_start3A_15 = tpu.memref_squeeze %dma_start3A_14 : memref<1x1x2048xf32, #tpu.memory_space<hbm>> -> memref<2048xf32, #tpu.memory_space<hbm>>
    %dma_start3A_16 = arith.constant 0 : i32
    %dma_start3A_17 = tpu.memref_slice %arg3[%dma_start3A_12, %add3A_5, %dma_start3A_16] : memref<8x128x2048xf32, #tpu.memory_space<hbm>> -> memref<1x1x2048xf32, #tpu.memory_space<hbm>>
    %dma_start3A_18 = tpu.memref_squeeze %dma_start3A_17 : memref<1x1x2048xf32, #tpu.memory_space<hbm>> -> memref<2048xf32, #tpu.memory_space<hbm>>
    tpu.enqueue_dma source(%dma_start3A_18 : memref<2048xf32, #tpu.memory_space<hbm>>) target(%arg13 : memref<2048xf32, #tpu.memory_space<vmem>>) target_semaphore(%arg24 : memref<!tpu.dma_semaphore, #tpu.memory_space<semaphore_mem>>)
    %dma_start3A_19 = arith.constant 0 : i32
    %dma_start3A_20 = arith.constant 0 : i32
    %dma_start3A_21 = tpu.memref_slice %arg6[%dma_start3A_19, %add3A_5, %dma_start3A_20] : memref<8x128x2048xf32, #tpu.memory_space<hbm>> -> memref<1x1x2048xf32, #tpu.memory_space<hbm>>
    %dma_start3A_22 = tpu.memref_squeeze %dma_start3A_21 : memref<1x1x2048xf32, #tpu.memory_space<hbm>> -> memref<2048xf32, #tpu.memory_space<hbm>>
    %dma_start3A_23 = arith.constant 0 : i32
    %dma_start3A_24 = tpu.memref_slice %arg6[%dma_start3A_19, %add3A_5, %dma_start3A_23] : memref<8x128x2048xf32, #tpu.memory_space<hbm>> -> memref<1x1x2048xf32, #tpu.memory_space<hbm>>
    %dma_start3A_25 = tpu.memref_squeeze %dma_start3A_24 : memref<1x1x2048xf32, #tpu.memory_space<hbm>> -> memref<2048xf32, #tpu.memory_space<hbm>>
    tpu.enqueue_dma source(%dma_start3A_25 : memref<2048xf32, #tpu.memory_space<hbm>>) target(%arg14 : memref<2048xf32, #tpu.memory_space<vmem>>) target_semaphore(%arg24 : memref<!tpu.dma_semaphore, #tpu.memory_space<semaphore_mem>>)
    %scan3A = arith.constant 0 : i32
    %scan3A_26 = arith.constant 0 : i32
    %scan3A_27 = arith.constant 16 : i32
    %scan3A_28 = arith.addi %scan3A_26, %scan3A_27 : i32
    %scan3A_29 = arith.constant 1 : i32
    scf.for %scan3A_80 = %scan3A_26 to %scan3A_28 step %scan3A_29  : i32 {
      %mul3A_81 = arith.constant 2 : i32
      %mul3A_82 = arith.muli %mul3A_81, %scan3A_80 : i32
      %jit3A = arith.constant 4 : i32
      %div3A = arith.divsi %mul3A_82, %jit3A : i32
      %sign3A = arith.constant 0 : i32
      %sign3A_83 = arith.cmpi sgt, %mul3A_82, %sign3A : i32
      %sign3A_84 = arith.extui %sign3A_83 : i1 to i32
      %sign3A_85 = arith.constant 0 : i32
      %sign3A_86 = arith.cmpi slt, %mul3A_82, %sign3A_85 : i32
      %sign3A_87 = arith.extui %sign3A_86 : i1 to i32
      %sign3A_88 = arith.subi %sign3A_84, %sign3A_87 : i32
      %sign3A_89 = arith.constant 0 : i32
      %sign3A_90 = arith.cmpi sgt, %jit3A, %sign3A_89 : i32
      %sign3A_91 = arith.extui %sign3A_90 : i1 to i32
      %sign3A_92 = arith.constant 0 : i32
      %sign3A_93 = arith.cmpi slt, %jit3A, %sign3A_92 : i32
      %sign3A_94 = arith.extui %sign3A_93 : i1 to i32
      %sign3A_95 = arith.subi %sign3A_91, %sign3A_94 : i32
      %ne3A = arith.cmpi ne, %sign3A_88, %sign3A_95 : i32
      %rem3A = arith.remsi %mul3A_82, %jit3A : i32
      %ne3A_96 = arith.constant 0 : i32
      %ne3A_97 = arith.cmpi ne, %rem3A, %ne3A_96 : i32
      %and3A = arith.andi %ne3A, %ne3A_97 : i1
      %sub3A = arith.constant 1 : i32
      %sub3A_98 = arith.subi %div3A, %sub3A : i32
      %select_n3A = arith.select %and3A, %sub3A_98, %div3A : i32
      %mul3A_99 = arith.constant 4 : i32
      %mul3A_100 = arith.muli %add3A, %mul3A_99 : i32
      %jit3A_101 = arith.constant 4 : i32
      %eq3A = arith.constant 0 : i32
      %eq3A_102 = arith.cmpi eq, %jit3A_101, %eq3A : i32
      %jit3A_103 = arith.constant 1 : i32
      %select_n3A_104 = arith.select %eq3A_102, %jit3A_103, %jit3A_101 : i32
      %rem3A_105 = arith.remsi %mul3A_82, %select_n3A_104 : i32
      %ne3A_106 = arith.constant 0 : i32
      %ne3A_107 = arith.cmpi ne, %rem3A_105, %ne3A_106 : i32
      %lt3A = arith.constant 0 : i32
      %lt3A_108 = arith.cmpi slt, %rem3A_105, %lt3A : i32
      %lt3A_109 = arith.constant 0 : i32
      %lt3A_110 = arith.cmpi slt, %select_n3A_104, %lt3A_109 : i32
      %ne3A_111 = arith.xori %lt3A_108, %lt3A_110 : i1
      %and3A_112 = arith.andi %ne3A_111, %ne3A_107 : i1
      %add3A_113 = arith.addi %rem3A_105, %select_n3A_104 : i32
      %select_n3A_114 = arith.select %and3A_112, %add3A_113, %rem3A_105 : i32
      %add3A_115 = arith.addi %mul3A_100, %select_n3A_114 : i32
      %add3A_116 = arith.constant 1 : i32
      %add3A_117 = arith.addi %mul3A_82, %add3A_116 : i32
      %lt3A_118 = arith.constant 32 : i32
      %lt3A_119 = arith.cmpi slt, %add3A_117, %lt3A_118 : i32
      %convert_element_type3A = arith.extui %lt3A_119 : i1 to i32
      %cond3A = arith.constant 0 : i32
      %cond3A_120 = arith.cmpi ne, %convert_element_type3A, %cond3A : i32
      scf.if %cond3A_120 {
        %add3A_406 = arith.constant 1 : i32
        %add3A_407 = arith.addi %mul3A_82, %add3A_406 : i32
        %jit3A_408 = arith.constant 4 : i32
        %div3A_409 = arith.divsi %add3A_407, %jit3A_408 : i32
        %sign3A_410 = arith.constant 0 : i32
        %sign3A_411 = arith.cmpi sgt, %add3A_407, %sign3A_410 : i32
        %sign3A_412 = arith.extui %sign3A_411 : i1 to i32
        %sign3A_413 = arith.constant 0 : i32
        %sign3A_414 = arith.cmpi slt, %add3A_407, %sign3A_413 : i32
        %sign3A_415 = arith.extui %sign3A_414 : i1 to i32
        %sign3A_416 = arith.subi %sign3A_412, %sign3A_415 : i32
        %sign3A_417 = arith.constant 0 : i32
        %sign3A_418 = arith.cmpi sgt, %jit3A_408, %sign3A_417 : i32
        %sign3A_419 = arith.extui %sign3A_418 : i1 to i32
        %sign3A_420 = arith.constant 0 : i32
        %sign3A_421 = arith.cmpi slt, %jit3A_408, %sign3A_420 : i32
        %sign3A_422 = arith.extui %sign3A_421 : i1 to i32
        %sign3A_423 = arith.subi %sign3A_419, %sign3A_422 : i32
        %ne3A_424 = arith.cmpi ne, %sign3A_416, %sign3A_423 : i32
        %rem3A_425 = arith.remsi %add3A_407, %jit3A_408 : i32
        %ne3A_426 = arith.constant 0 : i32
        %ne3A_427 = arith.cmpi ne, %rem3A_425, %ne3A_426 : i32
        %and3A_428 = arith.andi %ne3A_424, %ne3A_427 : i1
        %sub3A_429 = arith.constant 1 : i32
        %sub3A_430 = arith.subi %div3A_409, %sub3A_429 : i32
        %select_n3A_431 = arith.select %and3A_428, %sub3A_430, %div3A_409 : i32
        %mul3A_432 = arith.constant 4 : i32
        %mul3A_433 = arith.muli %add3A, %mul3A_432 : i32
        %jit3A_434 = arith.constant 4 : i32
        %eq3A_435 = arith.constant 0 : i32
        %eq3A_436 = arith.cmpi eq, %jit3A_434, %eq3A_435 : i32
        %jit3A_437 = arith.constant 1 : i32
        %select_n3A_438 = arith.select %eq3A_436, %jit3A_437, %jit3A_434 : i32
        %rem3A_439 = arith.remsi %add3A_407, %select_n3A_438 : i32
        %ne3A_440 = arith.constant 0 : i32
        %ne3A_441 = arith.cmpi ne, %rem3A_439, %ne3A_440 : i32
        %lt3A_442 = arith.constant 0 : i32
        %lt3A_443 = arith.cmpi slt, %rem3A_439, %lt3A_442 : i32
        %lt3A_444 = arith.constant 0 : i32
        %lt3A_445 = arith.cmpi slt, %select_n3A_438, %lt3A_444 : i32
        %ne3A_446 = arith.xori %lt3A_443, %lt3A_445 : i1
        %and3A_447 = arith.andi %ne3A_446, %ne3A_441 : i1
        %add3A_448 = arith.addi %rem3A_439, %select_n3A_438 : i32
        %select_n3A_449 = arith.select %and3A_447, %add3A_448, %rem3A_439 : i32
        %add3A_450 = arith.addi %mul3A_433, %select_n3A_449 : i32
        %dma_start3A_451 = arith.constant 0 : i32
        %dma_start3A_452 = tpu.memref_slice %arg2[%select_n3A_431, %add3A_450, %dma_start3A_451] : memref<8x128x2048xf32, #tpu.memory_space<hbm>> -> memref<1x1x2048xf32, #tpu.memory_space<hbm>>
        %dma_start3A_453 = tpu.memref_squeeze %dma_start3A_452 : memref<1x1x2048xf32, #tpu.memory_space<hbm>> -> memref<2048xf32, #tpu.memory_space<hbm>>
        %dma_start3A_454 = arith.constant 0 : i32
        %dma_start3A_455 = tpu.memref_slice %arg2[%select_n3A_431, %add3A_450, %dma_start3A_454] : memref<8x128x2048xf32, #tpu.memory_space<hbm>> -> memref<1x1x2048xf32, #tpu.memory_space<hbm>>
        %dma_start3A_456 = tpu.memref_squeeze %dma_start3A_455 : memref<1x1x2048xf32, #tpu.memory_space<hbm>> -> memref<2048xf32, #tpu.memory_space<hbm>>
        tpu.enqueue_dma source(%dma_start3A_456 : memref<2048xf32, #tpu.memory_space<hbm>>) target(%arg18 : memref<2048xf32, #tpu.memory_space<vmem>>) target_semaphore(%arg25 : memref<!tpu.dma_semaphore, #tpu.memory_space<semaphore_mem>>)
        %dma_start3A_457 = arith.constant 0 : i32
        %dma_start3A_458 = tpu.memref_slice %arg3[%select_n3A_431, %add3A_450, %dma_start3A_457] : memref<8x128x2048xf32, #tpu.memory_space<hbm>> -> memref<1x1x2048xf32, #tpu.memory_space<hbm>>
        %dma_start3A_459 = tpu.memref_squeeze %dma_start3A_458 : memref<1x1x2048xf32, #tpu.memory_space<hbm>> -> memref<2048xf32, #tpu.memory_space<hbm>>
        %dma_start3A_460 = arith.constant 0 : i32
        %dma_start3A_461 = tpu.memref_slice %arg3[%select_n3A_431, %add3A_450, %dma_start3A_460] : memref<8x128x2048xf32, #tpu.memory_space<hbm>> -> memref<1x1x2048xf32, #tpu.memory_space<hbm>>
        %dma_start3A_462 = tpu.memref_squeeze %dma_start3A_461 : memref<1x1x2048xf32, #tpu.memory_space<hbm>> -> memref<2048xf32, #tpu.memory_space<hbm>>
        tpu.enqueue_dma source(%dma_start3A_462 : memref<2048xf32, #tpu.memory_space<hbm>>) target(%arg19 : memref<2048xf32, #tpu.memory_space<vmem>>) target_semaphore(%arg25 : memref<!tpu.dma_semaphore, #tpu.memory_space<semaphore_mem>>)
        %dma_start3A_463 = arith.constant 0 : i32
        %dma_start3A_464 = tpu.memref_slice %arg6[%select_n3A_431, %add3A_450, %dma_start3A_463] : memref<8x128x2048xf32, #tpu.memory_space<hbm>> -> memref<1x1x2048xf32, #tpu.memory_space<hbm>>
        %dma_start3A_465 = tpu.memref_squeeze %dma_start3A_464 : memref<1x1x2048xf32, #tpu.memory_space<hbm>> -> memref<2048xf32, #tpu.memory_space<hbm>>
        %dma_start3A_466 = arith.constant 0 : i32
        %dma_start3A_467 = tpu.memref_slice %arg6[%select_n3A_431, %add3A_450, %dma_start3A_466] : memref<8x128x2048xf32, #tpu.memory_space<hbm>> -> memref<1x1x2048xf32, #tpu.memory_space<hbm>>
        %dma_start3A_468 = tpu.memref_squeeze %dma_start3A_467 : memref<1x1x2048xf32, #tpu.memory_space<hbm>> -> memref<2048xf32, #tpu.memory_space<hbm>>
        tpu.enqueue_dma source(%dma_start3A_468 : memref<2048xf32, #tpu.memory_space<hbm>>) target(%arg20 : memref<2048xf32, #tpu.memory_space<vmem>>) target_semaphore(%arg25 : memref<!tpu.dma_semaphore, #tpu.memory_space<semaphore_mem>>)
      } else {
      }
      %jit3A_121 = arith.constant 4 : i32
      %eq3A_122 = arith.constant 0 : i32
      %eq3A_123 = arith.cmpi eq, %jit3A_121, %eq3A_122 : i32
      %jit3A_124 = arith.constant 1 : i32
      %select_n3A_125 = arith.select %eq3A_123, %jit3A_124, %jit3A_121 : i32
      %rem3A_126 = arith.remsi %mul3A_82, %select_n3A_125 : i32
      %ne3A_127 = arith.constant 0 : i32
      %ne3A_128 = arith.cmpi ne, %rem3A_126, %ne3A_127 : i32
      %lt3A_129 = arith.constant 0 : i32
      %lt3A_130 = arith.cmpi slt, %rem3A_126, %lt3A_129 : i32
      %lt3A_131 = arith.constant 0 : i32
      %lt3A_132 = arith.cmpi slt, %select_n3A_125, %lt3A_131 : i32
      %ne3A_133 = arith.xori %lt3A_130, %lt3A_132 : i1
      %and3A_134 = arith.andi %ne3A_133, %ne3A_128 : i1
      %add3A_135 = arith.addi %rem3A_126, %select_n3A_125 : i32
      %select_n3A_136 = arith.select %and3A_134, %add3A_135, %rem3A_126 : i32
      %eq3A_137 = arith.constant 0 : i32
      %eq3A_138 = arith.cmpi eq, %select_n3A_136, %eq3A_137 : i32
      %gt3A = arith.constant 0 : i32
      %gt3A_139 = arith.cmpi sgt, %mul3A_82, %gt3A : i32
      %and3A_140 = arith.andi %eq3A_138, %gt3A_139 : i1
      %convert_element_type3A_141 = arith.extui %and3A_140 : i1 to i32
      %cond3A_142 = arith.constant 0 : i32
      %cond3A_143 = arith.cmpi ne, %convert_element_type3A_141, %cond3A_142 : i32
      scf.if %cond3A_143 {
        %jit3A_406 = arith.constant 4 : i32
        %div3A_407 = arith.divsi %mul3A_82, %jit3A_406 : i32
        %sign3A_408 = arith.constant 0 : i32
        %sign3A_409 = arith.cmpi sgt, %mul3A_82, %sign3A_408 : i32
        %sign3A_410 = arith.extui %sign3A_409 : i1 to i32
        %sign3A_411 = arith.constant 0 : i32
        %sign3A_412 = arith.cmpi slt, %mul3A_82, %sign3A_411 : i32
        %sign3A_413 = arith.extui %sign3A_412 : i1 to i32
        %sign3A_414 = arith.subi %sign3A_410, %sign3A_413 : i32
        %sign3A_415 = arith.constant 0 : i32
        %sign3A_416 = arith.cmpi sgt, %jit3A_406, %sign3A_415 : i32
        %sign3A_417 = arith.extui %sign3A_416 : i1 to i32
        %sign3A_418 = arith.constant 0 : i32
        %sign3A_419 = arith.cmpi slt, %jit3A_406, %sign3A_418 : i32
        %sign3A_420 = arith.extui %sign3A_419 : i1 to i32
        %sign3A_421 = arith.subi %sign3A_417, %sign3A_420 : i32
        %ne3A_422 = arith.cmpi ne, %sign3A_414, %sign3A_421 : i32
        %rem3A_423 = arith.remsi %mul3A_82, %jit3A_406 : i32
        %ne3A_424 = arith.constant 0 : i32
        %ne3A_425 = arith.cmpi ne, %rem3A_423, %ne3A_424 : i32
        %and3A_426 = arith.andi %ne3A_422, %ne3A_425 : i1
        %sub3A_427 = arith.constant 1 : i32
        %sub3A_428 = arith.subi %div3A_407, %sub3A_427 : i32
        %select_n3A_429 = arith.select %and3A_426, %sub3A_428, %div3A_407 : i32
        "tpu.region"() ({
          %run_scoped3A_430 = tpu.sem_alloc : memref<!tpu.dma_semaphore, #tpu.memory_space<semaphore_mem>>
          %dma_start3A_431 = arith.constant 0 : i32
          %dma_start3A_432 = tpu.memref_slice %arg4[%select_n3A_429, %dma_start3A_431] : memref<8x16384xi32, #tpu.memory_space<hbm>> -> memref<1x16384xi32, #tpu.memory_space<hbm>>
          %dma_start3A_433 = tpu.memref_squeeze %dma_start3A_432 : memref<1x16384xi32, #tpu.memory_space<hbm>> -> memref<16384xi32, #tpu.memory_space<hbm>>
          %dma_start3A_434 = arith.constant 0 : i32
          %dma_start3A_435 = tpu.memref_slice %arg4[%select_n3A_429, %dma_start3A_434] : memref<8x16384xi32, #tpu.memory_space<hbm>> -> memref<1x16384xi32, #tpu.memory_space<hbm>>
          %dma_start3A_436 = tpu.memref_squeeze %dma_start3A_435 : memref<1x16384xi32, #tpu.memory_space<hbm>> -> memref<16384xi32, #tpu.memory_space<hbm>>
          tpu.enqueue_dma source(%dma_start3A_436 : memref<16384xi32, #tpu.memory_space<hbm>>) target(%arg10 : memref<16384xi32, #tpu.memory_space<vmem>>) target_semaphore(%run_scoped3A_430 : memref<!tpu.dma_semaphore, #tpu.memory_space<semaphore_mem>>)
          %dma_wait3A_437 = arith.constant 0 : i32
          %dma_wait3A_438 = tpu.memref_slice %arg4[%select_n3A_429, %dma_wait3A_437] : memref<8x16384xi32, #tpu.memory_space<hbm>> -> memref<1x16384xi32, #tpu.memory_space<hbm>>
          %dma_wait3A_439 = tpu.memref_squeeze %dma_wait3A_438 : memref<1x16384xi32, #tpu.memory_space<hbm>> -> memref<16384xi32, #tpu.memory_space<hbm>>
          %dma_wait3A_440 = arith.constant 0 : i32
          %dma_wait3A_441 = tpu.memref_slice %arg4[%select_n3A_429, %dma_wait3A_440] : memref<8x16384xi32, #tpu.memory_space<hbm>> -> memref<1x16384xi32, #tpu.memory_space<hbm>>
          %dma_wait3A_442 = tpu.memref_squeeze %dma_wait3A_441 : memref<1x16384xi32, #tpu.memory_space<hbm>> -> memref<16384xi32, #tpu.memory_space<hbm>>
          tpu.wait_dma2 semaphore(%run_scoped3A_430 : memref<!tpu.dma_semaphore, #tpu.memory_space<semaphore_mem>>) src(%dma_wait3A_442 : memref<16384xi32, #tpu.memory_space<hbm>>) dst(%arg10 : memref<16384xi32, #tpu.memory_space<vmem>>)
          tpu.yield
        }) : () -> ()
        "tpu.region"() ({
          %run_scoped3A_430 = tpu.sem_alloc : memref<!tpu.dma_semaphore, #tpu.memory_space<semaphore_mem>>
          %dma_start3A_431 = arith.constant 0 : i32
          %dma_start3A_432 = tpu.memref_slice %arg5[%select_n3A_429, %dma_start3A_431] : memref<8x16384xi32, #tpu.memory_space<hbm>> -> memref<1x16384xi32, #tpu.memory_space<hbm>>
          %dma_start3A_433 = tpu.memref_squeeze %dma_start3A_432 : memref<1x16384xi32, #tpu.memory_space<hbm>> -> memref<16384xi32, #tpu.memory_space<hbm>>
          %dma_start3A_434 = arith.constant 0 : i32
          %dma_start3A_435 = tpu.memref_slice %arg5[%select_n3A_429, %dma_start3A_434] : memref<8x16384xi32, #tpu.memory_space<hbm>> -> memref<1x16384xi32, #tpu.memory_space<hbm>>
          %dma_start3A_436 = tpu.memref_squeeze %dma_start3A_435 : memref<1x16384xi32, #tpu.memory_space<hbm>> -> memref<16384xi32, #tpu.memory_space<hbm>>
          tpu.enqueue_dma source(%dma_start3A_436 : memref<16384xi32, #tpu.memory_space<hbm>>) target(%arg11 : memref<16384xi32, #tpu.memory_space<vmem>>) target_semaphore(%run_scoped3A_430 : memref<!tpu.dma_semaphore, #tpu.memory_space<semaphore_mem>>)
          %dma_wait3A_437 = arith.constant 0 : i32
          %dma_wait3A_438 = tpu.memref_slice %arg5[%select_n3A_429, %dma_wait3A_437] : memref<8x16384xi32, #tpu.memory_space<hbm>> -> memref<1x16384xi32, #tpu.memory_space<hbm>>
          %dma_wait3A_439 = tpu.memref_squeeze %dma_wait3A_438 : memref<1x16384xi32, #tpu.memory_space<hbm>> -> memref<16384xi32, #tpu.memory_space<hbm>>
          %dma_wait3A_440 = arith.constant 0 : i32
          %dma_wait3A_441 = tpu.memref_slice %arg5[%select_n3A_429, %dma_wait3A_440] : memref<8x16384xi32, #tpu.memory_space<hbm>> -> memref<1x16384xi32, #tpu.memory_space<hbm>>
          %dma_wait3A_442 = tpu.memref_squeeze %dma_wait3A_441 : memref<1x16384xi32, #tpu.memory_space<hbm>> -> memref<16384xi32, #tpu.memory_space<hbm>>
          tpu.wait_dma2 semaphore(%run_scoped3A_430 : memref<!tpu.dma_semaphore, #tpu.memory_space<semaphore_mem>>) src(%dma_wait3A_442 : memref<16384xi32, #tpu.memory_space<hbm>>) dst(%arg11 : memref<16384xi32, #tpu.memory_space<vmem>>)
          tpu.yield
        }) : () -> ()
      } else {
      }
      %jit3A_144 = arith.constant 4 : i32
      %div3A_145 = arith.divsi %mul3A_82, %jit3A_144 : i32
      %sign3A_146 = arith.constant 0 : i32
      %sign3A_147 = arith.cmpi sgt, %mul3A_82, %sign3A_146 : i32
      %sign3A_148 = arith.extui %sign3A_147 : i1 to i32
      %sign3A_149 = arith.constant 0 : i32
      %sign3A_150 = arith.cmpi slt, %mul3A_82, %sign3A_149 : i32
      %sign3A_151 = arith.extui %sign3A_150 : i1 to i32
      %sign3A_152 = arith.subi %sign3A_148, %sign3A_151 : i32
      %sign3A_153 = arith.constant 0 : i32
      %sign3A_154 = arith.cmpi sgt, %jit3A_144, %sign3A_153 : i32
      %sign3A_155 = arith.extui %sign3A_154 : i1 to i32
      %sign3A_156 = arith.constant 0 : i32
      %sign3A_157 = arith.cmpi slt, %jit3A_144, %sign3A_156 : i32
      %sign3A_158 = arith.extui %sign3A_157 : i1 to i32
      %sign3A_159 = arith.subi %sign3A_155, %sign3A_158 : i32
      %ne3A_160 = arith.cmpi ne, %sign3A_152, %sign3A_159 : i32
      %rem3A_161 = arith.remsi %mul3A_82, %jit3A_144 : i32
      %ne3A_162 = arith.constant 0 : i32
      %ne3A_163 = arith.cmpi ne, %rem3A_161, %ne3A_162 : i32
      %and3A_164 = arith.andi %ne3A_160, %ne3A_163 : i1
      %sub3A_165 = arith.constant 1 : i32
      %sub3A_166 = arith.subi %div3A_145, %sub3A_165 : i32
      %select_n3A_167 = arith.select %and3A_164, %sub3A_166, %div3A_145 : i32
      %mul3A_168 = arith.constant 4 : i32
      %mul3A_169 = arith.muli %add3A, %mul3A_168 : i32
      %jit3A_170 = arith.constant 4 : i32
      %eq3A_171 = arith.constant 0 : i32
      %eq3A_172 = arith.cmpi eq, %jit3A_170, %eq3A_171 : i32
      %jit3A_173 = arith.constant 1 : i32
      %select_n3A_174 = arith.select %eq3A_172, %jit3A_173, %jit3A_170 : i32
      %rem3A_175 = arith.remsi %mul3A_82, %select_n3A_174 : i32
      %ne3A_176 = arith.constant 0 : i32
      %ne3A_177 = arith.cmpi ne, %rem3A_175, %ne3A_176 : i32
      %lt3A_178 = arith.constant 0 : i32
      %lt3A_179 = arith.cmpi slt, %rem3A_175, %lt3A_178 : i32
      %lt3A_180 = arith.constant 0 : i32
      %lt3A_181 = arith.cmpi slt, %select_n3A_174, %lt3A_180 : i32
      %ne3A_182 = arith.xori %lt3A_179, %lt3A_181 : i1
      %and3A_183 = arith.andi %ne3A_182, %ne3A_177 : i1
      %add3A_184 = arith.addi %rem3A_175, %select_n3A_174 : i32
      %select_n3A_185 = arith.select %and3A_183, %add3A_184, %rem3A_175 : i32
      %add3A_186 = arith.addi %mul3A_169, %select_n3A_185 : i32
      %dma_wait3A_187 = arith.constant 0 : i32
      %dma_wait3A_188 = tpu.memref_slice %arg2[%select_n3A_167, %add3A_186, %dma_wait3A_187] : memref<8x128x2048xf32, #tpu.memory_space<hbm>> -> memref<1x1x2048xf32, #tpu.memory_space<hbm>>
      %dma_wait3A_189 = tpu.memref_squeeze %dma_wait3A_188 : memref<1x1x2048xf32, #tpu.memory_space<hbm>> -> memref<2048xf32, #tpu.memory_space<hbm>>
      %dma_wait3A_190 = arith.constant 0 : i32
      %dma_wait3A_191 = tpu.memref_slice %arg2[%select_n3A_167, %add3A_186, %dma_wait3A_190] : memref<8x128x2048xf32, #tpu.memory_space<hbm>> -> memref<1x1x2048xf32, #tpu.memory_space<hbm>>
      %dma_wait3A_192 = tpu.memref_squeeze %dma_wait3A_191 : memref<1x1x2048xf32, #tpu.memory_space<hbm>> -> memref<2048xf32, #tpu.memory_space<hbm>>
      tpu.wait_dma2 semaphore(%arg24 : memref<!tpu.dma_semaphore, #tpu.memory_space<semaphore_mem>>) src(%dma_wait3A_192 : memref<2048xf32, #tpu.memory_space<hbm>>) dst(%arg12 : memref<2048xf32, #tpu.memory_space<vmem>>)
      %dma_wait3A_193 = arith.constant 0 : i32
      %dma_wait3A_194 = tpu.memref_slice %arg3[%select_n3A_167, %add3A_186, %dma_wait3A_193] : memref<8x128x2048xf32, #tpu.memory_space<hbm>> -> memref<1x1x2048xf32, #tpu.memory_space<hbm>>
      %dma_wait3A_195 = tpu.memref_squeeze %dma_wait3A_194 : memref<1x1x2048xf32, #tpu.memory_space<hbm>> -> memref<2048xf32, #tpu.memory_space<hbm>>
      %dma_wait3A_196 = arith.constant 0 : i32
      %dma_wait3A_197 = tpu.memref_slice %arg3[%select_n3A_167, %add3A_186, %dma_wait3A_196] : memref<8x128x2048xf32, #tpu.memory_space<hbm>> -> memref<1x1x2048xf32, #tpu.memory_space<hbm>>
      %dma_wait3A_198 = tpu.memref_squeeze %dma_wait3A_197 : memref<1x1x2048xf32, #tpu.memory_space<hbm>> -> memref<2048xf32, #tpu.memory_space<hbm>>
      tpu.wait_dma2 semaphore(%arg24 : memref<!tpu.dma_semaphore, #tpu.memory_space<semaphore_mem>>) src(%dma_wait3A_198 : memref<2048xf32, #tpu.memory_space<hbm>>) dst(%arg13 : memref<2048xf32, #tpu.memory_space<vmem>>)
      %dma_wait3A_199 = arith.constant 0 : i32
      %dma_wait3A_200 = tpu.memref_slice %arg6[%select_n3A_167, %add3A_186, %dma_wait3A_199] : memref<8x128x2048xf32, #tpu.memory_space<hbm>> -> memref<1x1x2048xf32, #tpu.memory_space<hbm>>
      %dma_wait3A_201 = tpu.memref_squeeze %dma_wait3A_200 : memref<1x1x2048xf32, #tpu.memory_space<hbm>> -> memref<2048xf32, #tpu.memory_space<hbm>>
      %dma_wait3A_202 = arith.constant 0 : i32
      %dma_wait3A_203 = tpu.memref_slice %arg6[%select_n3A_167, %add3A_186, %dma_wait3A_202] : memref<8x128x2048xf32, #tpu.memory_space<hbm>> -> memref<1x1x2048xf32, #tpu.memory_space<hbm>>
      %dma_wait3A_204 = tpu.memref_squeeze %dma_wait3A_203 : memref<1x1x2048xf32, #tpu.memory_space<hbm>> -> memref<2048xf32, #tpu.memory_space<hbm>>
      tpu.wait_dma2 semaphore(%arg24 : memref<!tpu.dma_semaphore, #tpu.memory_space<semaphore_mem>>) src(%dma_wait3A_204 : memref<2048xf32, #tpu.memory_space<hbm>>) dst(%arg14 : memref<2048xf32, #tpu.memory_space<vmem>>)
      %ge3A = arith.constant 2 : i32
      %ge3A_205 = arith.cmpi sge, %mul3A_82, %ge3A : i32
      %convert_element_type3A_206 = arith.extui %ge3A_205 : i1 to i32
      %cond3A_207 = arith.constant 0 : i32
      %cond3A_208 = arith.cmpi ne, %convert_element_type3A_206, %cond3A_207 : i32
      scf.if %cond3A_208 {
        %sub3A_406 = arith.constant 2 : i32
        %sub3A_407 = arith.subi %mul3A_82, %sub3A_406 : i32
        %jit3A_408 = arith.constant 4 : i32
        %div3A_409 = arith.divsi %sub3A_407, %jit3A_408 : i32
        %sign3A_410 = arith.constant 0 : i32
        %sign3A_411 = arith.cmpi sgt, %sub3A_407, %sign3A_410 : i32
        %sign3A_412 = arith.extui %sign3A_411 : i1 to i32
        %sign3A_413 = arith.constant 0 : i32
        %sign3A_414 = arith.cmpi slt, %sub3A_407, %sign3A_413 : i32
        %sign3A_415 = arith.extui %sign3A_414 : i1 to i32
        %sign3A_416 = arith.subi %sign3A_412, %sign3A_415 : i32
        %sign3A_417 = arith.constant 0 : i32
        %sign3A_418 = arith.cmpi sgt, %jit3A_408, %sign3A_417 : i32
        %sign3A_419 = arith.extui %sign3A_418 : i1 to i32
        %sign3A_420 = arith.constant 0 : i32
        %sign3A_421 = arith.cmpi slt, %jit3A_408, %sign3A_420 : i32
        %sign3A_422 = arith.extui %sign3A_421 : i1 to i32
        %sign3A_423 = arith.subi %sign3A_419, %sign3A_422 : i32
        %ne3A_424 = arith.cmpi ne, %sign3A_416, %sign3A_423 : i32
        %rem3A_425 = arith.remsi %sub3A_407, %jit3A_408 : i32
        %ne3A_426 = arith.constant 0 : i32
        %ne3A_427 = arith.cmpi ne, %rem3A_425, %ne3A_426 : i32
        %and3A_428 = arith.andi %ne3A_424, %ne3A_427 : i1
        %sub3A_429 = arith.constant 1 : i32
        %sub3A_430 = arith.subi %div3A_409, %sub3A_429 : i32
        %select_n3A_431 = arith.select %and3A_428, %sub3A_430, %div3A_409 : i32
        %mul3A_432 = arith.constant 4 : i32
        %mul3A_433 = arith.muli %add3A, %mul3A_432 : i32
        %jit3A_434 = arith.constant 4 : i32
        %eq3A_435 = arith.constant 0 : i32
        %eq3A_436 = arith.cmpi eq, %jit3A_434, %eq3A_435 : i32
        %jit3A_437 = arith.constant 1 : i32
        %select_n3A_438 = arith.select %eq3A_436, %jit3A_437, %jit3A_434 : i32
        %rem3A_439 = arith.remsi %sub3A_407, %select_n3A_438 : i32
        %ne3A_440 = arith.constant 0 : i32
        %ne3A_441 = arith.cmpi ne, %rem3A_439, %ne3A_440 : i32
        %lt3A_442 = arith.constant 0 : i32
        %lt3A_443 = arith.cmpi slt, %rem3A_439, %lt3A_442 : i32
        %lt3A_444 = arith.constant 0 : i32
        %lt3A_445 = arith.cmpi slt, %select_n3A_438, %lt3A_444 : i32
        %ne3A_446 = arith.xori %lt3A_443, %lt3A_445 : i1
        %and3A_447 = arith.andi %ne3A_446, %ne3A_441 : i1
        %add3A_448 = arith.addi %rem3A_439, %select_n3A_438 : i32
        %select_n3A_449 = arith.select %and3A_447, %add3A_448, %rem3A_439 : i32
        %add3A_450 = arith.addi %mul3A_433, %select_n3A_449 : i32
        %dma_wait3A_451 = arith.constant 0 : i32
        %dma_wait3A_452 = tpu.memref_slice %arg7[%select_n3A_431, %add3A_450, %dma_wait3A_451] : memref<8x128x16384xf32, #tpu.memory_space<hbm>> -> memref<1x1x16384xf32, #tpu.memory_space<hbm>>
        %dma_wait3A_453 = tpu.memref_squeeze %dma_wait3A_452 : memref<1x1x16384xf32, #tpu.memory_space<hbm>> -> memref<16384xf32, #tpu.memory_space<hbm>>
        %dma_wait3A_454 = arith.constant 0 : i32
        %dma_wait3A_455 = tpu.memref_slice %arg7[%select_n3A_431, %add3A_450, %dma_wait3A_454] : memref<8x128x16384xf32, #tpu.memory_space<hbm>> -> memref<1x1x16384xf32, #tpu.memory_space<hbm>>
        %dma_wait3A_456 = tpu.memref_squeeze %dma_wait3A_455 : memref<1x1x16384xf32, #tpu.memory_space<hbm>> -> memref<16384xf32, #tpu.memory_space<hbm>>
        tpu.wait_dma2 semaphore(%arg26 : memref<!tpu.dma_semaphore, #tpu.memory_space<semaphore_mem>>) src(%arg15 : memref<16384xf32, #tpu.memory_space<vmem>>) dst(%dma_wait3A_456 : memref<16384xf32, #tpu.memory_space<hbm>>)
        %dma_wait3A_457 = arith.constant 0 : i32
        %dma_wait3A_458 = tpu.memref_slice %arg8[%select_n3A_431, %add3A_450, %dma_wait3A_457] : memref<8x128x16384xf32, #tpu.memory_space<hbm>> -> memref<1x1x16384xf32, #tpu.memory_space<hbm>>
        %dma_wait3A_459 = tpu.memref_squeeze %dma_wait3A_458 : memref<1x1x16384xf32, #tpu.memory_space<hbm>> -> memref<16384xf32, #tpu.memory_space<hbm>>
        %dma_wait3A_460 = arith.constant 0 : i32
        %dma_wait3A_461 = tpu.memref_slice %arg8[%select_n3A_431, %add3A_450, %dma_wait3A_460] : memref<8x128x16384xf32, #tpu.memory_space<hbm>> -> memref<1x1x16384xf32, #tpu.memory_space<hbm>>
        %dma_wait3A_462 = tpu.memref_squeeze %dma_wait3A_461 : memref<1x1x16384xf32, #tpu.memory_space<hbm>> -> memref<16384xf32, #tpu.memory_space<hbm>>
        tpu.wait_dma2 semaphore(%arg26 : memref<!tpu.dma_semaphore, #tpu.memory_space<semaphore_mem>>) src(%arg16 : memref<16384xf32, #tpu.memory_space<vmem>>) dst(%dma_wait3A_462 : memref<16384xf32, #tpu.memory_space<hbm>>)
        %dma_wait3A_463 = arith.constant 0 : i32
        %dma_wait3A_464 = tpu.memref_slice %arg9[%select_n3A_431, %add3A_450, %dma_wait3A_463] : memref<8x128x2048xf32, #tpu.memory_space<hbm>> -> memref<1x1x2048xf32, #tpu.memory_space<hbm>>
        %dma_wait3A_465 = tpu.memref_squeeze %dma_wait3A_464 : memref<1x1x2048xf32, #tpu.memory_space<hbm>> -> memref<2048xf32, #tpu.memory_space<hbm>>
        %dma_wait3A_466 = arith.constant 0 : i32
        %dma_wait3A_467 = tpu.memref_slice %arg9[%select_n3A_431, %add3A_450, %dma_wait3A_466] : memref<8x128x2048xf32, #tpu.memory_space<hbm>> -> memref<1x1x2048xf32, #tpu.memory_space<hbm>>
        %dma_wait3A_468 = tpu.memref_squeeze %dma_wait3A_467 : memref<1x1x2048xf32, #tpu.memory_space<hbm>> -> memref<2048xf32, #tpu.memory_space<hbm>>
        tpu.wait_dma2 semaphore(%arg26 : memref<!tpu.dma_semaphore, #tpu.memory_space<semaphore_mem>>) src(%arg17 : memref<2048xf32, #tpu.memory_space<vmem>>) dst(%dma_wait3A_468 : memref<2048xf32, #tpu.memory_space<hbm>>)
      } else {
      }
      %parallel_loop3A = arith.constant 0 : i32
      %parallel_loop3A_209 = arith.constant 16384 : i32
      %parallel_loop3A_210 = arith.constant 16 : i32
      scf.for %parallel_loop3A_406 = %parallel_loop3A to %parallel_loop3A_209 step %parallel_loop3A_210  : i32 {
        %parallel_loop3A_407 = arith.index_cast %parallel_loop3A_406 : i32 to index
        %parallel_loop3A_408 = tpu.vector_load %arg10[%parallel_loop3A_407] {strides = array<i32>} : memref<16384xi32, #tpu.memory_space<vmem>>, vector<16xi32>,
        %parallel_loop3A_409 = tpu.vector_load_idx %arg12[%parallel_loop3A_408] : memref<2048xf32, #tpu.memory_space<vmem>>[vector<16xi32>], vector<16xf32>,
        %parallel_loop3A_410 = arith.index_cast %parallel_loop3A_406 : i32 to index
        %parallel_loop3A_411 = tpu.vector_load %arg15[%parallel_loop3A_410] {strides = array<i32>} : memref<16384xf32, #tpu.memory_space<vmem>>, vector<16xf32>,
        tpu.vector_store %arg15[%parallel_loop3A_410], %parallel_loop3A_409 {strides = array<i32>} : memref<16384xf32, #tpu.memory_space<vmem>>, vector<16xf32>,
      } {sc.loop_unroll_factor = 16 : i64, sc.parallel_access}
      %dma_start3A_211 = arith.constant 0 : i32
      %dma_start3A_212 = tpu.memref_slice %arg7[%select_n3A, %add3A_115, %dma_start3A_211] : memref<8x128x16384xf32, #tpu.memory_space<hbm>> -> memref<1x1x16384xf32, #tpu.memory_space<hbm>>
      %dma_start3A_213 = tpu.memref_squeeze %dma_start3A_212 : memref<1x1x16384xf32, #tpu.memory_space<hbm>> -> memref<16384xf32, #tpu.memory_space<hbm>>
      %dma_start3A_214 = arith.constant 0 : i32
      %dma_start3A_215 = tpu.memref_slice %arg7[%select_n3A, %add3A_115, %dma_start3A_214] : memref<8x128x16384xf32, #tpu.memory_space<hbm>> -> memref<1x1x16384xf32, #tpu.memory_space<hbm>>
      %dma_start3A_216 = tpu.memref_squeeze %dma_start3A_215 : memref<1x1x16384xf32, #tpu.memory_space<hbm>> -> memref<16384xf32, #tpu.memory_space<hbm>>
      tpu.enqueue_dma source(%arg15 : memref<16384xf32, #tpu.memory_space<vmem>>) target(%dma_start3A_216 : memref<16384xf32, #tpu.memory_space<hbm>>) target_semaphore(%arg26 : memref<!tpu.dma_semaphore, #tpu.memory_space<semaphore_mem>>)
      %parallel_loop3A_217 = arith.constant 0 : i32
      %parallel_loop3A_218 = arith.constant 16384 : i32
      %parallel_loop3A_219 = arith.constant 16 : i32
      scf.for %parallel_loop3A_406 = %parallel_loop3A_217 to %parallel_loop3A_218 step %parallel_loop3A_219  : i32 {
        %parallel_loop3A_407 = arith.index_cast %parallel_loop3A_406 : i32 to index
        %parallel_loop3A_408 = tpu.vector_load %arg10[%parallel_loop3A_407] {strides = array<i32>} : memref<16384xi32, #tpu.memory_space<vmem>>, vector<16xi32>,
        %parallel_loop3A_409 = tpu.vector_load_idx %arg13[%parallel_loop3A_408] : memref<2048xf32, #tpu.memory_space<vmem>>[vector<16xi32>], vector<16xf32>,
        %parallel_loop3A_410 = arith.index_cast %parallel_loop3A_406 : i32 to index
        %parallel_loop3A_411 = tpu.vector_load %arg16[%parallel_loop3A_410] {strides = array<i32>} : memref<16384xf32, #tpu.memory_space<vmem>>, vector<16xf32>,
        tpu.vector_store %arg16[%parallel_loop3A_410], %parallel_loop3A_409 {strides = array<i32>} : memref<16384xf32, #tpu.memory_space<vmem>>, vector<16xf32>,
      } {sc.loop_unroll_factor = 16 : i64, sc.parallel_access}
      %dma_start3A_220 = arith.constant 0 : i32
      %dma_start3A_221 = tpu.memref_slice %arg8[%select_n3A, %add3A_115, %dma_start3A_220] : memref<8x128x16384xf32, #tpu.memory_space<hbm>> -> memref<1x1x16384xf32, #tpu.memory_space<hbm>>
      %dma_start3A_222 = tpu.memref_squeeze %dma_start3A_221 : memref<1x1x16384xf32, #tpu.memory_space<hbm>> -> memref<16384xf32, #tpu.memory_space<hbm>>
      %dma_start3A_223 = arith.constant 0 : i32
      %dma_start3A_224 = tpu.memref_slice %arg8[%select_n3A, %add3A_115, %dma_start3A_223] : memref<8x128x16384xf32, #tpu.memory_space<hbm>> -> memref<1x1x16384xf32, #tpu.memory_space<hbm>>
      %dma_start3A_225 = tpu.memref_squeeze %dma_start3A_224 : memref<1x1x16384xf32, #tpu.memory_space<hbm>> -> memref<16384xf32, #tpu.memory_space<hbm>>
      tpu.enqueue_dma source(%arg16 : memref<16384xf32, #tpu.memory_space<vmem>>) target(%dma_start3A_225 : memref<16384xf32, #tpu.memory_space<hbm>>) target_semaphore(%arg26 : memref<!tpu.dma_semaphore, #tpu.memory_space<semaphore_mem>>)
      %parallel_loop3A_226 = arith.constant 0 : i32
      %parallel_loop3A_227 = arith.constant 2048 : i32
      %parallel_loop3A_228 = arith.constant 16 : i32
      scf.for %parallel_loop3A_406 = %parallel_loop3A_226 to %parallel_loop3A_227 step %parallel_loop3A_228  : i32 {
        %parallel_loop3A_407 = arith.index_cast %parallel_loop3A_406 : i32 to index
        %parallel_loop3A_408 = tpu.vector_load %arg12[%parallel_loop3A_407] {strides = array<i32>} : memref<2048xf32, #tpu.memory_space<vmem>>, vector<16xf32>,
        %parallel_loop3A_409 = arith.constant 0 : i32
        %parallel_loop3A_410 = arith.addi %parallel_loop3A_409, %parallel_loop3A_406 : i32
        %parallel_loop3A_411 = arith.index_cast %parallel_loop3A_410 : i32 to index
        %parallel_loop3A_412 = tpu.vector_load %arg11[%parallel_loop3A_411] {strides = array<i32>} : memref<16384xi32, #tpu.memory_space<vmem>>, vector<16xi32>,
        %parallel_loop3A_413 = tpu.vector_load_idx %arg12[%parallel_loop3A_412] : memref<2048xf32, #tpu.memory_space<vmem>>[vector<16xi32>], vector<16xf32>,
        %parallel_loop3A_414 = arith.addf %parallel_loop3A_408, %parallel_loop3A_413 : vector<16xf32>
        %parallel_loop3A_415 = arith.constant 2048 : i32
        %parallel_loop3A_416 = arith.addi %parallel_loop3A_415, %parallel_loop3A_406 : i32
        %parallel_loop3A_417 = arith.index_cast %parallel_loop3A_416 : i32 to index
        %parallel_loop3A_418 = tpu.vector_load %arg11[%parallel_loop3A_417] {strides = array<i32>} : memref<16384xi32, #tpu.memory_space<vmem>>, vector<16xi32>,
        %parallel_loop3A_419 = tpu.vector_load_idx %arg12[%parallel_loop3A_418] : memref<2048xf32, #tpu.memory_space<vmem>>[vector<16xi32>], vector<16xf32>,
        %parallel_loop3A_420 = arith.addf %parallel_loop3A_414, %parallel_loop3A_419 : vector<16xf32>
        %parallel_loop3A_421 = arith.constant 4096 : i32
        %parallel_loop3A_422 = arith.addi %parallel_loop3A_421, %parallel_loop3A_406 : i32
        %parallel_loop3A_423 = arith.index_cast %parallel_loop3A_422 : i32 to index
        %parallel_loop3A_424 = tpu.vector_load %arg11[%parallel_loop3A_423] {strides = array<i32>} : memref<16384xi32, #tpu.memory_space<vmem>>, vector<16xi32>,
        %parallel_loop3A_425 = tpu.vector_load_idx %arg12[%parallel_loop3A_424] : memref<2048xf32, #tpu.memory_space<vmem>>[vector<16xi32>], vector<16xf32>,
        %parallel_loop3A_426 = arith.addf %parallel_loop3A_420, %parallel_loop3A_425 : vector<16xf32>
        %parallel_loop3A_427 = arith.constant 6144 : i32
        %parallel_loop3A_428 = arith.addi %parallel_loop3A_427, %parallel_loop3A_406 : i32
        %parallel_loop3A_429 = arith.index_cast %parallel_loop3A_428 : i32 to index
        %parallel_loop3A_430 = tpu.vector_load %arg11[%parallel_loop3A_429] {strides = array<i32>} : memref<16384xi32, #tpu.memory_space<vmem>>, vector<16xi32>,
        %parallel_loop3A_431 = tpu.vector_load_idx %arg12[%parallel_loop3A_430] : memref<2048xf32, #tpu.memory_space<vmem>>[vector<16xi32>], vector<16xf32>,
        %parallel_loop3A_432 = arith.addf %parallel_loop3A_426, %parallel_loop3A_431 : vector<16xf32>
        %parallel_loop3A_433 = arith.constant 8192 : i32
        %parallel_loop3A_434 = arith.addi %parallel_loop3A_433, %parallel_loop3A_406 : i32
        %parallel_loop3A_435 = arith.index_cast %parallel_loop3A_434 : i32 to index
        %parallel_loop3A_436 = tpu.vector_load %arg11[%parallel_loop3A_435] {strides = array<i32>} : memref<16384xi32, #tpu.memory_space<vmem>>, vector<16xi32>,
        %parallel_loop3A_437 = tpu.vector_load_idx %arg12[%parallel_loop3A_436] : memref<2048xf32, #tpu.memory_space<vmem>>[vector<16xi32>], vector<16xf32>,
        %parallel_loop3A_438 = arith.addf %parallel_loop3A_432, %parallel_loop3A_437 : vector<16xf32>
        %parallel_loop3A_439 = arith.constant 10240 : i32
        %parallel_loop3A_440 = arith.addi %parallel_loop3A_439, %parallel_loop3A_406 : i32
        %parallel_loop3A_441 = arith.index_cast %parallel_loop3A_440 : i32 to index
        %parallel_loop3A_442 = tpu.vector_load %arg11[%parallel_loop3A_441] {strides = array<i32>} : memref<16384xi32, #tpu.memory_space<vmem>>, vector<16xi32>,
        %parallel_loop3A_443 = tpu.vector_load_idx %arg12[%parallel_loop3A_442] : memref<2048xf32, #tpu.memory_space<vmem>>[vector<16xi32>], vector<16xf32>,
        %parallel_loop3A_444 = arith.addf %parallel_loop3A_438, %parallel_loop3A_443 : vector<16xf32>
        %parallel_loop3A_445 = arith.constant 12288 : i32
        %parallel_loop3A_446 = arith.addi %parallel_loop3A_445, %parallel_loop3A_406 : i32
        %parallel_loop3A_447 = arith.index_cast %parallel_loop3A_446 : i32 to index
        %parallel_loop3A_448 = tpu.vector_load %arg11[%parallel_loop3A_447] {strides = array<i32>} : memref<16384xi32, #tpu.memory_space<vmem>>, vector<16xi32>,
        %parallel_loop3A_449 = tpu.vector_load_idx %arg12[%parallel_loop3A_448] : memref<2048xf32, #tpu.memory_space<vmem>>[vector<16xi32>], vector<16xf32>,
        %parallel_loop3A_450 = arith.addf %parallel_loop3A_444, %parallel_loop3A_449 : vector<16xf32>
        %parallel_loop3A_451 = arith.constant 14336 : i32
        %parallel_loop3A_452 = arith.addi %parallel_loop3A_451, %parallel_loop3A_406 : i32
        %parallel_loop3A_453 = arith.index_cast %parallel_loop3A_452 : i32 to index
        %parallel_loop3A_454 = tpu.vector_load %arg11[%parallel_loop3A_453] {strides = array<i32>} : memref<16384xi32, #tpu.memory_space<vmem>>, vector<16xi32>,
        %parallel_loop3A_455 = tpu.vector_load_idx %arg12[%parallel_loop3A_454] : memref<2048xf32, #tpu.memory_space<vmem>>[vector<16xi32>], vector<16xf32>,
        %parallel_loop3A_456 = arith.addf %parallel_loop3A_450, %parallel_loop3A_455 : vector<16xf32>
        %parallel_loop3A_457 = arith.constant 0.111111112 : f32
        %parallel_loop3A_458 = vector.broadcast %parallel_loop3A_457 : f32 to vector<16xf32>
        %parallel_loop3A_459 = arith.mulf %parallel_loop3A_456, %parallel_loop3A_458 : vector<16xf32>
        %parallel_loop3A_460 = arith.index_cast %parallel_loop3A_406 : i32 to index
        %parallel_loop3A_461 = tpu.vector_load %arg14[%parallel_loop3A_460] {strides = array<i32>} : memref<2048xf32, #tpu.memory_space<vmem>>, vector<16xf32>,
        %parallel_loop3A_462 = arith.addf %parallel_loop3A_459, %parallel_loop3A_461 : vector<16xf32>
        %parallel_loop3A_463 = arith.index_cast %parallel_loop3A_406 : i32 to index
        %parallel_loop3A_464 = tpu.vector_load %arg17[%parallel_loop3A_463] {strides = array<i32>} : memref<2048xf32, #tpu.memory_space<vmem>>, vector<16xf32>,
        tpu.vector_store %arg17[%parallel_loop3A_463], %parallel_loop3A_462 {strides = array<i32>} : memref<2048xf32, #tpu.memory_space<vmem>>, vector<16xf32>,
      } {sc.loop_unroll_factor = 8 : i64, sc.parallel_access}
      %dma_start3A_229 = arith.constant 0 : i32
      %dma_start3A_230 = tpu.memref_slice %arg9[%select_n3A, %add3A_115, %dma_start3A_229] : memref<8x128x2048xf32, #tpu.memory_space<hbm>> -> memref<1x1x2048xf32, #tpu.memory_space<hbm>>
      %dma_start3A_231 = tpu.memref_squeeze %dma_start3A_230 : memref<1x1x2048xf32, #tpu.memory_space<hbm>> -> memref<2048xf32, #tpu.memory_space<hbm>>
      %dma_start3A_232 = arith.constant 0 : i32
      %dma_start3A_233 = tpu.memref_slice %arg9[%select_n3A, %add3A_115, %dma_start3A_232] : memref<8x128x2048xf32, #tpu.memory_space<hbm>> -> memref<1x1x2048xf32, #tpu.memory_space<hbm>>
      %dma_start3A_234 = tpu.memref_squeeze %dma_start3A_233 : memref<1x1x2048xf32, #tpu.memory_space<hbm>> -> memref<2048xf32, #tpu.memory_space<hbm>>
      tpu.enqueue_dma source(%arg17 : memref<2048xf32, #tpu.memory_space<vmem>>) target(%dma_start3A_234 : memref<2048xf32, #tpu.memory_space<hbm>>) target_semaphore(%arg26 : memref<!tpu.dma_semaphore, #tpu.memory_space<semaphore_mem>>)
      %mul3A_235 = arith.constant 2 : i32
      %mul3A_236 = arith.muli %mul3A_235, %scan3A_80 : i32
      %add3A_237 = arith.constant 1 : i32
      %add3A_238 = arith.addi %mul3A_236, %add3A_237 : i32
      %jit3A_239 = arith.constant 4 : i32
      %div3A_240 = arith.divsi %add3A_238, %jit3A_239 : i32
      %sign3A_241 = arith.constant 0 : i32
      %sign3A_242 = arith.cmpi sgt, %add3A_238, %sign3A_241 : i32
      %sign3A_243 = arith.extui %sign3A_242 : i1 to i32
      %sign3A_244 = arith.constant 0 : i32
      %sign3A_245 = arith.cmpi slt, %add3A_238, %sign3A_244 : i32
      %sign3A_246 = arith.extui %sign3A_245 : i1 to i32
      %sign3A_247 = arith.subi %sign3A_243, %sign3A_246 : i32
      %sign3A_248 = arith.constant 0 : i32
      %sign3A_249 = arith.cmpi sgt, %jit3A_239, %sign3A_248 : i32
      %sign3A_250 = arith.extui %sign3A_249 : i1 to i32
      %sign3A_251 = arith.constant 0 : i32
      %sign3A_252 = arith.cmpi slt, %jit3A_239, %sign3A_251 : i32
      %sign3A_253 = arith.extui %sign3A_252 : i1 to i32
      %sign3A_254 = arith.subi %sign3A_250, %sign3A_253 : i32
      %ne3A_255 = arith.cmpi ne, %sign3A_247, %sign3A_254 : i32
      %rem3A_256 = arith.remsi %add3A_238, %jit3A_239 : i32
      %ne3A_257 = arith.constant 0 : i32
      %ne3A_258 = arith.cmpi ne, %rem3A_256, %ne3A_257 : i32
      %and3A_259 = arith.andi %ne3A_255, %ne3A_258 : i1
      %sub3A_260 = arith.constant 1 : i32
      %sub3A_261 = arith.subi %div3A_240, %sub3A_260 : i32
      %select_n3A_262 = arith.select %and3A_259, %sub3A_261, %div3A_240 : i32
      %mul3A_263 = arith.constant 4 : i32
      %mul3A_264 = arith.muli %add3A, %mul3A_263 : i32
      %jit3A_265 = arith.constant 4 : i32
      %eq3A_266 = arith.constant 0 : i32
      %eq3A_267 = arith.cmpi eq, %jit3A_265, %eq3A_266 : i32
      %jit3A_268 = arith.constant 1 : i32
      %select_n3A_269 = arith.select %eq3A_267, %jit3A_268, %jit3A_265 : i32
      %rem3A_270 = arith.remsi %add3A_238, %select_n3A_269 : i32
      %ne3A_271 = arith.constant 0 : i32
      %ne3A_272 = arith.cmpi ne, %rem3A_270, %ne3A_271 : i32
      %lt3A_273 = arith.constant 0 : i32
      %lt3A_274 = arith.cmpi slt, %rem3A_270, %lt3A_273 : i32
      %lt3A_275 = arith.constant 0 : i32
      %lt3A_276 = arith.cmpi slt, %select_n3A_269, %lt3A_275 : i32
      %ne3A_277 = arith.xori %lt3A_274, %lt3A_276 : i1
      %and3A_278 = arith.andi %ne3A_277, %ne3A_272 : i1
      %add3A_279 = arith.addi %rem3A_270, %select_n3A_269 : i32
      %select_n3A_280 = arith.select %and3A_278, %add3A_279, %rem3A_270 : i32
      %add3A_281 = arith.addi %mul3A_264, %select_n3A_280 : i32
      %add3A_282 = arith.constant 1 : i32
      %add3A_283 = arith.addi %add3A_238, %add3A_282 : i32
      %lt3A_284 = arith.constant 32 : i32
      %lt3A_285 = arith.cmpi slt, %add3A_283, %lt3A_284 : i32
      %convert_element_type3A_286 = arith.extui %lt3A_285 : i1 to i32
      %cond3A_287 = arith.constant 0 : i32
      %cond3A_288 = arith.cmpi ne, %convert_element_type3A_286, %cond3A_287 : i32
      scf.if %cond3A_288 {
        %add3A_406 = arith.constant 1 : i32
        %add3A_407 = arith.addi %add3A_238, %add3A_406 : i32
        %jit3A_408 = arith.constant 4 : i32
        %div3A_409 = arith.divsi %add3A_407, %jit3A_408 : i32
        %sign3A_410 = arith.constant 0 : i32
        %sign3A_411 = arith.cmpi sgt, %add3A_407, %sign3A_410 : i32
        %sign3A_412 = arith.extui %sign3A_411 : i1 to i32
        %sign3A_413 = arith.constant 0 : i32
        %sign3A_414 = arith.cmpi slt, %add3A_407, %sign3A_413 : i32
        %sign3A_415 = arith.extui %sign3A_414 : i1 to i32
        %sign3A_416 = arith.subi %sign3A_412, %sign3A_415 : i32
        %sign3A_417 = arith.constant 0 : i32
        %sign3A_418 = arith.cmpi sgt, %jit3A_408, %sign3A_417 : i32
        %sign3A_419 = arith.extui %sign3A_418 : i1 to i32
        %sign3A_420 = arith.constant 0 : i32
        %sign3A_421 = arith.cmpi slt, %jit3A_408, %sign3A_420 : i32
        %sign3A_422 = arith.extui %sign3A_421 : i1 to i32
        %sign3A_423 = arith.subi %sign3A_419, %sign3A_422 : i32
        %ne3A_424 = arith.cmpi ne, %sign3A_416, %sign3A_423 : i32
        %rem3A_425 = arith.remsi %add3A_407, %jit3A_408 : i32
        %ne3A_426 = arith.constant 0 : i32
        %ne3A_427 = arith.cmpi ne, %rem3A_425, %ne3A_426 : i32
        %and3A_428 = arith.andi %ne3A_424, %ne3A_427 : i1
        %sub3A_429 = arith.constant 1 : i32
        %sub3A_430 = arith.subi %div3A_409, %sub3A_429 : i32
        %select_n3A_431 = arith.select %and3A_428, %sub3A_430, %div3A_409 : i32
        %mul3A_432 = arith.constant 4 : i32
        %mul3A_433 = arith.muli %add3A, %mul3A_432 : i32
        %jit3A_434 = arith.constant 4 : i32
        %eq3A_435 = arith.constant 0 : i32
        %eq3A_436 = arith.cmpi eq, %jit3A_434, %eq3A_435 : i32
        %jit3A_437 = arith.constant 1 : i32
        %select_n3A_438 = arith.select %eq3A_436, %jit3A_437, %jit3A_434 : i32
        %rem3A_439 = arith.remsi %add3A_407, %select_n3A_438 : i32
        %ne3A_440 = arith.constant 0 : i32
        %ne3A_441 = arith.cmpi ne, %rem3A_439, %ne3A_440 : i32
        %lt3A_442 = arith.constant 0 : i32
        %lt3A_443 = arith.cmpi slt, %rem3A_439, %lt3A_442 : i32
        %lt3A_444 = arith.constant 0 : i32
        %lt3A_445 = arith.cmpi slt, %select_n3A_438, %lt3A_444 : i32
        %ne3A_446 = arith.xori %lt3A_443, %lt3A_445 : i1
        %and3A_447 = arith.andi %ne3A_446, %ne3A_441 : i1
        %add3A_448 = arith.addi %rem3A_439, %select_n3A_438 : i32
        %select_n3A_449 = arith.select %and3A_447, %add3A_448, %rem3A_439 : i32
        %add3A_450 = arith.addi %mul3A_433, %select_n3A_449 : i32
        %dma_start3A_451 = arith.constant 0 : i32
        %dma_start3A_452 = tpu.memref_slice %arg2[%select_n3A_431, %add3A_450, %dma_start3A_451] : memref<8x128x2048xf32, #tpu.memory_space<hbm>> -> memref<1x1x2048xf32, #tpu.memory_space<hbm>>
        %dma_start3A_453 = tpu.memref_squeeze %dma_start3A_452 : memref<1x1x2048xf32, #tpu.memory_space<hbm>> -> memref<2048xf32, #tpu.memory_space<hbm>>
        %dma_start3A_454 = arith.constant 0 : i32
        %dma_start3A_455 = tpu.memref_slice %arg2[%select_n3A_431, %add3A_450, %dma_start3A_454] : memref<8x128x2048xf32, #tpu.memory_space<hbm>> -> memref<1x1x2048xf32, #tpu.memory_space<hbm>>
        %dma_start3A_456 = tpu.memref_squeeze %dma_start3A_455 : memref<1x1x2048xf32, #tpu.memory_space<hbm>> -> memref<2048xf32, #tpu.memory_space<hbm>>
        tpu.enqueue_dma source(%dma_start3A_456 : memref<2048xf32, #tpu.memory_space<hbm>>) target(%arg12 : memref<2048xf32, #tpu.memory_space<vmem>>) target_semaphore(%arg24 : memref<!tpu.dma_semaphore, #tpu.memory_space<semaphore_mem>>)
        %dma_start3A_457 = arith.constant 0 : i32
        %dma_start3A_458 = tpu.memref_slice %arg3[%select_n3A_431, %add3A_450, %dma_start3A_457] : memref<8x128x2048xf32, #tpu.memory_space<hbm>> -> memref<1x1x2048xf32, #tpu.memory_space<hbm>>
        %dma_start3A_459 = tpu.memref_squeeze %dma_start3A_458 : memref<1x1x2048xf32, #tpu.memory_space<hbm>> -> memref<2048xf32, #tpu.memory_space<hbm>>
        %dma_start3A_460 = arith.constant 0 : i32
        %dma_start3A_461 = tpu.memref_slice %arg3[%select_n3A_431, %add3A_450, %dma_start3A_460] : memref<8x128x2048xf32, #tpu.memory_space<hbm>> -> memref<1x1x2048xf32, #tpu.memory_space<hbm>>
        %dma_start3A_462 = tpu.memref_squeeze %dma_start3A_461 : memref<1x1x2048xf32, #tpu.memory_space<hbm>> -> memref<2048xf32, #tpu.memory_space<hbm>>
        tpu.enqueue_dma source(%dma_start3A_462 : memref<2048xf32, #tpu.memory_space<hbm>>) target(%arg13 : memref<2048xf32, #tpu.memory_space<vmem>>) target_semaphore(%arg24 : memref<!tpu.dma_semaphore, #tpu.memory_space<semaphore_mem>>)
        %dma_start3A_463 = arith.constant 0 : i32
        %dma_start3A_464 = tpu.memref_slice %arg6[%select_n3A_431, %add3A_450, %dma_start3A_463] : memref<8x128x2048xf32, #tpu.memory_space<hbm>> -> memref<1x1x2048xf32, #tpu.memory_space<hbm>>
        %dma_start3A_465 = tpu.memref_squeeze %dma_start3A_464 : memref<1x1x2048xf32, #tpu.memory_space<hbm>> -> memref<2048xf32, #tpu.memory_space<hbm>>
        %dma_start3A_466 = arith.constant 0 : i32
        %dma_start3A_467 = tpu.memref_slice %arg6[%select_n3A_431, %add3A_450, %dma_start3A_466] : memref<8x128x2048xf32, #tpu.memory_space<hbm>> -> memref<1x1x2048xf32, #tpu.memory_space<hbm>>
        %dma_start3A_468 = tpu.memref_squeeze %dma_start3A_467 : memref<1x1x2048xf32, #tpu.memory_space<hbm>> -> memref<2048xf32, #tpu.memory_space<hbm>>
        tpu.enqueue_dma source(%dma_start3A_468 : memref<2048xf32, #tpu.memory_space<hbm>>) target(%arg14 : memref<2048xf32, #tpu.memory_space<vmem>>) target_semaphore(%arg24 : memref<!tpu.dma_semaphore, #tpu.memory_space<semaphore_mem>>)
      } else {
      }
      %jit3A_289 = arith.constant 4 : i32
      %eq3A_290 = arith.constant 0 : i32
      %eq3A_291 = arith.cmpi eq, %jit3A_289, %eq3A_290 : i32
      %jit3A_292 = arith.constant 1 : i32
      %select_n3A_293 = arith.select %eq3A_291, %jit3A_292, %jit3A_289 : i32
      %rem3A_294 = arith.remsi %add3A_238, %select_n3A_293 : i32
      %ne3A_295 = arith.constant 0 : i32
      %ne3A_296 = arith.cmpi ne, %rem3A_294, %ne3A_295 : i32
      %lt3A_297 = arith.constant 0 : i32
      %lt3A_298 = arith.cmpi slt, %rem3A_294, %lt3A_297 : i32
      %lt3A_299 = arith.constant 0 : i32
      %lt3A_300 = arith.cmpi slt, %select_n3A_293, %lt3A_299 : i32
      %ne3A_301 = arith.xori %lt3A_298, %lt3A_300 : i1
      %and3A_302 = arith.andi %ne3A_301, %ne3A_296 : i1
      %add3A_303 = arith.addi %rem3A_294, %select_n3A_293 : i32
      %select_n3A_304 = arith.select %and3A_302, %add3A_303, %rem3A_294 : i32
      %eq3A_305 = arith.constant 0 : i32
      %eq3A_306 = arith.cmpi eq, %select_n3A_304, %eq3A_305 : i32
      %gt3A_307 = arith.constant 0 : i32
      %gt3A_308 = arith.cmpi sgt, %add3A_238, %gt3A_307 : i32
      %and3A_309 = arith.andi %eq3A_306, %gt3A_308 : i1
      %convert_element_type3A_310 = arith.extui %and3A_309 : i1 to i32
      %cond3A_311 = arith.constant 0 : i32
      %cond3A_312 = arith.cmpi ne, %convert_element_type3A_310, %cond3A_311 : i32
      scf.if %cond3A_312 {
        %jit3A_406 = arith.constant 4 : i32
        %div3A_407 = arith.divsi %add3A_238, %jit3A_406 : i32
        %sign3A_408 = arith.constant 0 : i32
        %sign3A_409 = arith.cmpi sgt, %add3A_238, %sign3A_408 : i32
        %sign3A_410 = arith.extui %sign3A_409 : i1 to i32
        %sign3A_411 = arith.constant 0 : i32
        %sign3A_412 = arith.cmpi slt, %add3A_238, %sign3A_411 : i32
        %sign3A_413 = arith.extui %sign3A_412 : i1 to i32
        %sign3A_414 = arith.subi %sign3A_410, %sign3A_413 : i32
        %sign3A_415 = arith.constant 0 : i32
        %sign3A_416 = arith.cmpi sgt, %jit3A_406, %sign3A_415 : i32
        %sign3A_417 = arith.extui %sign3A_416 : i1 to i32
        %sign3A_418 = arith.constant 0 : i32
        %sign3A_419 = arith.cmpi slt, %jit3A_406, %sign3A_418 : i32
        %sign3A_420 = arith.extui %sign3A_419 : i1 to i32
        %sign3A_421 = arith.subi %sign3A_417, %sign3A_420 : i32
        %ne3A_422 = arith.cmpi ne, %sign3A_414, %sign3A_421 : i32
        %rem3A_423 = arith.remsi %add3A_238, %jit3A_406 : i32
        %ne3A_424 = arith.constant 0 : i32
        %ne3A_425 = arith.cmpi ne, %rem3A_423, %ne3A_424 : i32
        %and3A_426 = arith.andi %ne3A_422, %ne3A_425 : i1
        %sub3A_427 = arith.constant 1 : i32
        %sub3A_428 = arith.subi %div3A_407, %sub3A_427 : i32
        %select_n3A_429 = arith.select %and3A_426, %sub3A_428, %div3A_407 : i32
        "tpu.region"() ({
          %run_scoped3A_430 = tpu.sem_alloc : memref<!tpu.dma_semaphore, #tpu.memory_space<semaphore_mem>>
          %dma_start3A_431 = arith.constant 0 : i32
          %dma_start3A_432 = tpu.memref_slice %arg4[%select_n3A_429, %dma_start3A_431] : memref<8x16384xi32, #tpu.memory_space<hbm>> -> memref<1x16384xi32, #tpu.memory_space<hbm>>
          %dma_start3A_433 = tpu.memref_squeeze %dma_start3A_432 : memref<1x16384xi32, #tpu.memory_space<hbm>> -> memref<16384xi32, #tpu.memory_space<hbm>>
          %dma_start3A_434 = arith.constant 0 : i32
          %dma_start3A_435 = tpu.memref_slice %arg4[%select_n3A_429, %dma_start3A_434] : memref<8x16384xi32, #tpu.memory_space<hbm>> -> memref<1x16384xi32, #tpu.memory_space<hbm>>
          %dma_start3A_436 = tpu.memref_squeeze %dma_start3A_435 : memref<1x16384xi32, #tpu.memory_space<hbm>> -> memref<16384xi32, #tpu.memory_space<hbm>>
          tpu.enqueue_dma source(%dma_start3A_436 : memref<16384xi32, #tpu.memory_space<hbm>>) target(%arg10 : memref<16384xi32, #tpu.memory_space<vmem>>) target_semaphore(%run_scoped3A_430 : memref<!tpu.dma_semaphore, #tpu.memory_space<semaphore_mem>>)
          %dma_wait3A_437 = arith.constant 0 : i32
          %dma_wait3A_438 = tpu.memref_slice %arg4[%select_n3A_429, %dma_wait3A_437] : memref<8x16384xi32, #tpu.memory_space<hbm>> -> memref<1x16384xi32, #tpu.memory_space<hbm>>
          %dma_wait3A_439 = tpu.memref_squeeze %dma_wait3A_438 : memref<1x16384xi32, #tpu.memory_space<hbm>> -> memref<16384xi32, #tpu.memory_space<hbm>>
          %dma_wait3A_440 = arith.constant 0 : i32
          %dma_wait3A_441 = tpu.memref_slice %arg4[%select_n3A_429, %dma_wait3A_440] : memref<8x16384xi32, #tpu.memory_space<hbm>> -> memref<1x16384xi32, #tpu.memory_space<hbm>>
          %dma_wait3A_442 = tpu.memref_squeeze %dma_wait3A_441 : memref<1x16384xi32, #tpu.memory_space<hbm>> -> memref<16384xi32, #tpu.memory_space<hbm>>
          tpu.wait_dma2 semaphore(%run_scoped3A_430 : memref<!tpu.dma_semaphore, #tpu.memory_space<semaphore_mem>>) src(%dma_wait3A_442 : memref<16384xi32, #tpu.memory_space<hbm>>) dst(%arg10 : memref<16384xi32, #tpu.memory_space<vmem>>)
          tpu.yield
        }) : () -> ()
        "tpu.region"() ({
          %run_scoped3A_430 = tpu.sem_alloc : memref<!tpu.dma_semaphore, #tpu.memory_space<semaphore_mem>>
          %dma_start3A_431 = arith.constant 0 : i32
          %dma_start3A_432 = tpu.memref_slice %arg5[%select_n3A_429, %dma_start3A_431] : memref<8x16384xi32, #tpu.memory_space<hbm>> -> memref<1x16384xi32, #tpu.memory_space<hbm>>
          %dma_start3A_433 = tpu.memref_squeeze %dma_start3A_432 : memref<1x16384xi32, #tpu.memory_space<hbm>> -> memref<16384xi32, #tpu.memory_space<hbm>>
          %dma_start3A_434 = arith.constant 0 : i32
          %dma_start3A_435 = tpu.memref_slice %arg5[%select_n3A_429, %dma_start3A_434] : memref<8x16384xi32, #tpu.memory_space<hbm>> -> memref<1x16384xi32, #tpu.memory_space<hbm>>
          %dma_start3A_436 = tpu.memref_squeeze %dma_start3A_435 : memref<1x16384xi32, #tpu.memory_space<hbm>> -> memref<16384xi32, #tpu.memory_space<hbm>>
          tpu.enqueue_dma source(%dma_start3A_436 : memref<16384xi32, #tpu.memory_space<hbm>>) target(%arg11 : memref<16384xi32, #tpu.memory_space<vmem>>) target_semaphore(%run_scoped3A_430 : memref<!tpu.dma_semaphore, #tpu.memory_space<semaphore_mem>>)
          %dma_wait3A_437 = arith.constant 0 : i32
          %dma_wait3A_438 = tpu.memref_slice %arg5[%select_n3A_429, %dma_wait3A_437] : memref<8x16384xi32, #tpu.memory_space<hbm>> -> memref<1x16384xi32, #tpu.memory_space<hbm>>
          %dma_wait3A_439 = tpu.memref_squeeze %dma_wait3A_438 : memref<1x16384xi32, #tpu.memory_space<hbm>> -> memref<16384xi32, #tpu.memory_space<hbm>>
          %dma_wait3A_440 = arith.constant 0 : i32
          %dma_wait3A_441 = tpu.memref_slice %arg5[%select_n3A_429, %dma_wait3A_440] : memref<8x16384xi32, #tpu.memory_space<hbm>> -> memref<1x16384xi32, #tpu.memory_space<hbm>>
          %dma_wait3A_442 = tpu.memref_squeeze %dma_wait3A_441 : memref<1x16384xi32, #tpu.memory_space<hbm>> -> memref<16384xi32, #tpu.memory_space<hbm>>
          tpu.wait_dma2 semaphore(%run_scoped3A_430 : memref<!tpu.dma_semaphore, #tpu.memory_space<semaphore_mem>>) src(%dma_wait3A_442 : memref<16384xi32, #tpu.memory_space<hbm>>) dst(%arg11 : memref<16384xi32, #tpu.memory_space<vmem>>)
          tpu.yield
        }) : () -> ()
      } else {
      }
      %jit3A_313 = arith.constant 4 : i32
      %div3A_314 = arith.divsi %add3A_238, %jit3A_313 : i32
      %sign3A_315 = arith.constant 0 : i32
      %sign3A_316 = arith.cmpi sgt, %add3A_238, %sign3A_315 : i32
      %sign3A_317 = arith.extui %sign3A_316 : i1 to i32
      %sign3A_318 = arith.constant 0 : i32
      %sign3A_319 = arith.cmpi slt, %add3A_238, %sign3A_318 : i32
      %sign3A_320 = arith.extui %sign3A_319 : i1 to i32
      %sign3A_321 = arith.subi %sign3A_317, %sign3A_320 : i32
      %sign3A_322 = arith.constant 0 : i32
      %sign3A_323 = arith.cmpi sgt, %jit3A_313, %sign3A_322 : i32
      %sign3A_324 = arith.extui %sign3A_323 : i1 to i32
      %sign3A_325 = arith.constant 0 : i32
      %sign3A_326 = arith.cmpi slt, %jit3A_313, %sign3A_325 : i32
      %sign3A_327 = arith.extui %sign3A_326 : i1 to i32
      %sign3A_328 = arith.subi %sign3A_324, %sign3A_327 : i32
      %ne3A_329 = arith.cmpi ne, %sign3A_321, %sign3A_328 : i32
      %rem3A_330 = arith.remsi %add3A_238, %jit3A_313 : i32
      %ne3A_331 = arith.constant 0 : i32
      %ne3A_332 = arith.cmpi ne, %rem3A_330, %ne3A_331 : i32
      %and3A_333 = arith.andi %ne3A_329, %ne3A_332 : i1
      %sub3A_334 = arith.constant 1 : i32
      %sub3A_335 = arith.subi %div3A_314, %sub3A_334 : i32
      %select_n3A_336 = arith.select %and3A_333, %sub3A_335, %div3A_314 : i32
      %mul3A_337 = arith.constant 4 : i32
      %mul3A_338 = arith.muli %add3A, %mul3A_337 : i32
      %jit3A_339 = arith.constant 4 : i32
      %eq3A_340 = arith.constant 0 : i32
      %eq3A_341 = arith.cmpi eq, %jit3A_339, %eq3A_340 : i32
      %jit3A_342 = arith.constant 1 : i32
      %select_n3A_343 = arith.select %eq3A_341, %jit3A_342, %jit3A_339 : i32
      %rem3A_344 = arith.remsi %add3A_238, %select_n3A_343 : i32
      %ne3A_345 = arith.constant 0 : i32
      %ne3A_346 = arith.cmpi ne, %rem3A_344, %ne3A_345 : i32
      %lt3A_347 = arith.constant 0 : i32
      %lt3A_348 = arith.cmpi slt, %rem3A_344, %lt3A_347 : i32
      %lt3A_349 = arith.constant 0 : i32
      %lt3A_350 = arith.cmpi slt, %select_n3A_343, %lt3A_349 : i32
      %ne3A_351 = arith.xori %lt3A_348, %lt3A_350 : i1
      %and3A_352 = arith.andi %ne3A_351, %ne3A_346 : i1
      %add3A_353 = arith.addi %rem3A_344, %select_n3A_343 : i32
      %select_n3A_354 = arith.select %and3A_352, %add3A_353, %rem3A_344 : i32
      %add3A_355 = arith.addi %mul3A_338, %select_n3A_354 : i32
      %dma_wait3A_356 = arith.constant 0 : i32
      %dma_wait3A_357 = tpu.memref_slice %arg2[%select_n3A_336, %add3A_355, %dma_wait3A_356] : memref<8x128x2048xf32, #tpu.memory_space<hbm>> -> memref<1x1x2048xf32, #tpu.memory_space<hbm>>
      %dma_wait3A_358 = tpu.memref_squeeze %dma_wait3A_357 : memref<1x1x2048xf32, #tpu.memory_space<hbm>> -> memref<2048xf32, #tpu.memory_space<hbm>>
      %dma_wait3A_359 = arith.constant 0 : i32
      %dma_wait3A_360 = tpu.memref_slice %arg2[%select_n3A_336, %add3A_355, %dma_wait3A_359] : memref<8x128x2048xf32, #tpu.memory_space<hbm>> -> memref<1x1x2048xf32, #tpu.memory_space<hbm>>
      %dma_wait3A_361 = tpu.memref_squeeze %dma_wait3A_360 : memref<1x1x2048xf32, #tpu.memory_space<hbm>> -> memref<2048xf32, #tpu.memory_space<hbm>>
      tpu.wait_dma2 semaphore(%arg25 : memref<!tpu.dma_semaphore, #tpu.memory_space<semaphore_mem>>) src(%dma_wait3A_361 : memref<2048xf32, #tpu.memory_space<hbm>>) dst(%arg18 : memref<2048xf32, #tpu.memory_space<vmem>>)
      %dma_wait3A_362 = arith.constant 0 : i32
      %dma_wait3A_363 = tpu.memref_slice %arg3[%select_n3A_336, %add3A_355, %dma_wait3A_362] : memref<8x128x2048xf32, #tpu.memory_space<hbm>> -> memref<1x1x2048xf32, #tpu.memory_space<hbm>>
      %dma_wait3A_364 = tpu.memref_squeeze %dma_wait3A_363 : memref<1x1x2048xf32, #tpu.memory_space<hbm>> -> memref<2048xf32, #tpu.memory_space<hbm>>
      %dma_wait3A_365 = arith.constant 0 : i32
      %dma_wait3A_366 = tpu.memref_slice %arg3[%select_n3A_336, %add3A_355, %dma_wait3A_365] : memref<8x128x2048xf32, #tpu.memory_space<hbm>> -> memref<1x1x2048xf32, #tpu.memory_space<hbm>>
      %dma_wait3A_367 = tpu.memref_squeeze %dma_wait3A_366 : memref<1x1x2048xf32, #tpu.memory_space<hbm>> -> memref<2048xf32, #tpu.memory_space<hbm>>
      tpu.wait_dma2 semaphore(%arg25 : memref<!tpu.dma_semaphore, #tpu.memory_space<semaphore_mem>>) src(%dma_wait3A_367 : memref<2048xf32, #tpu.memory_space<hbm>>) dst(%arg19 : memref<2048xf32, #tpu.memory_space<vmem>>)
      %dma_wait3A_368 = arith.constant 0 : i32
      %dma_wait3A_369 = tpu.memref_slice %arg6[%select_n3A_336, %add3A_355, %dma_wait3A_368] : memref<8x128x2048xf32, #tpu.memory_space<hbm>> -> memref<1x1x2048xf32, #tpu.memory_space<hbm>>
      %dma_wait3A_370 = tpu.memref_squeeze %dma_wait3A_369 : memref<1x1x2048xf32, #tpu.memory_space<hbm>> -> memref<2048xf32, #tpu.memory_space<hbm>>
      %dma_wait3A_371 = arith.constant 0 : i32
      %dma_wait3A_372 = tpu.memref_slice %arg6[%select_n3A_336, %add3A_355, %dma_wait3A_371] : memref<8x128x2048xf32, #tpu.memory_space<hbm>> -> memref<1x1x2048xf32, #tpu.memory_space<hbm>>
      %dma_wait3A_373 = tpu.memref_squeeze %dma_wait3A_372 : memref<1x1x2048xf32, #tpu.memory_space<hbm>> -> memref<2048xf32, #tpu.memory_space<hbm>>
      tpu.wait_dma2 semaphore(%arg25 : memref<!tpu.dma_semaphore, #tpu.memory_space<semaphore_mem>>) src(%dma_wait3A_373 : memref<2048xf32, #tpu.memory_space<hbm>>) dst(%arg20 : memref<2048xf32, #tpu.memory_space<vmem>>)
      %ge3A_374 = arith.constant 2 : i32
      %ge3A_375 = arith.cmpi sge, %add3A_238, %ge3A_374 : i32
      %convert_element_type3A_376 = arith.extui %ge3A_375 : i1 to i32
      %cond3A_377 = arith.constant 0 : i32
      %cond3A_378 = arith.cmpi ne, %convert_element_type3A_376, %cond3A_377 : i32
      scf.if %cond3A_378 {
        %sub3A_406 = arith.constant 2 : i32
        %sub3A_407 = arith.subi %add3A_238, %sub3A_406 : i32
        %jit3A_408 = arith.constant 4 : i32
        %div3A_409 = arith.divsi %sub3A_407, %jit3A_408 : i32
        %sign3A_410 = arith.constant 0 : i32
        %sign3A_411 = arith.cmpi sgt, %sub3A_407, %sign3A_410 : i32
        %sign3A_412 = arith.extui %sign3A_411 : i1 to i32
        %sign3A_413 = arith.constant 0 : i32
        %sign3A_414 = arith.cmpi slt, %sub3A_407, %sign3A_413 : i32
        %sign3A_415 = arith.extui %sign3A_414 : i1 to i32
        %sign3A_416 = arith.subi %sign3A_412, %sign3A_415 : i32
        %sign3A_417 = arith.constant 0 : i32
        %sign3A_418 = arith.cmpi sgt, %jit3A_408, %sign3A_417 : i32
        %sign3A_419 = arith.extui %sign3A_418 : i1 to i32
        %sign3A_420 = arith.constant 0 : i32
        %sign3A_421 = arith.cmpi slt, %jit3A_408, %sign3A_420 : i32
        %sign3A_422 = arith.extui %sign3A_421 : i1 to i32
        %sign3A_423 = arith.subi %sign3A_419, %sign3A_422 : i32
        %ne3A_424 = arith.cmpi ne, %sign3A_416, %sign3A_423 : i32
        %rem3A_425 = arith.remsi %sub3A_407, %jit3A_408 : i32
        %ne3A_426 = arith.constant 0 : i32
        %ne3A_427 = arith.cmpi ne, %rem3A_425, %ne3A_426 : i32
        %and3A_428 = arith.andi %ne3A_424, %ne3A_427 : i1
        %sub3A_429 = arith.constant 1 : i32
        %sub3A_430 = arith.subi %div3A_409, %sub3A_429 : i32
        %select_n3A_431 = arith.select %and3A_428, %sub3A_430, %div3A_409 : i32
        %mul3A_432 = arith.constant 4 : i32
        %mul3A_433 = arith.muli %add3A, %mul3A_432 : i32
        %jit3A_434 = arith.constant 4 : i32
        %eq3A_435 = arith.constant 0 : i32
        %eq3A_436 = arith.cmpi eq, %jit3A_434, %eq3A_435 : i32
        %jit3A_437 = arith.constant 1 : i32
        %select_n3A_438 = arith.select %eq3A_436, %jit3A_437, %jit3A_434 : i32
        %rem3A_439 = arith.remsi %sub3A_407, %select_n3A_438 : i32
        %ne3A_440 = arith.constant 0 : i32
        %ne3A_441 = arith.cmpi ne, %rem3A_439, %ne3A_440 : i32
        %lt3A_442 = arith.constant 0 : i32
        %lt3A_443 = arith.cmpi slt, %rem3A_439, %lt3A_442 : i32
        %lt3A_444 = arith.constant 0 : i32
        %lt3A_445 = arith.cmpi slt, %select_n3A_438, %lt3A_444 : i32
        %ne3A_446 = arith.xori %lt3A_443, %lt3A_445 : i1
        %and3A_447 = arith.andi %ne3A_446, %ne3A_441 : i1
        %add3A_448 = arith.addi %rem3A_439, %select_n3A_438 : i32
        %select_n3A_449 = arith.select %and3A_447, %add3A_448, %rem3A_439 : i32
        %add3A_450 = arith.addi %mul3A_433, %select_n3A_449 : i32
        %dma_wait3A_451 = arith.constant 0 : i32
        %dma_wait3A_452 = tpu.memref_slice %arg7[%select_n3A_431, %add3A_450, %dma_wait3A_451] : memref<8x128x16384xf32, #tpu.memory_space<hbm>> -> memref<1x1x16384xf32, #tpu.memory_space<hbm>>
        %dma_wait3A_453 = tpu.memref_squeeze %dma_wait3A_452 : memref<1x1x16384xf32, #tpu.memory_space<hbm>> -> memref<16384xf32, #tpu.memory_space<hbm>>
        %dma_wait3A_454 = arith.constant 0 : i32
        %dma_wait3A_455 = tpu.memref_slice %arg7[%select_n3A_431, %add3A_450, %dma_wait3A_454] : memref<8x128x16384xf32, #tpu.memory_space<hbm>> -> memref<1x1x16384xf32, #tpu.memory_space<hbm>>
        %dma_wait3A_456 = tpu.memref_squeeze %dma_wait3A_455 : memref<1x1x16384xf32, #tpu.memory_space<hbm>> -> memref<16384xf32, #tpu.memory_space<hbm>>
        tpu.wait_dma2 semaphore(%arg27 : memref<!tpu.dma_semaphore, #tpu.memory_space<semaphore_mem>>) src(%arg21 : memref<16384xf32, #tpu.memory_space<vmem>>) dst(%dma_wait3A_456 : memref<16384xf32, #tpu.memory_space<hbm>>)
        %dma_wait3A_457 = arith.constant 0 : i32
        %dma_wait3A_458 = tpu.memref_slice %arg8[%select_n3A_431, %add3A_450, %dma_wait3A_457] : memref<8x128x16384xf32, #tpu.memory_space<hbm>> -> memref<1x1x16384xf32, #tpu.memory_space<hbm>>
        %dma_wait3A_459 = tpu.memref_squeeze %dma_wait3A_458 : memref<1x1x16384xf32, #tpu.memory_space<hbm>> -> memref<16384xf32, #tpu.memory_space<hbm>>
        %dma_wait3A_460 = arith.constant 0 : i32
        %dma_wait3A_461 = tpu.memref_slice %arg8[%select_n3A_431, %add3A_450, %dma_wait3A_460] : memref<8x128x16384xf32, #tpu.memory_space<hbm>> -> memref<1x1x16384xf32, #tpu.memory_space<hbm>>
        %dma_wait3A_462 = tpu.memref_squeeze %dma_wait3A_461 : memref<1x1x16384xf32, #tpu.memory_space<hbm>> -> memref<16384xf32, #tpu.memory_space<hbm>>
        tpu.wait_dma2 semaphore(%arg27 : memref<!tpu.dma_semaphore, #tpu.memory_space<semaphore_mem>>) src(%arg22 : memref<16384xf32, #tpu.memory_space<vmem>>) dst(%dma_wait3A_462 : memref<16384xf32, #tpu.memory_space<hbm>>)
        %dma_wait3A_463 = arith.constant 0 : i32
        %dma_wait3A_464 = tpu.memref_slice %arg9[%select_n3A_431, %add3A_450, %dma_wait3A_463] : memref<8x128x2048xf32, #tpu.memory_space<hbm>> -> memref<1x1x2048xf32, #tpu.memory_space<hbm>>
        %dma_wait3A_465 = tpu.memref_squeeze %dma_wait3A_464 : memref<1x1x2048xf32, #tpu.memory_space<hbm>> -> memref<2048xf32, #tpu.memory_space<hbm>>
        %dma_wait3A_466 = arith.constant 0 : i32
        %dma_wait3A_467 = tpu.memref_slice %arg9[%select_n3A_431, %add3A_450, %dma_wait3A_466] : memref<8x128x2048xf32, #tpu.memory_space<hbm>> -> memref<1x1x2048xf32, #tpu.memory_space<hbm>>
        %dma_wait3A_468 = tpu.memref_squeeze %dma_wait3A_467 : memref<1x1x2048xf32, #tpu.memory_space<hbm>> -> memref<2048xf32, #tpu.memory_space<hbm>>
        tpu.wait_dma2 semaphore(%arg27 : memref<!tpu.dma_semaphore, #tpu.memory_space<semaphore_mem>>) src(%arg23 : memref<2048xf32, #tpu.memory_space<vmem>>) dst(%dma_wait3A_468 : memref<2048xf32, #tpu.memory_space<hbm>>)
      } else {
      }
      %parallel_loop3A_379 = arith.constant 0 : i32
      %parallel_loop3A_380 = arith.constant 16384 : i32
      %parallel_loop3A_381 = arith.constant 16 : i32
      scf.for %parallel_loop3A_406 = %parallel_loop3A_379 to %parallel_loop3A_380 step %parallel_loop3A_381  : i32 {
        %parallel_loop3A_407 = arith.index_cast %parallel_loop3A_406 : i32 to index
        %parallel_loop3A_408 = tpu.vector_load %arg10[%parallel_loop3A_407] {strides = array<i32>} : memref<16384xi32, #tpu.memory_space<vmem>>, vector<16xi32>,
        %parallel_loop3A_409 = tpu.vector_load_idx %arg18[%parallel_loop3A_408] : memref<2048xf32, #tpu.memory_space<vmem>>[vector<16xi32>], vector<16xf32>,
        %parallel_loop3A_410 = arith.index_cast %parallel_loop3A_406 : i32 to index
        %parallel_loop3A_411 = tpu.vector_load %arg21[%parallel_loop3A_410] {strides = array<i32>} : memref<16384xf32, #tpu.memory_space<vmem>>, vector<16xf32>,
        tpu.vector_store %arg21[%parallel_loop3A_410], %parallel_loop3A_409 {strides = array<i32>} : memref<16384xf32, #tpu.memory_space<vmem>>, vector<16xf32>,
      } {sc.loop_unroll_factor = 16 : i64, sc.parallel_access}
      %dma_start3A_382 = arith.constant 0 : i32
      %dma_start3A_383 = tpu.memref_slice %arg7[%select_n3A_262, %add3A_281, %dma_start3A_382] : memref<8x128x16384xf32, #tpu.memory_space<hbm>> -> memref<1x1x16384xf32, #tpu.memory_space<hbm>>
      %dma_start3A_384 = tpu.memref_squeeze %dma_start3A_383 : memref<1x1x16384xf32, #tpu.memory_space<hbm>> -> memref<16384xf32, #tpu.memory_space<hbm>>
      %dma_start3A_385 = arith.constant 0 : i32
      %dma_start3A_386 = tpu.memref_slice %arg7[%select_n3A_262, %add3A_281, %dma_start3A_385] : memref<8x128x16384xf32, #tpu.memory_space<hbm>> -> memref<1x1x16384xf32, #tpu.memory_space<hbm>>
      %dma_start3A_387 = tpu.memref_squeeze %dma_start3A_386 : memref<1x1x16384xf32, #tpu.memory_space<hbm>> -> memref<16384xf32, #tpu.memory_space<hbm>>
      tpu.enqueue_dma source(%arg21 : memref<16384xf32, #tpu.memory_space<vmem>>) target(%dma_start3A_387 : memref<16384xf32, #tpu.memory_space<hbm>>) target_semaphore(%arg27 : memref<!tpu.dma_semaphore, #tpu.memory_space<semaphore_mem>>)
      %parallel_loop3A_388 = arith.constant 0 : i32
      %parallel_loop3A_389 = arith.constant 16384 : i32
      %parallel_loop3A_390 = arith.constant 16 : i32
      scf.for %parallel_loop3A_406 = %parallel_loop3A_388 to %parallel_loop3A_389 step %parallel_loop3A_390  : i32 {
        %parallel_loop3A_407 = arith.index_cast %parallel_loop3A_406 : i32 to index
        %parallel_loop3A_408 = tpu.vector_load %arg10[%parallel_loop3A_407] {strides = array<i32>} : memref<16384xi32, #tpu.memory_space<vmem>>, vector<16xi32>,
        %parallel_loop3A_409 = tpu.vector_load_idx %arg19[%parallel_loop3A_408] : memref<2048xf32, #tpu.memory_space<vmem>>[vector<16xi32>], vector<16xf32>,
        %parallel_loop3A_410 = arith.index_cast %parallel_loop3A_406 : i32 to index
        %parallel_loop3A_411 = tpu.vector_load %arg22[%parallel_loop3A_410] {strides = array<i32>} : memref<16384xf32, #tpu.memory_space<vmem>>, vector<16xf32>,
        tpu.vector_store %arg22[%parallel_loop3A_410], %parallel_loop3A_409 {strides = array<i32>} : memref<16384xf32, #tpu.memory_space<vmem>>, vector<16xf32>,
      } {sc.loop_unroll_factor = 16 : i64, sc.parallel_access}
      %dma_start3A_391 = arith.constant 0 : i32
      %dma_start3A_392 = tpu.memref_slice %arg8[%select_n3A_262, %add3A_281, %dma_start3A_391] : memref<8x128x16384xf32, #tpu.memory_space<hbm>> -> memref<1x1x16384xf32, #tpu.memory_space<hbm>>
      %dma_start3A_393 = tpu.memref_squeeze %dma_start3A_392 : memref<1x1x16384xf32, #tpu.memory_space<hbm>> -> memref<16384xf32, #tpu.memory_space<hbm>>
      %dma_start3A_394 = arith.constant 0 : i32
      %dma_start3A_395 = tpu.memref_slice %arg8[%select_n3A_262, %add3A_281, %dma_start3A_394] : memref<8x128x16384xf32, #tpu.memory_space<hbm>> -> memref<1x1x16384xf32, #tpu.memory_space<hbm>>
      %dma_start3A_396 = tpu.memref_squeeze %dma_start3A_395 : memref<1x1x16384xf32, #tpu.memory_space<hbm>> -> memref<16384xf32, #tpu.memory_space<hbm>>
      tpu.enqueue_dma source(%arg22 : memref<16384xf32, #tpu.memory_space<vmem>>) target(%dma_start3A_396 : memref<16384xf32, #tpu.memory_space<hbm>>) target_semaphore(%arg27 : memref<!tpu.dma_semaphore, #tpu.memory_space<semaphore_mem>>)
      %parallel_loop3A_397 = arith.constant 0 : i32
      %parallel_loop3A_398 = arith.constant 2048 : i32
      %parallel_loop3A_399 = arith.constant 16 : i32
      scf.for %parallel_loop3A_406 = %parallel_loop3A_397 to %parallel_loop3A_398 step %parallel_loop3A_399  : i32 {
        %parallel_loop3A_407 = arith.index_cast %parallel_loop3A_406 : i32 to index
        %parallel_loop3A_408 = tpu.vector_load %arg18[%parallel_loop3A_407] {strides = array<i32>} : memref<2048xf32, #tpu.memory_space<vmem>>, vector<16xf32>,
        %parallel_loop3A_409 = arith.constant 0 : i32
        %parallel_loop3A_410 = arith.addi %parallel_loop3A_409, %parallel_loop3A_406 : i32
        %parallel_loop3A_411 = arith.index_cast %parallel_loop3A_410 : i32 to index
        %parallel_loop3A_412 = tpu.vector_load %arg11[%parallel_loop3A_411] {strides = array<i32>} : memref<16384xi32, #tpu.memory_space<vmem>>, vector<16xi32>,
        %parallel_loop3A_413 = tpu.vector_load_idx %arg18[%parallel_loop3A_412] : memref<2048xf32, #tpu.memory_space<vmem>>[vector<16xi32>], vector<16xf32>,
        %parallel_loop3A_414 = arith.addf %parallel_loop3A_408, %parallel_loop3A_413 : vector<16xf32>
        %parallel_loop3A_415 = arith.constant 2048 : i32
        %parallel_loop3A_416 = arith.addi %parallel_loop3A_415, %parallel_loop3A_406 : i32
        %parallel_loop3A_417 = arith.index_cast %parallel_loop3A_416 : i32 to index
        %parallel_loop3A_418 = tpu.vector_load %arg11[%parallel_loop3A_417] {strides = array<i32>} : memref<16384xi32, #tpu.memory_space<vmem>>, vector<16xi32>,
        %parallel_loop3A_419 = tpu.vector_load_idx %arg18[%parallel_loop3A_418] : memref<2048xf32, #tpu.memory_space<vmem>>[vector<16xi32>], vector<16xf32>,
        %parallel_loop3A_420 = arith.addf %parallel_loop3A_414, %parallel_loop3A_419 : vector<16xf32>
        %parallel_loop3A_421 = arith.constant 4096 : i32
        %parallel_loop3A_422 = arith.addi %parallel_loop3A_421, %parallel_loop3A_406 : i32
        %parallel_loop3A_423 = arith.index_cast %parallel_loop3A_422 : i32 to index
        %parallel_loop3A_424 = tpu.vector_load %arg11[%parallel_loop3A_423] {strides = array<i32>} : memref<16384xi32, #tpu.memory_space<vmem>>, vector<16xi32>,
        %parallel_loop3A_425 = tpu.vector_load_idx %arg18[%parallel_loop3A_424] : memref<2048xf32, #tpu.memory_space<vmem>>[vector<16xi32>], vector<16xf32>,
        %parallel_loop3A_426 = arith.addf %parallel_loop3A_420, %parallel_loop3A_425 : vector<16xf32>
        %parallel_loop3A_427 = arith.constant 6144 : i32
        %parallel_loop3A_428 = arith.addi %parallel_loop3A_427, %parallel_loop3A_406 : i32
        %parallel_loop3A_429 = arith.index_cast %parallel_loop3A_428 : i32 to index
        %parallel_loop3A_430 = tpu.vector_load %arg11[%parallel_loop3A_429] {strides = array<i32>} : memref<16384xi32, #tpu.memory_space<vmem>>, vector<16xi32>,
        %parallel_loop3A_431 = tpu.vector_load_idx %arg18[%parallel_loop3A_430] : memref<2048xf32, #tpu.memory_space<vmem>>[vector<16xi32>], vector<16xf32>,
        %parallel_loop3A_432 = arith.addf %parallel_loop3A_426, %parallel_loop3A_431 : vector<16xf32>
        %parallel_loop3A_433 = arith.constant 8192 : i32
        %parallel_loop3A_434 = arith.addi %parallel_loop3A_433, %parallel_loop3A_406 : i32
        %parallel_loop3A_435 = arith.index_cast %parallel_loop3A_434 : i32 to index
        %parallel_loop3A_436 = tpu.vector_load %arg11[%parallel_loop3A_435] {strides = array<i32>} : memref<16384xi32, #tpu.memory_space<vmem>>, vector<16xi32>,
        %parallel_loop3A_437 = tpu.vector_load_idx %arg18[%parallel_loop3A_436] : memref<2048xf32, #tpu.memory_space<vmem>>[vector<16xi32>], vector<16xf32>,
        %parallel_loop3A_438 = arith.addf %parallel_loop3A_432, %parallel_loop3A_437 : vector<16xf32>
        %parallel_loop3A_439 = arith.constant 10240 : i32
        %parallel_loop3A_440 = arith.addi %parallel_loop3A_439, %parallel_loop3A_406 : i32
        %parallel_loop3A_441 = arith.index_cast %parallel_loop3A_440 : i32 to index
        %parallel_loop3A_442 = tpu.vector_load %arg11[%parallel_loop3A_441] {strides = array<i32>} : memref<16384xi32, #tpu.memory_space<vmem>>, vector<16xi32>,
        %parallel_loop3A_443 = tpu.vector_load_idx %arg18[%parallel_loop3A_442] : memref<2048xf32, #tpu.memory_space<vmem>>[vector<16xi32>], vector<16xf32>,
        %parallel_loop3A_444 = arith.addf %parallel_loop3A_438, %parallel_loop3A_443 : vector<16xf32>
        %parallel_loop3A_445 = arith.constant 12288 : i32
        %parallel_loop3A_446 = arith.addi %parallel_loop3A_445, %parallel_loop3A_406 : i32
        %parallel_loop3A_447 = arith.index_cast %parallel_loop3A_446 : i32 to index
        %parallel_loop3A_448 = tpu.vector_load %arg11[%parallel_loop3A_447] {strides = array<i32>} : memref<16384xi32, #tpu.memory_space<vmem>>, vector<16xi32>,
        %parallel_loop3A_449 = tpu.vector_load_idx %arg18[%parallel_loop3A_448] : memref<2048xf32, #tpu.memory_space<vmem>>[vector<16xi32>], vector<16xf32>,
        %parallel_loop3A_450 = arith.addf %parallel_loop3A_444, %parallel_loop3A_449 : vector<16xf32>
        %parallel_loop3A_451 = arith.constant 14336 : i32
        %parallel_loop3A_452 = arith.addi %parallel_loop3A_451, %parallel_loop3A_406 : i32
        %parallel_loop3A_453 = arith.index_cast %parallel_loop3A_452 : i32 to index
        %parallel_loop3A_454 = tpu.vector_load %arg11[%parallel_loop3A_453] {strides = array<i32>} : memref<16384xi32, #tpu.memory_space<vmem>>, vector<16xi32>,
        %parallel_loop3A_455 = tpu.vector_load_idx %arg18[%parallel_loop3A_454] : memref<2048xf32, #tpu.memory_space<vmem>>[vector<16xi32>], vector<16xf32>,
        %parallel_loop3A_456 = arith.addf %parallel_loop3A_450, %parallel_loop3A_455 : vector<16xf32>
        %parallel_loop3A_457 = arith.constant 0.111111112 : f32
        %parallel_loop3A_458 = vector.broadcast %parallel_loop3A_457 : f32 to vector<16xf32>
        %parallel_loop3A_459 = arith.mulf %parallel_loop3A_456, %parallel_loop3A_458 : vector<16xf32>
        %parallel_loop3A_460 = arith.index_cast %parallel_loop3A_406 : i32 to index
        %parallel_loop3A_461 = tpu.vector_load %arg20[%parallel_loop3A_460] {strides = array<i32>} : memref<2048xf32, #tpu.memory_space<vmem>>, vector<16xf32>,
        %parallel_loop3A_462 = arith.addf %parallel_loop3A_459, %parallel_loop3A_461 : vector<16xf32>
        %parallel_loop3A_463 = arith.index_cast %parallel_loop3A_406 : i32 to index
        %parallel_loop3A_464 = tpu.vector_load %arg23[%parallel_loop3A_463] {strides = array<i32>} : memref<2048xf32, #tpu.memory_space<vmem>>, vector<16xf32>,
        tpu.vector_store %arg23[%parallel_loop3A_463], %parallel_loop3A_462 {strides = array<i32>} : memref<2048xf32, #tpu.memory_space<vmem>>, vector<16xf32>,
      } {sc.loop_unroll_factor = 8 : i64, sc.parallel_access}
      %dma_start3A_400 = arith.constant 0 : i32
      %dma_start3A_401 = tpu.memref_slice %arg9[%select_n3A_262, %add3A_281, %dma_start3A_400] : memref<8x128x2048xf32, #tpu.memory_space<hbm>> -> memref<1x1x2048xf32, #tpu.memory_space<hbm>>
      %dma_start3A_402 = tpu.memref_squeeze %dma_start3A_401 : memref<1x1x2048xf32, #tpu.memory_space<hbm>> -> memref<2048xf32, #tpu.memory_space<hbm>>
      %dma_start3A_403 = arith.constant 0 : i32
      %dma_start3A_404 = tpu.memref_slice %arg9[%select_n3A_262, %add3A_281, %dma_start3A_403] : memref<8x128x2048xf32, #tpu.memory_space<hbm>> -> memref<1x1x2048xf32, #tpu.memory_space<hbm>>
      %dma_start3A_405 = tpu.memref_squeeze %dma_start3A_404 : memref<1x1x2048xf32, #tpu.memory_space<hbm>> -> memref<2048xf32, #tpu.memory_space<hbm>>
      tpu.enqueue_dma source(%arg23 : memref<2048xf32, #tpu.memory_space<vmem>>) target(%dma_start3A_405 : memref<2048xf32, #tpu.memory_space<hbm>>) target_semaphore(%arg27 : memref<!tpu.dma_semaphore, #tpu.memory_space<semaphore_mem>>)
    }
    %scan3A_30 = arith.constant 16 : i32
    %mul3A_31 = arith.constant 4 : i32
    %mul3A_32 = arith.muli %add3A, %mul3A_31 : i32
    %add3A_33 = arith.constant 2 : i32
    %add3A_34 = arith.addi %mul3A_32, %add3A_33 : i32
    %dma_wait3A = arith.constant 7 : i32
    %dma_wait3A_35 = arith.constant 0 : i32
    %dma_wait3A_36 = tpu.memref_slice %arg7[%dma_wait3A, %add3A_34, %dma_wait3A_35] : memref<8x128x16384xf32, #tpu.memory_space<hbm>> -> memref<1x1x16384xf32, #tpu.memory_space<hbm>>
    %dma_wait3A_37 = tpu.memref_squeeze %dma_wait3A_36 : memref<1x1x16384xf32, #tpu.memory_space<hbm>> -> memref<16384xf32, #tpu.memory_space<hbm>>
    %dma_wait3A_38 = arith.constant 0 : i32
    %dma_wait3A_39 = tpu.memref_slice %arg7[%dma_wait3A, %add3A_34, %dma_wait3A_38] : memref<8x128x16384xf32, #tpu.memory_space<hbm>> -> memref<1x1x16384xf32, #tpu.memory_space<hbm>>
    %dma_wait3A_40 = tpu.memref_squeeze %dma_wait3A_39 : memref<1x1x16384xf32, #tpu.memory_space<hbm>> -> memref<16384xf32, #tpu.memory_space<hbm>>
    tpu.wait_dma2 semaphore(%arg26 : memref<!tpu.dma_semaphore, #tpu.memory_space<semaphore_mem>>) src(%arg15 : memref<16384xf32, #tpu.memory_space<vmem>>) dst(%dma_wait3A_40 : memref<16384xf32, #tpu.memory_space<hbm>>)
    %dma_wait3A_41 = arith.constant 7 : i32
    %dma_wait3A_42 = arith.constant 0 : i32
    %dma_wait3A_43 = tpu.memref_slice %arg8[%dma_wait3A_41, %add3A_34, %dma_wait3A_42] : memref<8x128x16384xf32, #tpu.memory_space<hbm>> -> memref<1x1x16384xf32, #tpu.memory_space<hbm>>
    %dma_wait3A_44 = tpu.memref_squeeze %dma_wait3A_43 : memref<1x1x16384xf32, #tpu.memory_space<hbm>> -> memref<16384xf32, #tpu.memory_space<hbm>>
    %dma_wait3A_45 = arith.constant 0 : i32
    %dma_wait3A_46 = tpu.memref_slice %arg8[%dma_wait3A_41, %add3A_34, %dma_wait3A_45] : memref<8x128x16384xf32, #tpu.memory_space<hbm>> -> memref<1x1x16384xf32, #tpu.memory_space<hbm>>
    %dma_wait3A_47 = tpu.memref_squeeze %dma_wait3A_46 : memref<1x1x16384xf32, #tpu.memory_space<hbm>> -> memref<16384xf32, #tpu.memory_space<hbm>>
    tpu.wait_dma2 semaphore(%arg26 : memref<!tpu.dma_semaphore, #tpu.memory_space<semaphore_mem>>) src(%arg16 : memref<16384xf32, #tpu.memory_space<vmem>>) dst(%dma_wait3A_47 : memref<16384xf32, #tpu.memory_space<hbm>>)
    %dma_wait3A_48 = arith.constant 7 : i32
    %dma_wait3A_49 = arith.constant 0 : i32
    %dma_wait3A_50 = tpu.memref_slice %arg9[%dma_wait3A_48, %add3A_34, %dma_wait3A_49] : memref<8x128x2048xf32, #tpu.memory_space<hbm>> -> memref<1x1x2048xf32, #tpu.memory_space<hbm>>
    %dma_wait3A_51 = tpu.memref_squeeze %dma_wait3A_50 : memref<1x1x2048xf32, #tpu.memory_space<hbm>> -> memref<2048xf32, #tpu.memory_space<hbm>>
    %dma_wait3A_52 = arith.constant 0 : i32
    %dma_wait3A_53 = tpu.memref_slice %arg9[%dma_wait3A_48, %add3A_34, %dma_wait3A_52] : memref<8x128x2048xf32, #tpu.memory_space<hbm>> -> memref<1x1x2048xf32, #tpu.memory_space<hbm>>
    %dma_wait3A_54 = tpu.memref_squeeze %dma_wait3A_53 : memref<1x1x2048xf32, #tpu.memory_space<hbm>> -> memref<2048xf32, #tpu.memory_space<hbm>>
    tpu.wait_dma2 semaphore(%arg26 : memref<!tpu.dma_semaphore, #tpu.memory_space<semaphore_mem>>) src(%arg17 : memref<2048xf32, #tpu.memory_space<vmem>>) dst(%dma_wait3A_54 : memref<2048xf32, #tpu.memory_space<hbm>>)
    %mul3A_55 = arith.constant 4 : i32
    %mul3A_56 = arith.muli %add3A, %mul3A_55 : i32
    %add3A_57 = arith.constant 3 : i32
    %add3A_58 = arith.addi %mul3A_56, %add3A_57 : i32
    %dma_wait3A_59 = arith.constant 7 : i32
    %dma_wait3A_60 = arith.constant 0 : i32
    %dma_wait3A_61 = tpu.memref_slice %arg7[%dma_wait3A_59, %add3A_58, %dma_wait3A_60] : memref<8x128x16384xf32, #tpu.memory_space<hbm>> -> memref<1x1x16384xf32, #tpu.memory_space<hbm>>
    %dma_wait3A_62 = tpu.memref_squeeze %dma_wait3A_61 : memref<1x1x16384xf32, #tpu.memory_space<hbm>> -> memref<16384xf32, #tpu.memory_space<hbm>>
    %dma_wait3A_63 = arith.constant 0 : i32
    %dma_wait3A_64 = tpu.memref_slice %arg7[%dma_wait3A_59, %add3A_58, %dma_wait3A_63] : memref<8x128x16384xf32, #tpu.memory_space<hbm>> -> memref<1x1x16384xf32, #tpu.memory_space<hbm>>
    %dma_wait3A_65 = tpu.memref_squeeze %dma_wait3A_64 : memref<1x1x16384xf32, #tpu.memory_space<hbm>> -> memref<16384xf32, #tpu.memory_space<hbm>>
    tpu.wait_dma2 semaphore(%arg27 : memref<!tpu.dma_semaphore, #tpu.memory_space<semaphore_mem>>) src(%arg21 : memref<16384xf32, #tpu.memory_space<vmem>>) dst(%dma_wait3A_65 : memref<16384xf32, #tpu.memory_space<hbm>>)
    %dma_wait3A_66 = arith.constant 7 : i32
    %dma_wait3A_67 = arith.constant 0 : i32
    %dma_wait3A_68 = tpu.memref_slice %arg8[%dma_wait3A_66, %add3A_58, %dma_wait3A_67] : memref<8x128x16384xf32, #tpu.memory_space<hbm>> -> memref<1x1x16384xf32, #tpu.memory_space<hbm>>
    %dma_wait3A_69 = tpu.memref_squeeze %dma_wait3A_68 : memref<1x1x16384xf32, #tpu.memory_space<hbm>> -> memref<16384xf32, #tpu.memory_space<hbm>>
    %dma_wait3A_70 = arith.constant 0 : i32
    %dma_wait3A_71 = tpu.memref_slice %arg8[%dma_wait3A_66, %add3A_58, %dma_wait3A_70] : memref<8x128x16384xf32, #tpu.memory_space<hbm>> -> memref<1x1x16384xf32, #tpu.memory_space<hbm>>
    %dma_wait3A_72 = tpu.memref_squeeze %dma_wait3A_71 : memref<1x1x16384xf32, #tpu.memory_space<hbm>> -> memref<16384xf32, #tpu.memory_space<hbm>>
    tpu.wait_dma2 semaphore(%arg27 : memref<!tpu.dma_semaphore, #tpu.memory_space<semaphore_mem>>) src(%arg22 : memref<16384xf32, #tpu.memory_space<vmem>>) dst(%dma_wait3A_72 : memref<16384xf32, #tpu.memory_space<hbm>>)
    %dma_wait3A_73 = arith.constant 7 : i32
    %dma_wait3A_74 = arith.constant 0 : i32
    %dma_wait3A_75 = tpu.memref_slice %arg9[%dma_wait3A_73, %add3A_58, %dma_wait3A_74] : memref<8x128x2048xf32, #tpu.memory_space<hbm>> -> memref<1x1x2048xf32, #tpu.memory_space<hbm>>
    %dma_wait3A_76 = tpu.memref_squeeze %dma_wait3A_75 : memref<1x1x2048xf32, #tpu.memory_space<hbm>> -> memref<2048xf32, #tpu.memory_space<hbm>>
    %dma_wait3A_77 = arith.constant 0 : i32
    %dma_wait3A_78 = tpu.memref_slice %arg9[%dma_wait3A_73, %add3A_58, %dma_wait3A_77] : memref<8x128x2048xf32, #tpu.memory_space<hbm>> -> memref<1x1x2048xf32, #tpu.memory_space<hbm>>
    %dma_wait3A_79 = tpu.memref_squeeze %dma_wait3A_78 : memref<1x1x2048xf32, #tpu.memory_space<hbm>> -> memref<2048xf32, #tpu.memory_space<hbm>>
    tpu.wait_dma2 semaphore(%arg27 : memref<!tpu.dma_semaphore, #tpu.memory_space<semaphore_mem>>) src(%arg23 : memref<2048xf32, #tpu.memory_space<vmem>>) dst(%dma_wait3A_79 : memref<2048xf32, #tpu.memory_space<hbm>>)
    return
  }
}

module attributes {stable_mosaic.version = 14 : i64} {
  func.func @_prep_body(%arg0: i32, %arg1: i32, %arg2: memref<1x128x2048xf32, #tpu.memory_space<vmem>>, %arg3: memref<1x128x512xf32, #tpu.memory_space<vmem>>, %arg4: memref<128x128xf32, #tpu.memory_space<vmem>>, %arg5: memref<1x128x512xf32, #tpu.memory_space<vmem>>, %arg6: memref<1x128x512xf32, #tpu.memory_space<vmem>>, %arg7: memref<1x512x8xi32, #tpu.memory_space<vmem>>) attributes {dimension_semantics = [#tpu.dimension_semantics<arbitrary>, #tpu.dimension_semantics<arbitrary>], iteration_bounds = array<i64: 8, 4>, scalar_prefetch = 0 : i64, scratch_operands = 0 : i64, tpu.core_type = #tpu.core_type<tc>, window_params = [{transform_indices = @transform_0, window_bounds = array<i64: 1, 128, 2048>}, {transform_indices = @transform_1, window_bounds = array<i64: 1, 128, 512>}, {pipeline_mode = #tpu.pipeline_mode<synchronous>, transform_indices = @transform_2, window_bounds = array<i64: 128, 128>}, {transform_indices = @transform_3, window_bounds = array<i64: 1, 128, 512>}, {transform_indices = @transform_4, window_bounds = array<i64: 1, 128, 512>}, {transform_indices = @transform_5, window_bounds = array<i64: 1, 512, 8>}]} {
    %get3A = arith.constant 0 : index
    %get3A_0 = arith.constant 0 : index
    %get3A_1 = arith.constant 0 : index
    %get3A_2 = vector.load %arg2[%get3A, %get3A_0, %get3A_1] : memref<1x128x2048xf32, #tpu.memory_space<vmem>>, vector<1x128x2048xf32>
    %get3A_3 = vector.shape_cast %get3A_2 : vector<1x128x2048xf32> to vector<128x2048xf32>
    %get3A_4 = arith.constant 0 : index
    %get3A_5 = arith.constant 0 : index
    %get3A_6 = arith.constant 0 : index
    %get3A_7 = vector.load %arg3[%get3A_4, %get3A_5, %get3A_6] : memref<1x128x512xf32, #tpu.memory_space<vmem>>, vector<1x128x512xf32>
    %get3A_8 = vector.shape_cast %get3A_7 : vector<1x128x512xf32> to vector<128x512xf32>
    %ge3A = arith.constant 0.000000e+00 : f32
    %ge3A_9 = vector.broadcast %ge3A : f32 to vector<128x512xf32>
    %ge3A_10 = arith.cmpf oge, %get3A_8, %ge3A_9 : vector<128x512xf32>
    %mul3A = arith.constant 0.00999999977 : f32
    %mul3A_11 = vector.broadcast %mul3A : f32 to vector<128x512xf32>
    %mul3A_12 = arith.mulf %mul3A_11, %get3A_8 : vector<128x512xf32>
    %select_n3A = arith.select %ge3A_10, %get3A_8, %mul3A_12 : vector<128x512xi1>, vector<128x512xf32>
    %swap3A = arith.constant 0 : index
    %swap3A_13 = arith.constant 0 : index
    %swap3A_14 = arith.constant 0 : index
    %swap3A_15 = vector.load %arg5[%swap3A, %swap3A_13, %swap3A_14] : memref<1x128x512xf32, #tpu.memory_space<vmem>>, vector<1x128x512xf32>
    %swap3A_16 = vector.shape_cast %swap3A_15 : vector<1x128x512xf32> to vector<128x512xf32>
    %swap3A_17 = vector.shape_cast %select_n3A : vector<128x512xf32> to vector<1x128x512xf32>
    tpu.vector_store %arg5[%swap3A, %swap3A_13, %swap3A_14], %swap3A_17 {strides = array<i32>} : memref<1x128x512xf32, #tpu.memory_space<vmem>>, vector<1x128x512xf32>,
    %get3A_18 = arith.constant 0 : index
    %get3A_19 = arith.constant 0 : index
    %get3A_20 = vector.load %arg4[%get3A_18, %get3A_19] : memref<128x128xf32, #tpu.memory_space<vmem>>, vector<128x128xf32>
    %dot_general3A = arith.constant dense<0.000000e+00> : vector<128x512xf32>
    %dot_general3A_21 = tpu.matmul %get3A_20, %select_n3A, %dot_general3A {dimension_numbers = #tpu.dot_dimension_numbers<[1], [0], [0], [1], [0, 0, 1, 1], [], []>, transpose_lhs_hint = false} : vector<128x128xf32>, vector<128x512xf32>, vector<128x512xf32> -> vector<128x512xf32>
    %swap3A_22 = arith.constant 0 : index
    %swap3A_23 = arith.constant 0 : index
    %swap3A_24 = arith.constant 0 : index
    %swap3A_25 = vector.load %arg6[%swap3A_22, %swap3A_23, %swap3A_24] : memref<1x128x512xf32, #tpu.memory_space<vmem>>, vector<1x128x512xf32>
    %swap3A_26 = vector.shape_cast %swap3A_25 : vector<1x128x512xf32> to vector<128x512xf32>
    %swap3A_27 = vector.shape_cast %dot_general3A_21 : vector<128x512xf32> to vector<1x128x512xf32>
    tpu.vector_store %arg6[%swap3A_22, %swap3A_23, %swap3A_24], %swap3A_27 {strides = array<i32>} : memref<1x128x512xf32, #tpu.memory_space<vmem>>, vector<1x128x512xf32>,
    %mul3A_28 = arith.mulf %get3A_3, %get3A_3 : vector<128x2048xf32>
    %reduce_sum3A = arith.constant dense<0.000000e+00> : vector<2048xf32>
    %reduce_sum3A_29 = vector.multi_reduction <add>, %mul3A_28, %reduce_sum3A [0] : vector<128x2048xf32> to vector<2048xf32>
    %broadcast_in_dim3A = vector.shape_cast %reduce_sum3A_29 : vector<2048xf32> to vector<1x2048xf32>
    %dot_general3A_30 = arith.constant dense<0.000000e+00> : vector<512x2048xf32>
    %dot_general3A_31 = tpu.matmul %get3A_8, %get3A_3, %dot_general3A_30 {dimension_numbers = #tpu.dot_dimension_numbers<[0], [0], [1], [1], [0, 1, 1, 1], [], []>, transpose_lhs_hint = false} : vector<128x512xf32>, vector<128x2048xf32>, vector<512x2048xf32> -> vector<512x2048xf32>
    %mul3A_32 = arith.constant -2.000000e+00 : f32
    %mul3A_33 = vector.broadcast %mul3A_32 : f32 to vector<512x2048xf32>
    %mul3A_34 = arith.mulf %mul3A_33, %dot_general3A_31 : vector<512x2048xf32>
    %broadcast_in_dim3A_35 = arith.constant 1.000000e+00 : f32
    %broadcast_in_dim3A_36 = vector.broadcast %broadcast_in_dim3A_35 : f32 to vector<128x1xf32>
    %mul3A_37 = arith.mulf %get3A_8, %get3A_8 : vector<128x512xf32>
    %dot_general3A_38 = arith.constant dense<0.000000e+00> : vector<512x1xf32>
    %dot_general3A_39 = tpu.matmul %mul3A_37, %broadcast_in_dim3A_36, %dot_general3A_38 {dimension_numbers = #tpu.dot_dimension_numbers<[0], [0], [1], [1], [0, 1, 1, 1], [], []>, transpose_lhs_hint = false} : vector<128x512xf32>, vector<128x1xf32>, vector<512x1xf32> -> vector<512x1xf32>
    %neg3A = arith.constant 0.000000e+00 : f32
    %neg3A_40 = vector.broadcast %neg3A : f32 to vector<1x2048xf32>
    %neg3A_41 = arith.subf %neg3A_40, %broadcast_in_dim3A : vector<1x2048xf32>
    %sub3A = vector.broadcast %neg3A_41 : vector<1x2048xf32> to vector<512x2048xf32>
    %sub3A_42 = arith.subf %sub3A, %mul3A_34 : vector<512x2048xf32>
    %sub3A_43 = vector.broadcast %dot_general3A_39 : vector<512x1xf32> to vector<512x2048xf32>
    %sub3A_44 = arith.subf %sub3A_42, %sub3A_43 : vector<512x2048xf32>
    %iota3A = tpu.iota {dimensions = array<i32: 1>} : vector<512x2048xi32>
    %convert_element_type3A = arith.sitofp %iota3A : vector<512x2048xi32> to vector<512x2048xf32>
    %reduce_max3A = arith.constant dense<0xFF800000> : vector<512xf32>
    %reduce_max3A_45 = vector.multi_reduction <maximumf>, %sub3A_44, %reduce_max3A [1] : vector<512x2048xf32> to vector<512xf32>
    %broadcast_in_dim3A_46 = vector.shape_cast %reduce_max3A_45 : vector<512xf32> to vector<512x1xf32>
    %eq3A = vector.broadcast %broadcast_in_dim3A_46 : vector<512x1xf32> to vector<512x2048xf32>
    %eq3A_47 = arith.cmpf oeq, %sub3A_44, %eq3A : vector<512x2048xf32>
    %jit3A = arith.constant 2.048000e+03 : f32
    %broadcast_in_dim3A_48 = vector.broadcast %jit3A : f32 to vector<512x2048xf32>
    %select_n3A_49 = arith.select %eq3A_47, %convert_element_type3A, %broadcast_in_dim3A_48 : vector<512x2048xi1>, vector<512x2048xf32>
    %reduce_min3A = arith.constant dense<0x7F800000> : vector<512xf32>
    %reduce_min3A_50 = vector.multi_reduction <minimumf>, %select_n3A_49, %reduce_min3A [1] : vector<512x2048xf32> to vector<512xf32>
    %broadcast_in_dim3A_51 = vector.shape_cast %reduce_min3A_50 : vector<512xf32> to vector<512x1xf32>
    %convert_element_type3A_52 = arith.fptosi %broadcast_in_dim3A_51 : vector<512x1xf32> to vector<512x1xi32>
    %eq3A_53 = vector.broadcast %broadcast_in_dim3A_51 : vector<512x1xf32> to vector<512x2048xf32>
    %eq3A_54 = arith.cmpf oeq, %convert_element_type3A, %eq3A_53 : vector<512x2048xf32>
    %jit3A_55 = arith.constant 0xFF800000 : f32
    %broadcast_in_dim3A_56 = vector.broadcast %jit3A_55 : f32 to vector<512x2048xf32>
    %select_n3A_57 = arith.select %eq3A_54, %broadcast_in_dim3A_56, %sub3A_44 : vector<512x2048xi1>, vector<512x2048xf32>
    %reduce_max3A_58 = arith.constant dense<0xFF800000> : vector<512xf32>
    %reduce_max3A_59 = vector.multi_reduction <maximumf>, %select_n3A_57, %reduce_max3A_58 [1] : vector<512x2048xf32> to vector<512xf32>
    %broadcast_in_dim3A_60 = vector.shape_cast %reduce_max3A_59 : vector<512xf32> to vector<512x1xf32>
    %eq3A_61 = vector.broadcast %broadcast_in_dim3A_60 : vector<512x1xf32> to vector<512x2048xf32>
    %eq3A_62 = arith.cmpf oeq, %select_n3A_57, %eq3A_61 : vector<512x2048xf32>
    %jit3A_63 = arith.constant 2.048000e+03 : f32
    %broadcast_in_dim3A_64 = vector.broadcast %jit3A_63 : f32 to vector<512x2048xf32>
    %select_n3A_65 = arith.select %eq3A_62, %convert_element_type3A, %broadcast_in_dim3A_64 : vector<512x2048xi1>, vector<512x2048xf32>
    %reduce_min3A_66 = arith.constant dense<0x7F800000> : vector<512xf32>
    %reduce_min3A_67 = vector.multi_reduction <minimumf>, %select_n3A_65, %reduce_min3A_66 [1] : vector<512x2048xf32> to vector<512xf32>
    %broadcast_in_dim3A_68 = vector.shape_cast %reduce_min3A_67 : vector<512xf32> to vector<512x1xf32>
    %convert_element_type3A_69 = arith.fptosi %broadcast_in_dim3A_68 : vector<512x1xf32> to vector<512x1xi32>
    %eq3A_70 = vector.broadcast %broadcast_in_dim3A_68 : vector<512x1xf32> to vector<512x2048xf32>
    %eq3A_71 = arith.cmpf oeq, %convert_element_type3A, %eq3A_70 : vector<512x2048xf32>
    %jit3A_72 = arith.constant 0xFF800000 : f32
    %broadcast_in_dim3A_73 = vector.broadcast %jit3A_72 : f32 to vector<512x2048xf32>
    %select_n3A_74 = arith.select %eq3A_71, %broadcast_in_dim3A_73, %select_n3A_57 : vector<512x2048xi1>, vector<512x2048xf32>
    %reduce_max3A_75 = arith.constant dense<0xFF800000> : vector<512xf32>
    %reduce_max3A_76 = vector.multi_reduction <maximumf>, %select_n3A_74, %reduce_max3A_75 [1] : vector<512x2048xf32> to vector<512xf32>
    %broadcast_in_dim3A_77 = vector.shape_cast %reduce_max3A_76 : vector<512xf32> to vector<512x1xf32>
    %eq3A_78 = vector.broadcast %broadcast_in_dim3A_77 : vector<512x1xf32> to vector<512x2048xf32>
    %eq3A_79 = arith.cmpf oeq, %select_n3A_74, %eq3A_78 : vector<512x2048xf32>
    %jit3A_80 = arith.constant 2.048000e+03 : f32
    %broadcast_in_dim3A_81 = vector.broadcast %jit3A_80 : f32 to vector<512x2048xf32>
    %select_n3A_82 = arith.select %eq3A_79, %convert_element_type3A, %broadcast_in_dim3A_81 : vector<512x2048xi1>, vector<512x2048xf32>
    %reduce_min3A_83 = arith.constant dense<0x7F800000> : vector<512xf32>
    %reduce_min3A_84 = vector.multi_reduction <minimumf>, %select_n3A_82, %reduce_min3A_83 [1] : vector<512x2048xf32> to vector<512xf32>
    %broadcast_in_dim3A_85 = vector.shape_cast %reduce_min3A_84 : vector<512xf32> to vector<512x1xf32>
    %convert_element_type3A_86 = arith.fptosi %broadcast_in_dim3A_85 : vector<512x1xf32> to vector<512x1xi32>
    %eq3A_87 = vector.broadcast %broadcast_in_dim3A_85 : vector<512x1xf32> to vector<512x2048xf32>
    %eq3A_88 = arith.cmpf oeq, %convert_element_type3A, %eq3A_87 : vector<512x2048xf32>
    %jit3A_89 = arith.constant 0xFF800000 : f32
    %broadcast_in_dim3A_90 = vector.broadcast %jit3A_89 : f32 to vector<512x2048xf32>
    %select_n3A_91 = arith.select %eq3A_88, %broadcast_in_dim3A_90, %select_n3A_74 : vector<512x2048xi1>, vector<512x2048xf32>
    %reduce_max3A_92 = arith.constant dense<0xFF800000> : vector<512xf32>
    %reduce_max3A_93 = vector.multi_reduction <maximumf>, %select_n3A_91, %reduce_max3A_92 [1] : vector<512x2048xf32> to vector<512xf32>
    %broadcast_in_dim3A_94 = vector.shape_cast %reduce_max3A_93 : vector<512xf32> to vector<512x1xf32>
    %eq3A_95 = vector.broadcast %broadcast_in_dim3A_94 : vector<512x1xf32> to vector<512x2048xf32>
    %eq3A_96 = arith.cmpf oeq, %select_n3A_91, %eq3A_95 : vector<512x2048xf32>
    %jit3A_97 = arith.constant 2.048000e+03 : f32
    %broadcast_in_dim3A_98 = vector.broadcast %jit3A_97 : f32 to vector<512x2048xf32>
    %select_n3A_99 = arith.select %eq3A_96, %convert_element_type3A, %broadcast_in_dim3A_98 : vector<512x2048xi1>, vector<512x2048xf32>
    %reduce_min3A_100 = arith.constant dense<0x7F800000> : vector<512xf32>
    %reduce_min3A_101 = vector.multi_reduction <minimumf>, %select_n3A_99, %reduce_min3A_100 [1] : vector<512x2048xf32> to vector<512xf32>
    %broadcast_in_dim3A_102 = vector.shape_cast %reduce_min3A_101 : vector<512xf32> to vector<512x1xf32>
    %convert_element_type3A_103 = arith.fptosi %broadcast_in_dim3A_102 : vector<512x1xf32> to vector<512x1xi32>
    %eq3A_104 = vector.broadcast %broadcast_in_dim3A_102 : vector<512x1xf32> to vector<512x2048xf32>
    %eq3A_105 = arith.cmpf oeq, %convert_element_type3A, %eq3A_104 : vector<512x2048xf32>
    %jit3A_106 = arith.constant 0xFF800000 : f32
    %broadcast_in_dim3A_107 = vector.broadcast %jit3A_106 : f32 to vector<512x2048xf32>
    %select_n3A_108 = arith.select %eq3A_105, %broadcast_in_dim3A_107, %select_n3A_91 : vector<512x2048xi1>, vector<512x2048xf32>
    %reduce_max3A_109 = arith.constant dense<0xFF800000> : vector<512xf32>
    %reduce_max3A_110 = vector.multi_reduction <maximumf>, %select_n3A_108, %reduce_max3A_109 [1] : vector<512x2048xf32> to vector<512xf32>
    %broadcast_in_dim3A_111 = vector.shape_cast %reduce_max3A_110 : vector<512xf32> to vector<512x1xf32>
    %eq3A_112 = vector.broadcast %broadcast_in_dim3A_111 : vector<512x1xf32> to vector<512x2048xf32>
    %eq3A_113 = arith.cmpf oeq, %select_n3A_108, %eq3A_112 : vector<512x2048xf32>
    %jit3A_114 = arith.constant 2.048000e+03 : f32
    %broadcast_in_dim3A_115 = vector.broadcast %jit3A_114 : f32 to vector<512x2048xf32>
    %select_n3A_116 = arith.select %eq3A_113, %convert_element_type3A, %broadcast_in_dim3A_115 : vector<512x2048xi1>, vector<512x2048xf32>
    %reduce_min3A_117 = arith.constant dense<0x7F800000> : vector<512xf32>
    %reduce_min3A_118 = vector.multi_reduction <minimumf>, %select_n3A_116, %reduce_min3A_117 [1] : vector<512x2048xf32> to vector<512xf32>
    %broadcast_in_dim3A_119 = vector.shape_cast %reduce_min3A_118 : vector<512xf32> to vector<512x1xf32>
    %convert_element_type3A_120 = arith.fptosi %broadcast_in_dim3A_119 : vector<512x1xf32> to vector<512x1xi32>
    %eq3A_121 = vector.broadcast %broadcast_in_dim3A_119 : vector<512x1xf32> to vector<512x2048xf32>
    %eq3A_122 = arith.cmpf oeq, %convert_element_type3A, %eq3A_121 : vector<512x2048xf32>
    %jit3A_123 = arith.constant 0xFF800000 : f32
    %broadcast_in_dim3A_124 = vector.broadcast %jit3A_123 : f32 to vector<512x2048xf32>
    %select_n3A_125 = arith.select %eq3A_122, %broadcast_in_dim3A_124, %select_n3A_108 : vector<512x2048xi1>, vector<512x2048xf32>
    %reduce_max3A_126 = arith.constant dense<0xFF800000> : vector<512xf32>
    %reduce_max3A_127 = vector.multi_reduction <maximumf>, %select_n3A_125, %reduce_max3A_126 [1] : vector<512x2048xf32> to vector<512xf32>
    %broadcast_in_dim3A_128 = vector.shape_cast %reduce_max3A_127 : vector<512xf32> to vector<512x1xf32>
    %eq3A_129 = vector.broadcast %broadcast_in_dim3A_128 : vector<512x1xf32> to vector<512x2048xf32>
    %eq3A_130 = arith.cmpf oeq, %select_n3A_125, %eq3A_129 : vector<512x2048xf32>
    %jit3A_131 = arith.constant 2.048000e+03 : f32
    %broadcast_in_dim3A_132 = vector.broadcast %jit3A_131 : f32 to vector<512x2048xf32>
    %select_n3A_133 = arith.select %eq3A_130, %convert_element_type3A, %broadcast_in_dim3A_132 : vector<512x2048xi1>, vector<512x2048xf32>
    %reduce_min3A_134 = arith.constant dense<0x7F800000> : vector<512xf32>
    %reduce_min3A_135 = vector.multi_reduction <minimumf>, %select_n3A_133, %reduce_min3A_134 [1] : vector<512x2048xf32> to vector<512xf32>
    %broadcast_in_dim3A_136 = vector.shape_cast %reduce_min3A_135 : vector<512xf32> to vector<512x1xf32>
    %convert_element_type3A_137 = arith.fptosi %broadcast_in_dim3A_136 : vector<512x1xf32> to vector<512x1xi32>
    %eq3A_138 = vector.broadcast %broadcast_in_dim3A_136 : vector<512x1xf32> to vector<512x2048xf32>
    %eq3A_139 = arith.cmpf oeq, %convert_element_type3A, %eq3A_138 : vector<512x2048xf32>
    %jit3A_140 = arith.constant 0xFF800000 : f32
    %broadcast_in_dim3A_141 = vector.broadcast %jit3A_140 : f32 to vector<512x2048xf32>
    %select_n3A_142 = arith.select %eq3A_139, %broadcast_in_dim3A_141, %select_n3A_125 : vector<512x2048xi1>, vector<512x2048xf32>
    %reduce_max3A_143 = arith.constant dense<0xFF800000> : vector<512xf32>
    %reduce_max3A_144 = vector.multi_reduction <maximumf>, %select_n3A_142, %reduce_max3A_143 [1] : vector<512x2048xf32> to vector<512xf32>
    %broadcast_in_dim3A_145 = vector.shape_cast %reduce_max3A_144 : vector<512xf32> to vector<512x1xf32>
    %eq3A_146 = vector.broadcast %broadcast_in_dim3A_145 : vector<512x1xf32> to vector<512x2048xf32>
    %eq3A_147 = arith.cmpf oeq, %select_n3A_142, %eq3A_146 : vector<512x2048xf32>
    %jit3A_148 = arith.constant 2.048000e+03 : f32
    %broadcast_in_dim3A_149 = vector.broadcast %jit3A_148 : f32 to vector<512x2048xf32>
    %select_n3A_150 = arith.select %eq3A_147, %convert_element_type3A, %broadcast_in_dim3A_149 : vector<512x2048xi1>, vector<512x2048xf32>
    %reduce_min3A_151 = arith.constant dense<0x7F800000> : vector<512xf32>
    %reduce_min3A_152 = vector.multi_reduction <minimumf>, %select_n3A_150, %reduce_min3A_151 [1] : vector<512x2048xf32> to vector<512xf32>
    %broadcast_in_dim3A_153 = vector.shape_cast %reduce_min3A_152 : vector<512xf32> to vector<512x1xf32>
    %convert_element_type3A_154 = arith.fptosi %broadcast_in_dim3A_153 : vector<512x1xf32> to vector<512x1xi32>
    %eq3A_155 = vector.broadcast %broadcast_in_dim3A_153 : vector<512x1xf32> to vector<512x2048xf32>
    %eq3A_156 = arith.cmpf oeq, %convert_element_type3A, %eq3A_155 : vector<512x2048xf32>
    %jit3A_157 = arith.constant 0xFF800000 : f32
    %broadcast_in_dim3A_158 = vector.broadcast %jit3A_157 : f32 to vector<512x2048xf32>
    %select_n3A_159 = arith.select %eq3A_156, %broadcast_in_dim3A_158, %select_n3A_142 : vector<512x2048xi1>, vector<512x2048xf32>
    %reduce_max3A_160 = arith.constant dense<0xFF800000> : vector<512xf32>
    %reduce_max3A_161 = vector.multi_reduction <maximumf>, %select_n3A_159, %reduce_max3A_160 [1] : vector<512x2048xf32> to vector<512xf32>
    %broadcast_in_dim3A_162 = vector.shape_cast %reduce_max3A_161 : vector<512xf32> to vector<512x1xf32>
    %eq3A_163 = vector.broadcast %broadcast_in_dim3A_162 : vector<512x1xf32> to vector<512x2048xf32>
    %eq3A_164 = arith.cmpf oeq, %select_n3A_159, %eq3A_163 : vector<512x2048xf32>
    %jit3A_165 = arith.constant 2.048000e+03 : f32
    %broadcast_in_dim3A_166 = vector.broadcast %jit3A_165 : f32 to vector<512x2048xf32>
    %select_n3A_167 = arith.select %eq3A_164, %convert_element_type3A, %broadcast_in_dim3A_166 : vector<512x2048xi1>, vector<512x2048xf32>
    %reduce_min3A_168 = arith.constant dense<0x7F800000> : vector<512xf32>
    %reduce_min3A_169 = vector.multi_reduction <minimumf>, %select_n3A_167, %reduce_min3A_168 [1] : vector<512x2048xf32> to vector<512xf32>
    %broadcast_in_dim3A_170 = vector.shape_cast %reduce_min3A_169 : vector<512xf32> to vector<512x1xf32>
    %convert_element_type3A_171 = arith.fptosi %broadcast_in_dim3A_170 : vector<512x1xf32> to vector<512x1xi32>
    %concatenate3A = tpu.concatenate %convert_element_type3A_52, %convert_element_type3A_69, %convert_element_type3A_86, %convert_element_type3A_103, %convert_element_type3A_120, %convert_element_type3A_137, %convert_element_type3A_154, %convert_element_type3A_171 in 1 : vector<512x1xi32>, vector<512x1xi32>, vector<512x1xi32>, vector<512x1xi32>, vector<512x1xi32>, vector<512x1xi32>, vector<512x1xi32>, vector<512x1xi32> -> vector<512x8xi32>
    %swap3A_172 = arith.constant 0 : index
    %swap3A_173 = arith.constant 0 : index
    %swap3A_174 = arith.constant 0 : index
    %swap3A_175 = vector.load %arg7[%swap3A_172, %swap3A_173, %swap3A_174] : memref<1x512x8xi32, #tpu.memory_space<vmem>>, vector<1x512x8xi32>
    %swap3A_176 = vector.shape_cast %swap3A_175 : vector<1x512x8xi32> to vector<512x8xi32>
    %swap3A_177 = vector.shape_cast %concatenate3A : vector<512x8xi32> to vector<1x512x8xi32>
    tpu.vector_store %arg7[%swap3A_172, %swap3A_173, %swap3A_174], %swap3A_177 {strides = array<i32>} : memref<1x512x8xi32, #tpu.memory_space<vmem>>, vector<1x512x8xi32>,
    return
  }
  func.func @transform_0(%arg0: i32, %arg1: i32) -> (i32, i32, i32) {
    %c0_i32 = arith.constant 0 : i32
    %c0_i32_0 = arith.constant 0 : i32
    %c0_i32_1 = arith.constant 0 : i32
    return %arg0, %c0_i32, %c0_i32_0 : i32, i32, i32
  }
  func.func @transform_1(%arg0: i32, %arg1: i32) -> (i32, i32, i32) {
    %c0_i32 = arith.constant 0 : i32
    %c0_i32_0 = arith.constant 0 : i32
    return %arg0, %c0_i32, %arg1 : i32, i32, i32
  }
  func.func @transform_2(%arg0: i32, %arg1: i32) -> (i32, i32) {
    %c0_i32 = arith.constant 0 : i32
    %c0_i32_0 = arith.constant 0 : i32
    %c0_i32_1 = arith.constant 0 : i32
    return %c0_i32, %c0_i32_0 : i32, i32
  }
  func.func @transform_3(%arg0: i32, %arg1: i32) -> (i32, i32, i32) {
    %c0_i32 = arith.constant 0 : i32
    %c0_i32_0 = arith.constant 0 : i32
    return %arg0, %c0_i32, %arg1 : i32, i32, i32
  }
  func.func @transform_4(%arg0: i32, %arg1: i32) -> (i32, i32, i32) {
    %c0_i32 = arith.constant 0 : i32
    %c0_i32_0 = arith.constant 0 : i32
    return %arg0, %c0_i32, %arg1 : i32, i32, i32
  }
  func.func @transform_5(%arg0: i32, %arg1: i32) -> (i32, i32, i32) {
    %c0_i32 = arith.constant 0 : i32
    %c0_i32_0 = arith.constant 0 : i32
    return %arg0, %arg1, %c0_i32 : i32, i32, i32
  }
}

</mosaic_0001>

<sc_bundles>
// kernel: kernel.4.cloned.1.call-start
scs
__scs_entry_jumppad:
0x0: {  	(pc) =	sbr.rel $0x88, $3  }
0x1: {  	(tag) =	ssettag $0x0;
	lr =	simm.s32 $0x1  }
0x2: {  	[smem:$0x3F9E] =	sst lr;
	_ =	strace $0xD0000000  }
0x3: {  	_ = 	snop  }
0x4: {  	_ = 	snop  }
0x5: {  	_ = 	snop  }
0x6: {  	_ = 	snop  }
0x7: {  	_ = 	snop  }
__scs_overlays_trampoline_lowered:
0x8: {  	[smem:$0x3FAD] =	sst s0  }
0x9: {  	[smem:$0x3FAE] =	sst s1  }
0xa: {  	[smem:$0x3FAF] =	sst s2  }
0xb: {  	[smem:$0x3FB0] =	sst s3  }
0xc: {  	[smem:$0x3FB1] =	sst s4  }
0xd: {  	[smem:$0x3FB2] =	sst s5  }
0xe: {  	[smem:$0x3FB3] =	sst s6  }
0xf: {  	[smem:$0x3FB4] =	sst s7  }
0x10: {  	[smem:$0x3FB5] =	sst s8  }
0x11: {  	[smem:$0x3FB6] =	sst s9;
	s0 =	simm.s32 @!p0 $0x0  }
0x12: {  	s1 =	sld [smem:$0x3F9C];
	s0 =	simm.s32 @p0 $0x1  }
0x13: {  	[smem:$0x3FB7] =	sst s0;
	s0 =	simm.s32 @!p1 $0x0  }
0x14: {  	s2 =	sld [smem:$0x3F9B];
	s0 =	simm.s32 @p1 $0x1  }
0x15: {  	[smem:$0x3FB8] =	sst s0;
	s0 =	simm.s32 @!p2 $0x0  }
0x16: {  	s3 =	sld [smem:$0x3FDB];
	s0 =	simm.s32 @p2 $0x1  }
0x17: {  	s4 =	simm.s32 $0x1BF5;
	[smem:$0x3FBA] =	sst s0  }
0x18: {  	s0 =	sld [smem:$0x3F9D];
	_ =	swait.ge [sflag:s4], $0x0  }
0x19: {  	s7 =	sld [smem:$0x3F9E]  }
0x1a: {  	s8 =	sadd.s32 $0xFFFFE003, lr  }
0x1b: {  	s9 =	sadd.s32 $0xFFFFFEF7, lr;
	s5 =	simm.s32 $0xFFFFFFFF;
	p2 =	slt.u32 s8, $0xFFFFF086  }
0x1c: {  	p1 =	slt.u32 s9, $0xF7A;
	s5 =	simm.s32 @!p2 $0x0  }
0x1d: {  	s5 =	simm.s32 @p1 $0x1;
	p0 =	seq.s32 s7, s2  }
0x1e: {  	s7 =	smul.u32 @!p0 $0xF7A, s2;
	p2 =	seq.s32 @!p0 s5, $0x0  }
0x1f: {  	s9 =	smul.u32 $0xF7A, s1;
	s8 =	simm.s32 @!p0 $0x1BF5;
	p2 =	por !p2, p0  }
0x20: {  	[sflag:s8] =	ssyncset.s32 @!p0 $0xFFFFF086;
	s6 =	sadd.s32 @!p0 s3, s7;
	s7 =	simm.s32 @!p0 $0x108  }
0x21: {  	s3 =	sadd.s32 s3, s9;
	s6 =	sadd.s32 @!p0 $0x88, s6;
	s7 =	simm.s32 @p2 $0x1082  }
0x22: {  	[simem:s7], [sflag:s8] =	dma.local @!p0 [hbm:s6], $0xF7A  }
0x23: {  	s9 =	sor.u32 $0xD0000000, s2;
	s6 =	simm.s32 $0x108;
	_ =	swait.ge @!p0 [sflag:s8], $0x0  }
0x24: {  	s3 =	sadd.s32 $0x88, s3;
	s6 =	simm.s32 @!p1 $0x1082;
	[sflag:s4] =	ssyncset.s32 $0xFFFFF086  }
0x25: {  	[simem:s6], [sflag:s4] =	dma.local [hbm:s3], $0xF7A  }
0x26: {  	[smem:$0x3F9E] =	sst s1;
	(tag) =	ssettag s2;
	_ =	strace s9  }
0x27: {  	s1 =	sld [smem:$0x3FAE]  }
0x28: {  	s2 =	sld [smem:$0x3FAF]  }
0x29: {  	s4 =	sld [smem:$0x3FB1]  }
0x2a: {  	p0 =	seq.s32 s5, $0x0;
	s5 =	sld [smem:$0x3FB2]  }
0x2b: {  	s6 =	sld [smem:$0x3FB3]  }
0x2c: {  	s7 =	sld [smem:$0x3FB4]  }
0x2d: {  	s3 =	simm.s32 $0x108;
	s8 =	sld [smem:$0x3FB5]  }
0x2e: {  	s3 =	simm.s32 @!p0 $0x1082;
	s9 =	sld [smem:$0x3FB6]  }
0x2f: {  	lr =	sadd.s32 s0, s3;
	s0 =	sld [smem:$0x3FAD]  }
0x30: {  	s3 =	sld [smem:$0x3FB0]  }
0x31: {  	[smem:$0x3FB9] =	sst s10  }
0x32: {  	s10 =	sld [smem:$0x3FB7];
	_ =	sdelay $0x3  }
0x33: {  	p0 =	seq.s32 s10, $0x1;
	s10 =	sld [smem:$0x3FB9];
	_ =	sdelay $0x3  }
0x34: {  	[smem:$0x3FB9] =	sst s10  }
0x35: {  	s10 =	sld [smem:$0x3FB8];
	_ =	sdelay $0x3  }
0x36: {  	p1 =	seq.s32 s10, $0x1;
	s10 =	sld [smem:$0x3FB9];
	_ =	sdelay $0x3  }
0x37: {  	[smem:$0x3FB9] =	sst s10  }
0x38: {  	s10 =	sld [smem:$0x3FBA]  }
0x39: {  	_ = 	snop;
	(pc) =	sbr.ind lr, $3  }
0x3a: {  	_ = 	snop  }
0x3b: {  	_ = 	snop  }
0x3c: {  	p2 =	seq.s32 s10, $0x1;
	s10 =	sld [smem:$0x3FB9]  }
0x3d: {  	_ =	shalt  }
0x3e: {  	_ =	shalt  }
0x3f: {  	_ =	shalt  }
0x40: {  	_ =	shalt  }
0x41: {  	_ =	shalt  }
0x42: {  	_ =	shalt  }
0x43: {  	_ =	shalt  }
0x44: {  	_ =	shalt  }
0x45: {  	_ =	shalt  }
0x46: {  	_ =	shalt  }
0x47: {  	_ =	shalt  }
0x48: {  	_ =	shalt  }
0x49: {  	_ =	shalt  }
0x4a: {  	_ =	shalt  }
0x4b: {  	_ =	shalt  }
0x4c: {  	_ =	shalt  }
0x4d: {  	_ =	shalt  }
0x4e: {  	_ =	shalt  }
0x4f: {  	_ =	shalt  }
0x50: {  	_ =	shalt  }
0x51: {  	_ =	shalt  }
0x52: {  	_ =	shalt  }
0x53: {  	_ =	shalt  }
0x54: {  	_ =	shalt  }
0x55: {  	_ =	shalt  }
0x56: {  	_ =	shalt  }
0x57: {  	_ =	shalt  }
0x58: {  	_ =	shalt  }
0x59: {  	_ =	shalt  }
0x5a: {  	_ =	shalt  }
0x5b: {  	_ =	shalt  }
0x5c: {  	_ =	shalt  }
0x5d: {  	_ =	shalt  }
0x5e: {  	_ =	shalt  }
0x5f: {  	_ =	shalt  }
0x60: {  	_ =	shalt  }
0x61: {  	_ =	shalt  }
0x62: {  	_ =	shalt  }
0x63: {  	_ =	shalt  }
0x64: {  	_ =	shalt  }
0x65: {  	_ =	shalt  }
0x66: {  	_ =	shalt  }
0x67: {  	_ =	shalt  }
0x68: {  	_ =	shalt  }
0x69: {  	_ =	shalt  }
0x6a: {  	_ =	shalt  }
0x6b: {  	_ =	shalt  }
0x6c: {  	_ =	shalt  }
0x6d: {  	_ =	shalt  }
0x6e: {  	_ =	shalt  }
0x6f: {  	_ =	shalt  }
0x70: {  	_ =	shalt  }
0x71: {  	_ =	shalt  }
0x72: {  	_ =	shalt  }
0x73: {  	_ =	shalt  }
0x74: {  	_ =	shalt  }
0x75: {  	_ =	shalt  }
0x76: {  	_ =	shalt  }
0x77: {  	_ =	shalt  }
0x78: {  	_ =	shalt  }
0x79: {  	_ =	shalt  }
0x7a: {  	_ =	shalt  }
0x7b: {  	_ =	shalt  }
0x7c: {  	_ =	shalt  }
0x7d: {  	_ =	shalt  }
0x7e: {  	_ =	shalt  }
0x7f: {  	_ =	shalt  }
0x80: {  	_ =	shalt  }
0x81: {  	_ =	shalt  }
0x82: {  	_ =	shalt  }
0x83: {  	_ =	shalt  }
0x84: {  	_ =	shalt  }
0x85: {  	_ =	shalt  }
0x86: {  	_ =	shalt  }
0x87: {  	_ =	shalt  }
.Lfunc_end0:
.L_simem_size_0:
called_computation.2_lowered:
.L_overlay_start_0:
0x88: {  	s2 =	sld [smem:$0x3FD9]  }
0x89: {  	s3 =	sld [smem:$0x3FFE];
	_ =	sdelay $0x1  }
0x8a: {  	s1 =	srdreg.scid  }
0x8b: {  	s0 =	sand.u32 $0x1, s1  }
0x8c: {  	s14 =	sshll.u32 s0, $0xA;
	s2 =	sadd.s32 s3, s2  }
0x8d: {  	s2 =	sadd.s32 s2, s14  }
0x8e: {  	[smem:$0x3FC5] =	sst s2  }
0x8f: {  	_ = 	snop  }
0x90: {  	s2 =	sld [smem:$0x3FD0];
	_ =	sdelay $0x2  }
0x91: {  	s15 =	simm.s32 $0xB;
	s4 =	simm.s32 $0x10  }
0x92: {  	[smem:s4], [sflag:s15] =	dma.local [hbm:s2], $0x1  }
0x93: {  	_ =	swait.eq [sflag:s15], $0x1  }
0x94: {  	s16 =	sld [smem:$0x10]  }
0x95: {  	s17 =	sld [smem:$0x11];
	[sflag:s15] =	ssyncset.done $0x0  }
0x96: {  	s5 =	sld [smem:$0x12];
	[sflag:s15] =	ssyncadd.s32 $0xFFFFFFFF  }
0x97: {  	s18 =	sld [smem:$0x13];
	(tm) =	ssettm $0x1  }
0x98: {  	s6 =	sld [smem:$0x3FFB];
	_ =	sdelay $0x3  }
0x99: {  	_ =	strace s6  }
0x9a: {  	s6 =	sld [smem:$0x3FFC];
	_ =	sdelay $0x3  }
0x9b: {  	_ =	strace s6  }
0x9c: {  	s6 =	sld [smem:$0x3FFD];
	_ =	sdelay $0x3  }
0x9d: {  	_ =	strace s6  }
0x9e: {  	_ =	strace $0x8FFFFFFF  }
0x9f: {  	s19 =	sld [smem:$0x3FDB];
	_ =	sdelay $0x1  }
0xa0: {  	s7 =	simm.s32 $_scs_section_size  }
0xa1: {  	s8 =	simm.s32 $_size__tile_overlayer_lowered;
	s9 =	simm.s32 $_tile_overlayer_lowered  }
0xa2: {  	s22 =	simm.s32 $0x1BFF;
	s21 =	sshll.u32 s9, $0x1;
	s6 =	sadd.s32 s7, s19  }
0xa3: {  	s10 =	simm.s32 $0x0;
	s20 =	sshll.u32 s8, $0x1;
	s8 =	sadd.s32 s21, s6  }
0xa4: {  	[timem:s10], [sflag:s22] =	dma.local [hbm:s8], s20  }
0xa5: {  	_ =	swait.ge [sflag:s22], s20  }
0xa6: {  	s7 =	ssub.s32 $0x0, s20;
	[sflag:s22] =	ssyncset.done $0x0  }
0xa7: {  	[sflag:s22] =	ssyncadd.s32 s7;
	_ =	sdelay $0x1  }
0xa8: {  	s23 =	simm.s32 $0x1B8B  }
0xa9: {  	_ =	swait.ge [sflag:s23], $0x1  }
0xaa: {  	[sflag:s23] =	ssyncset.done $0x0  }
0xab: {  	s25 =	simm.s32 $0x1B8E;
	s24 =	sld [smem:$0x3FFE];
	[sflag:s23] =	ssyncadd.s32 $0xFFFFFFFF  }
0xac: {  	s26 =	simm.s32 $execute0_lowered;
	[smem:$0x3FD2] =	sst s25  }
0xad: {  	s8 =	sshll.u32 s26, $0x1;
	_ =	strace $0x80000046;
	[dreg:$0x1] =	wrdreg $0xFFFFFFFF  }
0xae: {  	s28 =	simm.s32 $_size_execute0_lowered;
	s6 =	sadd.s32 s6, s8;
	[dreg:$0x0] =	wrdreg $0x0  }
0xaf: {  	s8 =	sshll.u32 s28, $0x1;
	[dreg:$0x2] =	wrdreg s6  }
0xb0: {  	[dreg:$0x3] =	wrdreg s8  }
0xb1: {  	[dreg:$0x4] =	wrdreg $0xC0  }
0xb2: {  	_ =	task [dreg:s10], $0x5FFFF  }
0xb3: {  	[dreg:$0x1] =	wrdreg $0xFFFFFFFF  }
0xb4: {  	[dreg:$0x0] =	wrdreg $0x60  }
0xb5: {  	[dreg:$0x2] =	wrdreg s24  }
0xb6: {  	[dreg:$0x3] =	wrdreg s17  }
0xb7: {  	[dreg:$0x4] =	wrdreg s5  }
0xb8: {  	[dreg:$0x5] =	wrdreg s18  }
0xb9: {  	[dreg:$0x6] =	wrdreg s16  }
0xba: {  	[dreg:$0x7] =	wrdreg $0x9  }
0xbb: {  	_ =	task.clear_ibuf [dreg:s10], $0x8FFFF;
	_ =	strace $0x90000046  }
0xbc: {  	s29 =	simm.s32 $0x9;
	_ =	strace $0x80000048  }
0xbd: {  	_ =	swait.ge [sflag:s29], $0x1  }
0xbe: {  	[sflag:s29] =	ssyncadd.s32 $0xFFFFFFFF  }
0xbf: {  	_ =	strace $0x90000048  }
0xc0: {  	_ =	sfence  }
0xc1: {  	s30 =	sld [smem:$0x0];
	_ =	sdelay $0x2  }
0xc2: {  	s31 =	sshll.u32 s1, $0xD;
	s1 =	sshrl.u32 s1, $0x2  }
0xc3: {  	s3 =	sand.u32 $0x4000, s31;
	s1 =	sadd.s32 s1, s30  }
0xc4: {  	s0 =	sor.u32 s3, s0;
	s1 =	sshll.u32 s1, $0x11  }
0xc5: {  	s0 =	sor.u32 s1, s0  }
0xc6: {  	s0 =	sadd.s32 $0x8F2B, s0  }
0xc7: {  	[sflag:s0] =	ssyncadd.remote.s32 $0x1  }
0xc8: {  	_ =	sfence.sel $0xFFFF  }
0xc9: {  	[dreg:$0x0] =	wrdreg $0xFFFFFFFF;
	(pc) =	sbr.abs _section_cstart, $3  }
0xca: {  	[dreg:$0x1] =	wrdreg $0xFFFFFFFF  }
0xcb: {  	_ =	task.clear_ibuf [dreg:s10], $0x2FFFF;
	_ =	strace $0x9FFFFFFF  }
0xcc: {  	(tm) =	ssettm $0x7FFFFFFF  }
0xcd: {  	_ =	shalt  }
tec
execute0_lowered:
.L_overlay_start_1:
0x0: {  	(tag) =	ssettag $0x1  }
0x1: {  	s0 =	rddreg [dreg:$0x0]  }
0x2: {  	s1 =	rddreg [dreg:$0x1]  }
0x3: {  	s2 =	rddreg [dreg:$0x2]  }
0x4: {  	s3 =	rddreg [dreg:$0x3]  }
0x5: {  	s4 =	rddreg [dreg:$0x4]  }
0x6: {  	s5 =	simm.s32 $0x0;
	s24 =	srdreg.scid;
	s14 =	stileid.u32  }
0x7: {  	s19 =	simm.s32 $0x80;
	s20 =	simm.s32 $0x400;
	s23 =	simm.s32 $0x8000  }
0x8: {  	s28 =	simm.s32 $0x12800;
	s30 =	simm.s32 $0x1;
	s22 =	simm.s32 $0x2  }
0x9: {  	[smem:$0x7FF] =	sst s5;
	s6 =	sadd.s32 $0x1C00, s0;
	s8 =	sadd.s32 $0x41C00, s0  }
0xa: {  	s9 =	sadd.s32 $0x81C00, s0;
	s5 =	sand.u32 $0x1, s24;
	s10 =	sadd.s32 $0x85C00, s0  }
0xb: {  	s11 =	sshll.u32 s14, $0xB;
	s16 =	sshll.u32 s14, $0xE;
	s13 =	sshll.u32 s5, $0x6  }
0xc: {  	s17 =	sshll.u32 s14, $0x11;
	_ =	strace $0x80000047;
	s26 =	sor.u32 s13, s11  }
0xd: {  	s25 =	ssub.s32 $0x2, s5;
	s12 =	sshll.u32 s5, $0x2;
	s29 =	sadd.s32 s6, s26  }
0xe: {  	s7 =	sshrl.u32 s25, $0x1;
	s31 =	sadd.s32 s8, s26;
	[dreg:$0x6] =	wrdreg s29  }
0xf: {  	s0 =	ssub.s32 s25, s7;
	s5 =	sadd.s32 s1, s26;
	[dreg:$0x7] =	wrdreg s31  }
0x10: {  	s24 =	simm.s32 $0x8800;
	[dreg:$0x8] =	wrdreg s5;
	s0 =	smax.u32 s0, $0x1  }
0x11: {  	s26 =	simm.s32 $0x12000;
	s7 =	simm.s32 $0x0;
	[dreg:$0x9] =	wrdreg s0  }
.LBB2_1:
0x12: {  	[dreg:$0xa] =	wrdreg s7;
	s0 =	simm.s32 $0x0;
	s18 =	simm.s32 $0x5  }
0x13: {  	[tilespmem:s0], [sflag:$0x5] =	stream.strided.gather [hbm4b:s9+s19], $0x4000, s20, s19, $0x38;
	[tilespmem:$0x1C000] =	vst v63  }
0x14: {  	_ =	swait.ge [sflag:s18], $0x4000  }
0x15: {  	[sflag:s18] =	ssyncset.done $0x0  }
0x16: {  	s5 =	simm.s32 $0x4000;
	[sflag:s18] =	ssyncadd.s32 $0xFFFFC000  }
0x17: {  	[tilespmem:s5], [sflag:$0x5] =	stream.strided.gather [hbm4b:s10+s19], $0x4000, s20, s19, $0x38;
	[tilespmem:$0x1C000] =	vst v63  }
0x18: {  	_ =	swait.ge [sflag:s18], $0x4000  }
0x19: {  	[sflag:s18] =	ssyncset.done $0x0  }
0x1a: {  	s21 =	rddreg [dreg:$0x6];
	[sflag:s18] =	ssyncadd.s32 $0xFFFFC000  }
0x1b: {  	[tilespmem:s23], [sflag:$0x1] =	stream.strided.gather [hbm4b:s21+s19], $0x800, s20, s19, $0x38;
	[tilespmem:$0x1C000] =	vst v63  }
0x1c: {  	s25 =	rddreg [dreg:$0x7]  }
0x1d: {  	[tilespmem:s24], [sflag:$0x1] =	stream.strided.gather [hbm4b:s25+s19], $0x800, s20, s19, $0x38;
	[tilespmem:$0x1C000] =	vst v63  }
0x1e: {  	s31 =	simm.s32 $0x9000;
	s29 =	rddreg [dreg:$0x8];
	s21 =	simm.s32 $0x0  }
0x1f: {  	[tilespmem:s31], [sflag:$0x1] =	stream.strided.gather [hbm4b:s29+s19], $0x800, s20, s19, $0x38;
	[tilespmem:$0x1C000] =	vst v63  }
.LBB2_2:
0x20: {  	s15 =	sshll.u32 s21, $0x1  }
0x21: {  	s0 =	sand.u32 $0x2, s15  }
0x22: {  	s7 =	sor.u32 s0, s12  }
0x23: {  	s5 =	sshll.u32 s21, $0xE;
	s14 =	sor.u32 $0x1, s7  }
0x24: {  	s5 =	sand.u32 $0x38000, s5;
	s13 =	sshll.u32 s14, $0x4  }
0x25: {  	s5 =	sor.u32 s5, s13  }
0x26: {  	s5 =	sor.u32 s11, s5  }
0x27: {  	p0 =	seq.s32 s21, $0x0;
	s25 =	sadd.s32 s6, s5  }
0x28: {  	[tilespmem:s26], [sflag:$0x2] =	stream.strided.gather [hbm4b:s25+s19], $0x800, s20, s19, $0x38;
	[tilespmem:$0x1C000] =	vst v63  }
0x29: {  	s18 =	simm.s32 $0x13000;
	p1 =	sne.s32 @!p0 s0, $0x0;
	s29 =	sadd.s32 s8, s5  }
0x2a: {  	[tilespmem:s28], [sflag:$0x2] =	stream.strided.gather [hbm4b:s29+s19], $0x800, s20, s19, $0x38;
	[tilespmem:$0x1C000] =	vst v63  }
0x2b: {  	s0 =	sshrl.u32 s21, $0x1;
	p1 =	por p1, p0;
	s5 =	sadd.s32 s1, s5  }
0x2c: {  	[tilespmem:s18], [sflag:$0x2] =	stream.strided.gather [hbm4b:s5+s19], $0x800, s20, s19, $0x38;
	[tilespmem:$0x1C000] =	vst v63  }
0x2d: {  	s25 =	simm.s32 @!p1 $0x400;
	s5 =	sshll.u32 @!p1 s0, $0x4  }
0x2e: {  	s29 =	simm.s32 @!p1 $0x0;
	s18 =	simm.s32 @!p1 $0x80;
	s13 =	sadd.s32 @!p1 s9, s5  }
0x2f: {  	[tilespmem:s29], [sflag:$0x5] =	stream.strided.gather @!p1 [hbm4b:s13+s18], $0x4000, s25, s18, $0x38;
	[tilespmem:$0x1C000] =	vst v63  }
0x30: {  	s13 =	simm.s32 @!p1 $0x5  }
0x31: {  	_ =	swait.ge @!p1 [sflag:s13], $0x4000  }
0x32: {  	[sflag:s13] =	ssyncset.done @!p1 $0x0  }
0x33: {  	s5 =	sadd.s32 @!p1 s10, s5;
	s29 =	simm.s32 @!p1 $0x4000;
	[sflag:s13] =	ssyncadd.s32 @!p1 $0xFFFFC000  }
0x34: {  	[tilespmem:s29], [sflag:$0x5] =	stream.strided.gather @!p1 [hbm4b:s5+s18], $0x4000, s25, s18, $0x38;
	[tilespmem:$0x1C000] =	vst v63  }
0x35: {  	_ =	swait.ge @!p1 [sflag:s13], $0x4000  }
0x36: {  	[sflag:s13] =	ssyncset.done @!p1 $0x0  }
0x37: {  	[sflag:s13] =	ssyncadd.s32 @!p1 $0xFFFFC000  }
0x38: {  	_ =	swait.ge [sflag:s30], $0x800  }
0x39: {  	[sflag:s30] =	ssyncset.done $0x0  }
0x3a: {  	[sflag:s30] =	ssyncadd.s32 $0xFFFFF800  }
0x3b: {  	_ =	swait.ge [sflag:s30], $0x800  }
0x3c: {  	[sflag:s30] =	ssyncset.done $0x0  }
0x3d: {  	[sflag:s30] =	ssyncadd.s32 $0xFFFFF800  }
0x3e: {  	_ =	swait.ge [sflag:s30], $0x800  }
0x3f: {  	[sflag:s30] =	ssyncset.done $0x0  }
0x40: {  	s5 =	simm.s32 @!p0 $0x3;
	[sflag:s30] =	ssyncadd.s32 $0xFFFFF800  }
0x41: {  	_ =	swait.ge @!p0 [sflag:s5], $0x4000  }
0x42: {  	[sflag:s5] =	ssyncset.done @!p0 $0x0  }
0x43: {  	[sflag:s5] =	ssyncadd.s32 @!p0 $0xFFFFC000  }
0x44: {  	_ =	swait.ge @!p0 [sflag:s5], $0x4000  }
0x45: {  	[sflag:s5] =	ssyncset.done @!p0 $0x0  }
0x46: {  	[sflag:s5] =	ssyncadd.s32 @!p0 $0xFFFFC000  }
0x47: {  	_ =	swait.ge @!p0 [sflag:s5], $0x800  }
0x48: {  	[sflag:s5] =	ssyncset.done @!p0 $0x0  }
0x49: {  	s25 =	simm.s32 $0x80;
	[sflag:s5] =	ssyncadd.s32 @!p0 $0xFFFFF800  }
0x4a: {  	v0 =	vld [tilespmem:s25+$0x70]  }
0x4b: {  	v1 =	vld [tilespmem:s25+$0xFFFFFF90]  }
0x4c: {  	v2 =	vld [tilespmem:s25+$0xFFFFFFA0]  }
0x4d: {  	v3 =	vld [tilespmem:s25+$0xFFFFFFB0]  }
0x4e: {  	v4 =	vld [tilespmem:s25+$0xFFFFFFC0]  }
0x4f: {  	v5 =	vld [tilespmem:s25+$0xFFFFFFD0]  }
0x50: {  	v6 =	vld [tilespmem:s25+$0xFFFFFFE0]  }
0x51: {  	v7 =	vld [tilespmem:s25+$0xFFFFFFF0]  }
0x52: {  	v8 =	vld [tilespmem:s25+$0x0]  }
0x53: {  	v9 =	vld [tilespmem:s25+$0x10]  }
0x54: {  	v10 =	vld [tilespmem:s25+$0x20]  }
0x55: {  	v11 =	vld [tilespmem:s25+$0x30]  }
0x56: {  	v12 =	vld [tilespmem:s25+$0x40]  }
0x57: {  	v13 =	vld [tilespmem:s25+$0x50]  }
0x58: {  	v14 =	vld [tilespmem:s25+$0x60]  }
0x59: {  	v15 =	vld [tilespmem:s25+$0xFFFFFF80]  }
0x5a: {  	v0 =	vld.idx.msk [tilespmem:v0+s23+$0x0], $0xffff  }
0x5b: {  	v1 =	vld.idx.msk [tilespmem:v1+s23+$0x0], $0xffff  }
0x5c: {  	v2 =	vld.idx.msk [tilespmem:v2+s23+$0x0], $0xffff  }
0x5d: {  	v3 =	vld.idx.msk [tilespmem:v3+s23+$0x0], $0xffff  }
0x5e: {  	v4 =	vld.idx.msk [tilespmem:v4+s23+$0x0], $0xffff  }
0x5f: {  	s5 =	simm.s32 $0x9880;
	v5 =	vld.idx.msk [tilespmem:v5+s23+$0x0], $0xffff  }
0x60: {  	v6 =	vld.idx.msk [tilespmem:v6+s23+$0x0], $0xffff;
	[tilespmem:s5+$0x70] =	vst v0  }
0x61: {  	v7 =	vld.idx.msk [tilespmem:v7+s23+$0x0], $0xffff;
	[tilespmem:s5+$0xFFFFFF90] =	vst v1  }
0x62: {  	v15 =	vld.idx.msk [tilespmem:v15+s23+$0x0], $0xffff;
	[tilespmem:s5+$0xFFFFFFA0] =	vst v2  }
0x63: {  	v8 =	vld.idx.msk [tilespmem:v8+s23+$0x0], $0xffff;
	[tilespmem:s5+$0xFFFFFFB0] =	vst v3  }
0x64: {  	[tilespmem:s5+$0xFFFFFFC0] =	vst v4;
	v0 =	vld.idx.msk [tilespmem:v9+s23+$0x0], $0xffff  }
0x65: {  	[tilespmem:s5+$0xFFFFFFD0] =	vst v5;
	v1 =	vld.idx.msk [tilespmem:v10+s23+$0x0], $0xffff  }
0x66: {  	[tilespmem:s5+$0xFFFFFFE0] =	vst v6;
	v2 =	vld.idx.msk [tilespmem:v11+s23+$0x0], $0xffff  }
0x67: {  	s29 =	sshll.u32 s0, $0x12;
	[tilespmem:s5+$0xFFFFFFF0] =	vst v7;
	v3 =	vld.idx.msk [tilespmem:v12+s23+$0x0], $0xffff  }
0x68: {  	s7 =	sshll.u32 s7, $0x7;
	s18 =	sor.u32 s16, s29;
	[tilespmem:s5+$0xFFFFFF80] =	vst v15;
	v4 =	vld.idx.msk [tilespmem:v13+s23+$0x0], $0xffff  }
0x69: {  	s31 =	sor.u32 s18, s7;
	s13 =	simm.s32 $0x0;
	s25 =	simm.s32 $0x180;
	[tilespmem:s5+$0x0] =	vst v8;
	v5 =	vld.idx.msk [tilespmem:v14+s23+$0x0], $0xffff  }
.LBB2_3:
0x6a: {  	v6 =	vld [tilespmem:s25+$0x70];
	s13 =	sadd.s32 $0x100, s13;
	[tilespmem:s5+$0x10] =	vst v0  }
0x6b: {  	v0 =	vld [tilespmem:s25+$0xFFFFFF90];
	p1 =	slt.u32 s13, $0x3F00;
	[tilespmem:s5+$0x20] =	vst v1  }
0x6c: {  	v1 =	vld [tilespmem:s25+$0xFFFFFFA0];
	[tilespmem:s5+$0x30] =	vst v2  }
0x6d: {  	v2 =	vld [tilespmem:s25+$0xFFFFFFB0];
	[tilespmem:s5+$0x40] =	vst v3  }
0x6e: {  	v3 =	vld [tilespmem:s25+$0xFFFFFFC0];
	[tilespmem:s5+$0x50] =	vst v4  }
0x6f: {  	v4 =	vld [tilespmem:s25+$0xFFFFFFD0];
	[tilespmem:s5+$0x60] =	vst v5  }
0x70: {  	v5 =	vld [tilespmem:s25+$0xFFFFFFE0]  }
0x71: {  	v7 =	vld [tilespmem:s25+$0xFFFFFFF0]  }
0x72: {  	v6 =	vld.idx.msk [tilespmem:v6+s23+$0x0], $0xffff  }
0x73: {  	v8 =	vld [tilespmem:s25+$0x0]  }
0x74: {  	v9 =	vld [tilespmem:s25+$0x10]  }
0x75: {  	v10 =	vld [tilespmem:s25+$0x20]  }
0x76: {  	v11 =	vld [tilespmem:s25+$0x30]  }
0x77: {  	s5 =	sadd.s32 $0x100, s5;
	v12 =	vld [tilespmem:s25+$0x40]  }
0x78: {  	v13 =	vld [tilespmem:s25+$0x50];
	[tilespmem:s5+$0x70] =	vst v6  }
0x79: {  	v6 =	vld [tilespmem:s25+$0x60]  }
0x7a: {  	v14 =	vld [tilespmem:s25+$0xFFFFFF80]  }
0x7b: {  	v0 =	vld.idx.msk [tilespmem:v0+s23+$0x0], $0xffff  }
0x7c: {  	v1 =	vld.idx.msk [tilespmem:v1+s23+$0x0], $0xffff  }
0x7d: {  	v2 =	vld.idx.msk [tilespmem:v2+s23+$0x0], $0xffff  }
0x7e: {  	v3 =	vld.idx.msk [tilespmem:v3+s23+$0x0], $0xffff  }
0x7f: {  	v4 =	vld.idx.msk [tilespmem:v4+s23+$0x0], $0xffff  }
0x80: {  	v5 =	vld.idx.msk [tilespmem:v5+s23+$0x0], $0xffff  }
0x81: {  	[tilespmem:s5+$0xFFFFFF90] =	vst v0;
	v7 =	vld.idx.msk [tilespmem:v7+s23+$0x0], $0xffff  }
0x82: {  	v14 =	vld.idx.msk [tilespmem:v14+s23+$0x0], $0xffff;
	[tilespmem:s5+$0xFFFFFFA0] =	vst v1  }
0x83: {  	[tilespmem:s5+$0xFFFFFFB0] =	vst v2;
	v8 =	vld.idx.msk [tilespmem:v8+s23+$0x0], $0xffff  }
0x84: {  	[tilespmem:s5+$0xFFFFFFC0] =	vst v3;
	v0 =	vld.idx.msk [tilespmem:v9+s23+$0x0], $0xffff  }
.Ltmp0:
0x85: {  	[tilespmem:s5+$0xFFFFFFD0] =	vst v4;
	v1 =	vld.idx.msk [tilespmem:v10+s23+$0x0], $0xffff;
	(pc) =	sbr.rel @p1 .LBB2_3-.Ltmp0, $4  }
0x86: {  	[tilespmem:s5+$0xFFFFFFE0] =	vst v5;
	v2 =	vld.idx.msk [tilespmem:v11+s23+$0x0], $0xffff  }
0x87: {  	[tilespmem:s5+$0xFFFFFFF0] =	vst v7;
	v3 =	vld.idx.msk [tilespmem:v12+s23+$0x0], $0xffff  }
0x88: {  	[tilespmem:s5+$0xFFFFFF80] =	vst v14;
	v4 =	vld.idx.msk [tilespmem:v13+s23+$0x0], $0xffff  }
0x89: {  	s25 =	sadd.s32 $0x100, s25;
	[tilespmem:s5+$0x0] =	vst v8;
	v5 =	vld.idx.msk [tilespmem:v6+s23+$0x0], $0xffff  }
0x8a: {  	[tilespmem:s5+$0x10] =	vst v0  }
0x8b: {  	[tilespmem:s5+$0x20] =	vst v1;
	s0 =	sshll.u32 s0, $0x15  }
0x8c: {  	[tilespmem:s5+$0x30] =	vst v2;
	s29 =	sor.u32 s17, s0  }
0x8d: {  	[tilespmem:s5+$0x40] =	vst v3;
	s0 =	sor.u32 s29, s7  }
0x8e: {  	[tilespmem:s5+$0x50] =	vst v4;
	s0 =	sshrl.u32 s0, $0x3  }
0x8f: {  	s25 =	simm.s32 $0x80;
	s13 =	simm.s32 $0x9800;
	[tilespmem:s5+$0x60] =	vst v5;
	s7 =	sadd.s32 s2, s0  }
0x90: {  	[hbm4b:s7+s25] =	stream.strided.scatter [tilespmem:s13], [sflag:$0x3], $0x4000, s20, s25, $0x38;
	[tilespmem:$0x1C000] =	vst v63  }
0x91: {  	v0 =	vld [tilespmem:s25+$0x70]  }
0x92: {  	v1 =	vld [tilespmem:s25+$0xFFFFFF90]  }
0x93: {  	v2 =	vld [tilespmem:s25+$0xFFFFFFA0]  }
0x94: {  	v3 =	vld [tilespmem:s25+$0xFFFFFFB0]  }
0x95: {  	v4 =	vld [tilespmem:s25+$0xFFFFFFC0]  }
0x96: {  	v5 =	vld [tilespmem:s25+$0xFFFFFFD0]  }
0x97: {  	v6 =	vld [tilespmem:s25+$0xFFFFFFE0]  }
0x98: {  	v7 =	vld [tilespmem:s25+$0xFFFFFFF0]  }
0x99: {  	v8 =	vld [tilespmem:s25+$0x0]  }
0x9a: {  	v9 =	vld [tilespmem:s25+$0x10]  }
0x9b: {  	v10 =	vld [tilespmem:s25+$0x20]  }
0x9c: {  	v11 =	vld [tilespmem:s25+$0x30]  }
0x9d: {  	v12 =	vld [tilespmem:s25+$0x40]  }
0x9e: {  	v13 =	vld [tilespmem:s25+$0x50]  }
0x9f: {  	v14 =	vld [tilespmem:s25+$0x60]  }
0xa0: {  	v15 =	vld [tilespmem:s25+$0xFFFFFF80]  }
0xa1: {  	v0 =	vld.idx.msk [tilespmem:v0+s24+$0x0], $0xffff  }
0xa2: {  	v1 =	vld.idx.msk [tilespmem:v1+s24+$0x0], $0xffff  }
0xa3: {  	v2 =	vld.idx.msk [tilespmem:v2+s24+$0x0], $0xffff  }
0xa4: {  	v3 =	vld.idx.msk [tilespmem:v3+s24+$0x0], $0xffff  }
0xa5: {  	v4 =	vld.idx.msk [tilespmem:v4+s24+$0x0], $0xffff  }
0xa6: {  	s5 =	simm.s32 $0xD880;
	v5 =	vld.idx.msk [tilespmem:v5+s24+$0x0], $0xffff  }
0xa7: {  	v6 =	vld.idx.msk [tilespmem:v6+s24+$0x0], $0xffff;
	[tilespmem:s5+$0x70] =	vst v0  }
0xa8: {  	v7 =	vld.idx.msk [tilespmem:v7+s24+$0x0], $0xffff;
	[tilespmem:s5+$0xFFFFFF90] =	vst v1  }
0xa9: {  	v15 =	vld.idx.msk [tilespmem:v15+s24+$0x0], $0xffff;
	[tilespmem:s5+$0xFFFFFFA0] =	vst v2  }
0xaa: {  	v8 =	vld.idx.msk [tilespmem:v8+s24+$0x0], $0xffff;
	[tilespmem:s5+$0xFFFFFFB0] =	vst v3  }
0xab: {  	[tilespmem:s5+$0xFFFFFFC0] =	vst v4;
	v0 =	vld.idx.msk [tilespmem:v9+s24+$0x0], $0xffff  }
0xac: {  	[tilespmem:s5+$0xFFFFFFD0] =	vst v5;
	v1 =	vld.idx.msk [tilespmem:v10+s24+$0x0], $0xffff  }
0xad: {  	[tilespmem:s5+$0xFFFFFFE0] =	vst v6;
	v2 =	vld.idx.msk [tilespmem:v11+s24+$0x0], $0xffff  }
0xae: {  	[tilespmem:s5+$0xFFFFFFF0] =	vst v7;
	v3 =	vld.idx.msk [tilespmem:v12+s24+$0x0], $0xffff  }
0xaf: {  	[tilespmem:s5+$0xFFFFFF80] =	vst v15;
	v4 =	vld.idx.msk [tilespmem:v13+s24+$0x0], $0xffff  }
0xb0: {  	s7 =	simm.s32 $0x0;
	s13 =	simm.s32 $0x180;
	[tilespmem:s5+$0x0] =	vst v8;
	v5 =	vld.idx.msk [tilespmem:v14+s24+$0x0], $0xffff  }
.LBB2_5:
0xb1: {  	v6 =	vld [tilespmem:s13+$0x70];
	s7 =	sadd.s32 $0x100, s7;
	[tilespmem:s5+$0x10] =	vst v0  }
0xb2: {  	v0 =	vld [tilespmem:s13+$0xFFFFFF90];
	p1 =	slt.u32 s7, $0x3F00;
	[tilespmem:s5+$0x20] =	vst v1  }
0xb3: {  	v1 =	vld [tilespmem:s13+$0xFFFFFFA0];
	[tilespmem:s5+$0x30] =	vst v2  }
0xb4: {  	v2 =	vld [tilespmem:s13+$0xFFFFFFB0];
	[tilespmem:s5+$0x40] =	vst v3  }
0xb5: {  	v3 =	vld [tilespmem:s13+$0xFFFFFFC0];
	[tilespmem:s5+$0x50] =	vst v4  }
0xb6: {  	v4 =	vld [tilespmem:s13+$0xFFFFFFD0];
	[tilespmem:s5+$0x60] =	vst v5  }
0xb7: {  	v5 =	vld [tilespmem:s13+$0xFFFFFFE0]  }
0xb8: {  	v7 =	vld [tilespmem:s13+$0xFFFFFFF0]  }
0xb9: {  	v6 =	vld.idx.msk [tilespmem:v6+s24+$0x0], $0xffff  }
0xba: {  	v8 =	vld [tilespmem:s13+$0x0]  }
0xbb: {  	v9 =	vld [tilespmem:s13+$0x10]  }
0xbc: {  	v10 =	vld [tilespmem:s13+$0x20]  }
0xbd: {  	v11 =	vld [tilespmem:s13+$0x30]  }
0xbe: {  	s5 =	sadd.s32 $0x100, s5;
	v12 =	vld [tilespmem:s13+$0x40]  }
0xbf: {  	v13 =	vld [tilespmem:s13+$0x50];
	[tilespmem:s5+$0x70] =	vst v6  }
0xc0: {  	v6 =	vld [tilespmem:s13+$0x60]  }
0xc1: {  	v14 =	vld [tilespmem:s13+$0xFFFFFF80]  }
0xc2: {  	v0 =	vld.idx.msk [tilespmem:v0+s24+$0x0], $0xffff  }
0xc3: {  	v1 =	vld.idx.msk [tilespmem:v1+s24+$0x0], $0xffff  }
0xc4: {  	v2 =	vld.idx.msk [tilespmem:v2+s24+$0x0], $0xffff  }
0xc5: {  	v3 =	vld.idx.msk [tilespmem:v3+s24+$0x0], $0xffff  }
0xc6: {  	v4 =	vld.idx.msk [tilespmem:v4+s24+$0x0], $0xffff  }
0xc7: {  	v5 =	vld.idx.msk [tilespmem:v5+s24+$0x0], $0xffff  }
0xc8: {  	[tilespmem:s5+$0xFFFFFF90] =	vst v0;
	v7 =	vld.idx.msk [tilespmem:v7+s24+$0x0], $0xffff  }
0xc9: {  	v14 =	vld.idx.msk [tilespmem:v14+s24+$0x0], $0xffff;
	[tilespmem:s5+$0xFFFFFFA0] =	vst v1  }
0xca: {  	[tilespmem:s5+$0xFFFFFFB0] =	vst v2;
	v8 =	vld.idx.msk [tilespmem:v8+s24+$0x0], $0xffff  }
0xcb: {  	[tilespmem:s5+$0xFFFFFFC0] =	vst v3;
	v0 =	vld.idx.msk [tilespmem:v9+s24+$0x0], $0xffff  }
.Ltmp1:
0xcc: {  	[tilespmem:s5+$0xFFFFFFD0] =	vst v4;
	v1 =	vld.idx.msk [tilespmem:v10+s24+$0x0], $0xffff;
	(pc) =	sbr.rel @p1 .LBB2_5-.Ltmp1, $4  }
0xcd: {  	[tilespmem:s5+$0xFFFFFFE0] =	vst v5;
	v2 =	vld.idx.msk [tilespmem:v11+s24+$0x0], $0xffff  }
0xce: {  	[tilespmem:s5+$0xFFFFFFF0] =	vst v7;
	v3 =	vld.idx.msk [tilespmem:v12+s24+$0x0], $0xffff  }
0xcf: {  	[tilespmem:s5+$0xFFFFFF80] =	vst v14;
	v4 =	vld.idx.msk [tilespmem:v13+s24+$0x0], $0xffff  }
0xd0: {  	s13 =	sadd.s32 $0x100, s13;
	[tilespmem:s5+$0x0] =	vst v8;
	v5 =	vld.idx.msk [tilespmem:v6+s24+$0x0], $0xffff  }
0xd1: {  	[tilespmem:s5+$0x10] =	vst v0  }
0xd2: {  	[tilespmem:s5+$0x20] =	vst v1  }
0xd3: {  	[tilespmem:s5+$0x30] =	vst v2  }
0xd4: {  	[tilespmem:s5+$0x40] =	vst v3  }
0xd5: {  	[tilespmem:s5+$0x50] =	vst v4  }
0xd6: {  	s0 =	sadd.s32 s3, s0;
	s13 =	simm.s32 $0xD800;
	s25 =	simm.s32 $0x6000;
	[tilespmem:s5+$0x60] =	vst v5  }
0xd7: {  	[hbm4b:s0+s19] =	stream.strided.scatter [tilespmem:s13], [sflag:$0x3], $0x4000, s20, s19, $0x38;
	[tilespmem:$0x1C000] =	vst v63  }
0xd8: {  	v0 =	vld [tilespmem:s25+$0xFFFFE070]  }
0xd9: {  	v1 =	vld [tilespmem:s25+$0xFFFFE000]  }
0xda: {  	v2 =	vld [tilespmem:s25+$0xFFFFE870]  }
0xdb: {  	v3 =	vld [tilespmem:s25+$0xFFFFE010]  }
0xdc: {  	v4 =	vld [tilespmem:s25+$0xFFFFF070]  }
0xdd: {  	v5 =	vld [tilespmem:s25+$0x870]  }
0xde: {  	v6 =	vld [tilespmem:s25+$0xFFFFF870]  }
0xdf: {  	s0 =	simm.s32 $0x8040;
	v7 =	vld [tilespmem:s25+$0x70]  }
0xe0: {  	v8 =	vld [tilespmem:s0+$0x30]  }
0xe1: {  	v9 =	vld [tilespmem:s25+$0x1070]  }
0xe2: {  	v10 =	vld [tilespmem:s25+$0x1870]  }
0xe3: {  	v11 =	vld [tilespmem:s25+$0xFFFFE020]  }
0xe4: {  	v12 =	vld [tilespmem:s25+$0xFFFFE030]  }
0xe5: {  	v13 =	vld [tilespmem:s25+$0xFFFFE040]  }
0xe6: {  	v14 =	vld [tilespmem:s25+$0xFFFFE050]  }
0xe7: {  	v15 =	vld [tilespmem:s25+$0xFFFFE060]  }
0xe8: {  	v16 =	vld [tilespmem:s25+$0xFFFFE800]  }
0xe9: {  	v17 =	vld [tilespmem:s25+$0xFFFFE810]  }
0xea: {  	s7 =	simm.s32 $0x9040;
	v18 =	vld [tilespmem:s25+$0xFFFFE820]  }
0xeb: {  	v19 =	vld [tilespmem:s7+$0x30]  }
0xec: {  	v20 =	vld [tilespmem:s25+$0xFFFFE830]  }
0xed: {  	v21 =	vld [tilespmem:s25+$0xFFFFE840]  }
0xee: {  	v22 =	vld [tilespmem:s25+$0xFFFFE850]  }
0xef: {  	v23 =	vld [tilespmem:s25+$0xFFFFE860]  }
0xf0: {  	v24 =	vld [tilespmem:s25+$0xFFFFF000]  }
0xf1: {  	v25 =	vld [tilespmem:s25+$0xFFFFF010]  }
0xf2: {  	v26 =	vld [tilespmem:s25+$0xFFFFF020]  }
0xf3: {  	v27 =	vld [tilespmem:s25+$0xFFFFF030]  }
0xf4: {  	v28 =	vld [tilespmem:s25+$0xFFFFF040]  }
0xf5: {  	v29 =	vld [tilespmem:s25+$0xFFFFF050]  }
0xf6: {  	v30 =	vld [tilespmem:s25+$0xFFFFF060]  }
0xf7: {  	v31 =	vld [tilespmem:s0+$0xFFFFFFD0]  }
0xf8: {  	v32 =	vld [tilespmem:s0+$0xFFFFFFE0]  }
0xf9: {  	v33 =	vld [tilespmem:s0+$0xFFFFFFF0]  }
0xfa: {  	v34 =	vld [tilespmem:s0+$0x0]  }
0xfb: {  	v35 =	vld [tilespmem:s0+$0x10]  }
0xfc: {  	v36 =	vld [tilespmem:s0+$0x20]  }
0xfd: {  	v37 =	vld [tilespmem:s0+$0xFFFFFFC0]  }
0xfe: {  	v38 =	vld [tilespmem:s25+$0xFFFFF800]  }
0xff: {  	v39 =	vld [tilespmem:s25+$0xFFFFF810]  }
0x100: {  	v40 =	vld [tilespmem:s25+$0xFFFFF820]  }
0x101: {  	v41 =	vld [tilespmem:s25+$0xFFFFF830]  }
0x102: {  	v42 =	vld [tilespmem:s25+$0xFFFFF840]  }
0x103: {  	v43 =	vld [tilespmem:s25+$0xFFFFF850]  }
0x104: {  	v44 =	vld [tilespmem:s25+$0xFFFFF860]  }
0x105: {  	v45 =	vld [tilespmem:s25+$0x0]  }
0x106: {  	v46 =	vld [tilespmem:s25+$0x10]  }
0x107: {  	v47 =	vld [tilespmem:s25+$0x20]  }
0x108: {  	v48 =	vld [tilespmem:s25+$0x30]  }
0x109: {  	v49 =	vld [tilespmem:s25+$0x40]  }
0x10a: {  	v50 =	vld [tilespmem:s25+$0x50]  }
0x10b: {  	v51 =	vld [tilespmem:s25+$0x60]  }
0x10c: {  	v52 =	vld [tilespmem:s25+$0x800]  }
0x10d: {  	v53 =	vld [tilespmem:s25+$0x810]  }
0x10e: {  	v54 =	vld [tilespmem:s25+$0x820]  }
0x10f: {  	v55 =	vld [tilespmem:s25+$0x830]  }
0x110: {  	v56 =	vld [tilespmem:s25+$0x840]  }
0x111: {  	v57 =	vld [tilespmem:s25+$0x850]  }
0x112: {  	v58 =	vld [tilespmem:s25+$0x860]  }
0x113: {  	v59 =	vld [tilespmem:s25+$0x1010]  }
0x114: {  	v60 =	vld [tilespmem:s25+$0x1030]  }
0x115: {  	v61 =	vld [tilespmem:s25+$0x1050]  }
0x116: {  	v62 =	vld [tilespmem:s25+$0x1860]  }
0x117: {  	v0 =	vld.idx.msk [tilespmem:v0+s23+$0x0], $0xffff  }
0x118: {  	v2 =	vld.idx.msk [tilespmem:v2+s23+$0x0], $0xffff  }
0x119: {  	v4 =	vld.idx.msk [tilespmem:v4+s23+$0x0], $0xffff  }
0x11a: {  	v6 =	vld.idx.msk [tilespmem:v6+s23+$0x0], $0xffff  }
0x11b: {  	v7 =	vld.idx.msk [tilespmem:v7+s23+$0x0], $0xffff  }
0x11c: {  	v5 =	vld.idx.msk [tilespmem:v5+s23+$0x0], $0xffff  }
0x11d: {  	v9 =	vld.idx.msk [tilespmem:v9+s23+$0x0], $0xffff  }
0x11e: {  	v10 =	vld.idx.msk [tilespmem:v10+s23+$0x0], $0xffff  }
0x11f: {  	v1 =	vld.idx.msk [tilespmem:v1+s23+$0x0], $0xffff  }
0x120: {  	v3 =	vld.idx.msk [tilespmem:v3+s23+$0x0], $0xffff  }
0x121: {  	v11 =	vld.idx.msk [tilespmem:v11+s23+$0x0], $0xffff  }
0x122: {  	v12 =	vld.idx.msk [tilespmem:v12+s23+$0x0], $0xffff  }
0x123: {  	v13 =	vld.idx.msk [tilespmem:v13+s23+$0x0], $0xffff  }
0x124: {  	v14 =	vld.idx.msk [tilespmem:v14+s23+$0x0], $0xffff  }
0x125: {  	v15 =	vld.idx.msk [tilespmem:v15+s23+$0x0], $0xffff  }
0x126: {  	v16 =	vld.idx.msk [tilespmem:v16+s23+$0x0], $0xffff  }
0x127: {  	v17 =	vld.idx.msk [tilespmem:v17+s23+$0x0], $0xffff  }
0x128: {  	v18 =	vld.idx.msk [tilespmem:v18+s23+$0x0], $0xffff  }
0x129: {  	v20 =	vld.idx.msk [tilespmem:v20+s23+$0x0], $0xffff  }
0x12a: {  	v21 =	vld.idx.msk [tilespmem:v21+s23+$0x0], $0xffff  }
0x12b: {  	v22 =	vld.idx.msk [tilespmem:v22+s23+$0x0], $0xffff  }
0x12c: {  	v23 =	vld.idx.msk [tilespmem:v23+s23+$0x0], $0xffff  }
0x12d: {  	v24 =	vld.idx.msk [tilespmem:v24+s23+$0x0], $0xffff  }
0x12e: {  	v25 =	vld.idx.msk [tilespmem:v25+s23+$0x0], $0xffff  }
0x12f: {  	v26 =	vld.idx.msk [tilespmem:v26+s23+$0x0], $0xffff  }
0x130: {  	v27 =	vld.idx.msk [tilespmem:v27+s23+$0x0], $0xffff  }
0x131: {  	v28 =	vld.idx.msk [tilespmem:v28+s23+$0x0], $0xffff  }
0x132: {  	v29 =	vld.idx.msk [tilespmem:v29+s23+$0x0], $0xffff  }
0x133: {  	v30 =	vld.idx.msk [tilespmem:v30+s23+$0x0], $0xffff  }
0x134: {  	v38 =	vld.idx.msk [tilespmem:v38+s23+$0x0], $0xffff  }
0x135: {  	v39 =	vld.idx.msk [tilespmem:v39+s23+$0x0], $0xffff  }
0x136: {  	v40 =	vld.idx.msk [tilespmem:v40+s23+$0x0], $0xffff  }
0x137: {  	v41 =	vld.idx.msk [tilespmem:v41+s23+$0x0], $0xffff  }
0x138: {  	v42 =	vld.idx.msk [tilespmem:v42+s23+$0x0], $0xffff  }
0x139: {  	v43 =	vld.idx.msk [tilespmem:v43+s23+$0x0], $0xffff  }
0x13a: {  	v44 =	vld.idx.msk [tilespmem:v44+s23+$0x0], $0xffff  }
0x13b: {  	v45 =	vld.idx.msk [tilespmem:v45+s23+$0x0], $0xffff  }
0x13c: {  	v63 =	vld.idx.msk [tilespmem:v52+s23+$0x0], $0xffff  }
0x13d: {  	v52 =	vld.idx.msk [tilespmem:v57+s23+$0x0], $0xffff  }
0x13e: {  	v0 =	vadd.f32 v0, v8;
	v8 =	vld [tilespmem:s25+$0x1000]  }
0x13f: {  	v3 =	vadd.f32 v3, v31;
	v31 =	vld [tilespmem:s25+$0x1850]  }
0x140: {  	v13 =	vadd.f32 v13, v34;
	v34 =	vld.idx.msk [tilespmem:v53+s23+$0x0], $0xffff  }
0x141: {  	v14 =	vadd.f32 v14, v35;
	v35 =	vld.idx.msk [tilespmem:v54+s23+$0x0], $0xffff  }
0x142: {  	v15 =	vadd.f32 v15, v36;
	v36 =	vld.idx.msk [tilespmem:v55+s23+$0x0], $0xffff  }
0x143: {  	v1 =	vadd.f32 v1, v37;
	v37 =	vld.idx.msk [tilespmem:v56+s23+$0x0], $0xffff  }
0x144: {  	v53 =	vld.idx.msk [tilespmem:v58+s23+$0x0], $0xffff;
	v0 =	vadd.f32 v2, v0  }
0x145: {  	v54 =	vld.idx.msk [tilespmem:v59+s23+$0x0], $0xffff  }
0x146: {  	v55 =	vld.idx.msk [tilespmem:v60+s23+$0x0], $0xffff;
	v0 =	vadd.f32 v4, v0  }
0x147: {  	v2 =	vld [tilespmem:s25+$0x1020]  }
0x148: {  	v4 =	vld [tilespmem:s25+$0x1040];
	v0 =	vadd.f32 v6, v0  }
0x149: {  	v6 =	vld [tilespmem:s25+$0x1060]  }
0x14a: {  	v11 =	vadd.f32 v11, v32;
	v0 =	vadd.f32 v7, v0;
	v7 =	vld.idx.msk [tilespmem:v46+s23+$0x0], $0xffff  }
0x14b: {  	v12 =	vadd.f32 v12, v33;
	v1 =	vadd.f32 v16, v1;
	v46 =	vld.idx.msk [tilespmem:v47+s23+$0x0], $0xffff  }
0x14c: {  	v3 =	vadd.f32 v17, v3;
	v11 =	vadd.f32 v18, v11;
	v47 =	vld.idx.msk [tilespmem:v49+s23+$0x0], $0xffff  }
0x14d: {  	v12 =	vadd.f32 v20, v12;
	v13 =	vadd.f32 v21, v13;
	v49 =	vld [tilespmem:s25+$0x1810]  }
0x14e: {  	v14 =	vadd.f32 v22, v14;
	v15 =	vadd.f32 v23, v15;
	v8 =	vld.idx.msk [tilespmem:v8+s23+$0x0], $0xffff  }
0x14f: {  	v1 =	vadd.f32 v24, v1;
	v0 =	vadd.f32 v5, v0;
	v5 =	vld.idx.msk [tilespmem:v48+s23+$0x0], $0xffff  }
0x150: {  	v3 =	vadd.f32 v25, v3;
	v11 =	vadd.f32 v26, v11;
	v48 =	vld.idx.msk [tilespmem:v51+s23+$0x0], $0xffff  }
0x151: {  	v12 =	vadd.f32 v27, v12;
	v51 =	vld [tilespmem:s25+$0x1830];
	v0 =	vadd.f32 v9, v0  }
0x152: {  	v13 =	vadd.f32 v28, v13;
	v14 =	vadd.f32 v29, v14;
	v2 =	vld.idx.msk [tilespmem:v2+s23+$0x0], $0xffff  }
0x153: {  	v15 =	vadd.f32 v30, v15;
	v9 =	vld.idx.msk [tilespmem:v50+s23+$0x0], $0xffff;
	v0 =	vadd.f32 v10, v0  }
0x154: {  	v1 =	vadd.f32 v38, v1;
	v3 =	vadd.f32 v39, v3;
	v50 =	vld [tilespmem:s25+$0x1820]  }
0x155: {  	v11 =	vadd.f32 v40, v11;
	v12 =	vadd.f32 v41, v12;
	v10 =	vld [tilespmem:s25+$0x1800];
	v0 =	vmul.f32 $1.111111120e-01, v0  }
0x156: {  	v13 =	vadd.f32 v42, v13;
	v14 =	vadd.f32 v43, v14;
	v4 =	vld.idx.msk [tilespmem:v4+s23+$0x0], $0xffff  }
0x157: {  	v1 =	vadd.f32 v45, v1;
	v19 =	vadd.f32 v0, v19;
	v0 =	vld [tilespmem:s25+$0x1840]  }
0x158: {  	v15 =	vadd.f32 v44, v15;
	v3 =	vadd.f32 v7, v3;
	v7 =	vld.idx.msk [tilespmem:v61+s23+$0x0], $0xffff  }
0x159: {  	v1 =	vadd.f32 v63, v1;
	v11 =	vadd.f32 v46, v11;
	v6 =	vld.idx.msk [tilespmem:v6+s23+$0x0], $0xffff  }
0x15a: {  	v56 =	vadd.f32 v47, v13;
	v58 =	vld.idx.msk [tilespmem:v49+s23+$0x0], $0xffff;
	v9 =	vadd.f32 v9, v14  }
0x15b: {  	v5 =	vadd.f32 v5, v12;
	v57 =	vadd.f32 v48, v15;
	v60 =	vld.idx.msk [tilespmem:v51+s23+$0x0], $0xffff  }
0x15c: {  	v3 =	vadd.f32 v34, v3;
	v9 =	vadd.f32 v52, v9;
	v59 =	vld.idx.msk [tilespmem:v50+s23+$0x0], $0xffff  }
0x15d: {  	v11 =	vadd.f32 v35, v11;
	v12 =	vadd.f32 v37, v56;
	v10 =	vld.idx.msk [tilespmem:v10+s23+$0x0], $0xffff  }
0x15e: {  	v5 =	vadd.f32 v36, v5;
	v7 =	vadd.f32 v7, v9;
	v9 =	vld [tilespmem:s7+$0xFFFFFFC0]  }
0x15f: {  	v13 =	vadd.f32 v53, v57;
	v2 =	vadd.f32 v2, v11;
	v61 =	vld.idx.msk [tilespmem:v0+s23+$0x0], $0xffff  }
0x160: {  	v0 =	vadd.f32 v8, v1;
	v1 =	vadd.f32 v54, v3;
	v3 =	vld.idx.msk [tilespmem:v31+s23+$0x0], $0xffff  }
0x161: {  	v5 =	vadd.f32 v55, v5;
	v11 =	vadd.f32 v6, v13;
	v8 =	vld.idx.msk [tilespmem:v62+s23+$0x0], $0xffff  }
0x162: {  	v62 =	vld [tilespmem:s7+$0xFFFFFFD0];
	v0 =	vadd.f32 v10, v0;
	v6 =	vadd.f32 v58, v1  }
0x163: {  	v4 =	vadd.f32 v4, v12;
	v2 =	vadd.f32 v59, v2;
	v1 =	vld [tilespmem:s7+$0xFFFFFFE0]  }
0x164: {  	v5 =	vadd.f32 v60, v5;
	v10 =	vmul.f32 $1.111111120e-01, v0;
	v0 =	vld [tilespmem:s7+$0xFFFFFFF0];
	v14 =	vmul.f32 $1.111111120e-01, v6  }
0x165: {  	v63 =	vadd.f32 v61, v4;
	v4 =	vmul.f32 $1.111111120e-01, v2;
	v2 =	vld [tilespmem:s7+$0x0];
	v7 =	vadd.f32 v3, v7  }
0x166: {  	s25 =	simm.s32 $0x11840;
	v5 =	vmul.f32 $1.111111120e-01, v5;
	v3 =	vld [tilespmem:s7+$0x10];
	v9 =	vadd.f32 v10, v9;
	v10 =	vadd.f32 v8, v11  }
0x167: {  	s5 =	simm.s32 $0x0;
	s13 =	simm.s32 $0x6080;
	[tilespmem:s25+$0x30] =	vst v19;
	v11 =	vadd.f32 v14, v62;
	v6 =	vmul.f32 $1.111111120e-01, v63;
	v8 =	vmul.f32 $1.111111120e-01, v7;
	v7 =	vld [tilespmem:s7+$0x20]  }
.LBB2_7:
0x168: {  	v12 =	vld [tilespmem:s13+$0xFFFFE070];
	s5 =	sadd.s32 $0x80, s5;
	[tilespmem:s25+$0xFFFFFFC0] =	vst v9;
	v1 =	vadd.f32 v4, v1;
	v4 =	vmul.f32 $1.111111120e-01, v10  }
0x169: {  	v9 =	vld [tilespmem:s13+$0xFFFFE000];
	p1 =	slt.u32 s5, $0x780;
	[tilespmem:s25+$0xFFFFFFD0] =	vst v11;
	v0 =	vadd.f32 v5, v0  }
0x16a: {  	v5 =	vld [tilespmem:s13+$0xFFFFE870];
	[tilespmem:s25+$0xFFFFFFE0] =	vst v1;
	v1 =	vadd.f32 v6, v2  }
0x16b: {  	v2 =	vld [tilespmem:s13+$0xFFFFE010];
	[tilespmem:s25+$0xFFFFFFF0] =	vst v0;
	v0 =	vadd.f32 v8, v3  }
0x16c: {  	v3 =	vld [tilespmem:s13+$0xFFFFF070];
	[tilespmem:s25+$0x0] =	vst v1;
	v1 =	vadd.f32 v4, v7  }
0x16d: {  	v4 =	vld [tilespmem:s13+$0x870];
	[tilespmem:s25+$0x10] =	vst v0  }
0x16e: {  	v0 =	vld [tilespmem:s13+$0xFFFFF870];
	[tilespmem:s25+$0x20] =	vst v1  }
0x16f: {  	v1 =	vld [tilespmem:s13+$0x70]  }
0x170: {  	s0 =	sadd.s32 $0x80, s0;
	v6 =	vld.idx.msk [tilespmem:v12+s23+$0x0], $0xffff  }
0x171: {  	v7 =	vld [tilespmem:s0+$0x30]  }
0x172: {  	v5 =	vld.idx.msk [tilespmem:v5+s23+$0x0], $0xffff  }
0x173: {  	v8 =	vld [tilespmem:s13+$0x1070]  }
0x174: {  	v3 =	vld.idx.msk [tilespmem:v3+s23+$0x0], $0xffff  }
0x175: {  	v10 =	vld [tilespmem:s13+$0x1870]  }
0x176: {  	v6 =	vadd.f32 v6, v7;
	v0 =	vld.idx.msk [tilespmem:v0+s23+$0x0], $0xffff  }
0x177: {  	v7 =	vld [tilespmem:s13+$0xFFFFE020]  }
0x178: {  	v5 =	vadd.f32 v5, v6;
	v1 =	vld.idx.msk [tilespmem:v1+s23+$0x0], $0xffff  }
0x179: {  	v6 =	vld [tilespmem:s13+$0xFFFFE030]  }
0x17a: {  	v3 =	vadd.f32 v3, v5;
	v4 =	vld.idx.msk [tilespmem:v4+s23+$0x0], $0xffff  }
0x17b: {  	v5 =	vld [tilespmem:s13+$0xFFFFE040]  }
0x17c: {  	v0 =	vadd.f32 v0, v3;
	v3 =	vld.idx.msk [tilespmem:v8+s23+$0x0], $0xffff  }
0x17d: {  	v8 =	vld [tilespmem:s13+$0xFFFFE050]  }
0x17e: {  	v0 =	vadd.f32 v1, v0;
	v1 =	vld.idx.msk [tilespmem:v10+s23+$0x0], $0xffff  }
0x17f: {  	v10 =	vld [tilespmem:s13+$0xFFFFE060]  }
0x180: {  	v11 =	vld [tilespmem:s13+$0xFFFFE800];
	v0 =	vadd.f32 v4, v0  }
0x181: {  	v4 =	vld [tilespmem:s13+$0xFFFFE810]  }
0x182: {  	s7 =	sadd.s32 $0x80, s7;
	v12 =	vld [tilespmem:s13+$0xFFFFE820];
	v0 =	vadd.f32 v3, v0  }
0x183: {  	v3 =	vld [tilespmem:s7+$0x30]  }
0x184: {  	v13 =	vld [tilespmem:s13+$0xFFFFE830];
	v0 =	vadd.f32 v1, v0  }
0x185: {  	v1 =	vld [tilespmem:s13+$0xFFFFE840]  }
0x186: {  	v14 =	vld [tilespmem:s13+$0xFFFFE850];
	v0 =	vmul.f32 $1.111111120e-01, v0  }
0x187: {  	v15 =	vld [tilespmem:s13+$0xFFFFE860]  }
0x188: {  	v16 =	vld [tilespmem:s13+$0xFFFFF000];
	v0 =	vadd.f32 v0, v3  }
0x189: {  	s25 =	sadd.s32 $0x80, s25;
	v3 =	vld [tilespmem:s13+$0xFFFFF010]  }
0x18a: {  	v17 =	vld [tilespmem:s13+$0xFFFFF020];
	[tilespmem:s25+$0x30] =	vst v0  }
0x18b: {  	v0 =	vld [tilespmem:s13+$0xFFFFF030]  }
0x18c: {  	v18 =	vld [tilespmem:s13+$0xFFFFF040]  }
0x18d: {  	v19 =	vld [tilespmem:s13+$0xFFFFF050]  }
0x18e: {  	v20 =	vld [tilespmem:s13+$0xFFFFF060]  }
0x18f: {  	v9 =	vld.idx.msk [tilespmem:v9+s23+$0x0], $0xffff  }
0x190: {  	v2 =	vld.idx.msk [tilespmem:v2+s23+$0x0], $0xffff  }
0x191: {  	v7 =	vld.idx.msk [tilespmem:v7+s23+$0x0], $0xffff  }
0x192: {  	v6 =	vld.idx.msk [tilespmem:v6+s23+$0x0], $0xffff  }
0x193: {  	v5 =	vld.idx.msk [tilespmem:v5+s23+$0x0], $0xffff  }
0x194: {  	v8 =	vld.idx.msk [tilespmem:v8+s23+$0x0], $0xffff  }
0x195: {  	v10 =	vld.idx.msk [tilespmem:v10+s23+$0x0], $0xffff  }
0x196: {  	v21 =	vld [tilespmem:s0+$0xFFFFFFD0]  }
0x197: {  	v22 =	vld [tilespmem:s0+$0xFFFFFFE0]  }
0x198: {  	v23 =	vld [tilespmem:s0+$0xFFFFFFF0]  }
0x199: {  	v24 =	vld [tilespmem:s0+$0x0]  }
0x19a: {  	v25 =	vld [tilespmem:s0+$0x10]  }
0x19b: {  	v2 =	vadd.f32 v2, v21;
	v21 =	vld [tilespmem:s0+$0x20]  }
0x19c: {  	v26 =	vld [tilespmem:s0+$0xFFFFFFC0];
	v7 =	vadd.f32 v7, v22  }
0x19d: {  	v22 =	vld [tilespmem:s13+$0xFFFFF800];
	v6 =	vadd.f32 v6, v23  }
0x19e: {  	v23 =	vld [tilespmem:s13+$0xFFFFF810];
	v5 =	vadd.f32 v5, v24  }
0x19f: {  	v24 =	vld [tilespmem:s13+$0xFFFFF820];
	v8 =	vadd.f32 v8, v25  }
0x1a0: {  	v25 =	vld [tilespmem:s13+$0xFFFFF830];
	v10 =	vadd.f32 v10, v21  }
0x1a1: {  	v9 =	vadd.f32 v9, v26;
	v21 =	vld [tilespmem:s13+$0xFFFFF840]  }
0x1a2: {  	v26 =	vld [tilespmem:s13+$0xFFFFF850]  }
0x1a3: {  	v27 =	vld [tilespmem:s13+$0xFFFFF860]  }
0x1a4: {  	v11 =	vld.idx.msk [tilespmem:v11+s23+$0x0], $0xffff  }
0x1a5: {  	v4 =	vld.idx.msk [tilespmem:v4+s23+$0x0], $0xffff  }
0x1a6: {  	v12 =	vld.idx.msk [tilespmem:v12+s23+$0x0], $0xffff  }
0x1a7: {  	v13 =	vld.idx.msk [tilespmem:v13+s23+$0x0], $0xffff  }
0x1a8: {  	v1 =	vld.idx.msk [tilespmem:v1+s23+$0x0], $0xffff  }
0x1a9: {  	v14 =	vld.idx.msk [tilespmem:v14+s23+$0x0], $0xffff  }
0x1aa: {  	v9 =	vadd.f32 v11, v9;
	v11 =	vld.idx.msk [tilespmem:v15+s23+$0x0], $0xffff  }
0x1ab: {  	v2 =	vadd.f32 v4, v2;
	v15 =	vld [tilespmem:s13+$0x0]  }
0x1ac: {  	v7 =	vadd.f32 v12, v7;
	v4 =	vld [tilespmem:s13+$0x10]  }
0x1ad: {  	v6 =	vadd.f32 v13, v6;
	v12 =	vld [tilespmem:s13+$0x20]  }
0x1ae: {  	v1 =	vadd.f32 v1, v5;
	v13 =	vld [tilespmem:s13+$0x30]  }
0x1af: {  	v8 =	vadd.f32 v14, v8;
	v5 =	vld [tilespmem:s13+$0x40]  }
0x1b0: {  	v10 =	vadd.f32 v11, v10;
	v14 =	vld [tilespmem:s13+$0x50]  }
0x1b1: {  	v11 =	vld [tilespmem:s13+$0x60]  }
0x1b2: {  	v16 =	vld.idx.msk [tilespmem:v16+s23+$0x0], $0xffff  }
0x1b3: {  	v3 =	vld.idx.msk [tilespmem:v3+s23+$0x0], $0xffff  }
0x1b4: {  	v17 =	vld.idx.msk [tilespmem:v17+s23+$0x0], $0xffff  }
0x1b5: {  	v0 =	vld.idx.msk [tilespmem:v0+s23+$0x0], $0xffff  }
0x1b6: {  	v18 =	vld.idx.msk [tilespmem:v18+s23+$0x0], $0xffff  }
0x1b7: {  	v19 =	vld.idx.msk [tilespmem:v19+s23+$0x0], $0xffff  }
0x1b8: {  	v9 =	vadd.f32 v16, v9;
	v16 =	vld.idx.msk [tilespmem:v20+s23+$0x0], $0xffff  }
0x1b9: {  	v2 =	vadd.f32 v3, v2;
	v20 =	vld [tilespmem:s13+$0x800]  }
0x1ba: {  	v7 =	vadd.f32 v17, v7;
	v3 =	vld [tilespmem:s13+$0x810]  }
0x1bb: {  	v0 =	vadd.f32 v0, v6;
	v17 =	vld [tilespmem:s13+$0x820]  }
0x1bc: {  	v1 =	vadd.f32 v18, v1;
	v6 =	vld [tilespmem:s13+$0x830]  }
0x1bd: {  	v8 =	vadd.f32 v19, v8;
	v18 =	vld [tilespmem:s13+$0x840]  }
0x1be: {  	v10 =	vadd.f32 v16, v10;
	v19 =	vld [tilespmem:s13+$0x850]  }
0x1bf: {  	v16 =	vld [tilespmem:s13+$0x860]  }
0x1c0: {  	v22 =	vld.idx.msk [tilespmem:v22+s23+$0x0], $0xffff  }
0x1c1: {  	v23 =	vld.idx.msk [tilespmem:v23+s23+$0x0], $0xffff  }
0x1c2: {  	v24 =	vld.idx.msk [tilespmem:v24+s23+$0x0], $0xffff  }
0x1c3: {  	v25 =	vld.idx.msk [tilespmem:v25+s23+$0x0], $0xffff  }
0x1c4: {  	v21 =	vld.idx.msk [tilespmem:v21+s23+$0x0], $0xffff  }
0x1c5: {  	v26 =	vld.idx.msk [tilespmem:v26+s23+$0x0], $0xffff  }
0x1c6: {  	v9 =	vadd.f32 v22, v9;
	v22 =	vld.idx.msk [tilespmem:v27+s23+$0x0], $0xffff  }
0x1c7: {  	v2 =	vadd.f32 v23, v2;
	v27 =	vld [tilespmem:s13+$0x1000]  }
0x1c8: {  	v7 =	vadd.f32 v24, v7;
	v23 =	vld [tilespmem:s13+$0x1010]  }
0x1c9: {  	v0 =	vadd.f32 v25, v0;
	v24 =	vld [tilespmem:s13+$0x1020]  }
0x1ca: {  	v1 =	vadd.f32 v21, v1;
	v25 =	vld [tilespmem:s13+$0x1030]  }
0x1cb: {  	v8 =	vadd.f32 v26, v8;
	v21 =	vld [tilespmem:s13+$0x1040]  }
0x1cc: {  	v10 =	vadd.f32 v22, v10;
	v26 =	vld [tilespmem:s13+$0x1050]  }
0x1cd: {  	v22 =	vld [tilespmem:s13+$0x1060]  }
0x1ce: {  	v15 =	vld.idx.msk [tilespmem:v15+s23+$0x0], $0xffff  }
0x1cf: {  	v4 =	vld.idx.msk [tilespmem:v4+s23+$0x0], $0xffff  }
0x1d0: {  	v12 =	vld.idx.msk [tilespmem:v12+s23+$0x0], $0xffff  }
0x1d1: {  	v13 =	vld.idx.msk [tilespmem:v13+s23+$0x0], $0xffff  }
0x1d2: {  	v5 =	vld.idx.msk [tilespmem:v5+s23+$0x0], $0xffff  }
0x1d3: {  	v14 =	vld.idx.msk [tilespmem:v14+s23+$0x0], $0xffff  }
0x1d4: {  	v9 =	vadd.f32 v15, v9;
	v11 =	vld.idx.msk [tilespmem:v11+s23+$0x0], $0xffff  }
0x1d5: {  	v2 =	vadd.f32 v4, v2;
	v15 =	vld [tilespmem:s13+$0x1800]  }
0x1d6: {  	v7 =	vadd.f32 v12, v7;
	v4 =	vld [tilespmem:s13+$0x1810]  }
0x1d7: {  	v0 =	vadd.f32 v13, v0;
	v12 =	vld [tilespmem:s13+$0x1820]  }
0x1d8: {  	v1 =	vadd.f32 v5, v1;
	v13 =	vld [tilespmem:s13+$0x1830]  }
0x1d9: {  	v8 =	vadd.f32 v14, v8;
	v5 =	vld [tilespmem:s13+$0x1840]  }
0x1da: {  	v10 =	vadd.f32 v11, v10;
	v14 =	vld [tilespmem:s13+$0x1850]  }
0x1db: {  	v11 =	vld [tilespmem:s13+$0x1860]  }
0x1dc: {  	v20 =	vld.idx.msk [tilespmem:v20+s23+$0x0], $0xffff  }
0x1dd: {  	v3 =	vld.idx.msk [tilespmem:v3+s23+$0x0], $0xffff  }
0x1de: {  	v17 =	vld.idx.msk [tilespmem:v17+s23+$0x0], $0xffff  }
0x1df: {  	v6 =	vld.idx.msk [tilespmem:v6+s23+$0x0], $0xffff  }
0x1e0: {  	v18 =	vld.idx.msk [tilespmem:v18+s23+$0x0], $0xffff  }
0x1e1: {  	v19 =	vld.idx.msk [tilespmem:v19+s23+$0x0], $0xffff  }
0x1e2: {  	v9 =	vadd.f32 v20, v9;
	v16 =	vld.idx.msk [tilespmem:v16+s23+$0x0], $0xffff  }
0x1e3: {  	v2 =	vadd.f32 v3, v2;
	v20 =	vld.idx.msk [tilespmem:v27+s23+$0x0], $0xffff  }
0x1e4: {  	v7 =	vadd.f32 v17, v7;
	v3 =	vld.idx.msk [tilespmem:v23+s23+$0x0], $0xffff  }
0x1e5: {  	v0 =	vadd.f32 v6, v0;
	v17 =	vld.idx.msk [tilespmem:v24+s23+$0x0], $0xffff  }
0x1e6: {  	v1 =	vadd.f32 v18, v1;
	v6 =	vld.idx.msk [tilespmem:v25+s23+$0x0], $0xffff  }
0x1e7: {  	v8 =	vadd.f32 v19, v8;
	v18 =	vld.idx.msk [tilespmem:v21+s23+$0x0], $0xffff  }
0x1e8: {  	v10 =	vadd.f32 v16, v10;
	v19 =	vld.idx.msk [tilespmem:v26+s23+$0x0], $0xffff  }
0x1e9: {  	v9 =	vadd.f32 v20, v9;
	v16 =	vld.idx.msk [tilespmem:v22+s23+$0x0], $0xffff  }
0x1ea: {  	v2 =	vadd.f32 v3, v2;
	v15 =	vld.idx.msk [tilespmem:v15+s23+$0x0], $0xffff  }
0x1eb: {  	v3 =	vld.idx.msk [tilespmem:v4+s23+$0x0], $0xffff;
	v4 =	vadd.f32 v17, v7  }
0x1ec: {  	v0 =	vadd.f32 v6, v0;
	v7 =	vld.idx.msk [tilespmem:v12+s23+$0x0], $0xffff  }
0x1ed: {  	v12 =	vadd.f32 v18, v1;
	v6 =	vld.idx.msk [tilespmem:v13+s23+$0x0], $0xffff  }
0x1ee: {  	v8 =	vadd.f32 v19, v8;
	v5 =	vld.idx.msk [tilespmem:v5+s23+$0x0], $0xffff  }
0x1ef: {  	v10 =	vadd.f32 v16, v10;
	v13 =	vld.idx.msk [tilespmem:v14+s23+$0x0], $0xffff  }
0x1f0: {  	v1 =	vadd.f32 v15, v9;
	v11 =	vld.idx.msk [tilespmem:v11+s23+$0x0], $0xffff  }
0x1f1: {  	v2 =	vadd.f32 v3, v2;
	v9 =	vld [tilespmem:s7+$0xFFFFFFC0]  }
0x1f2: {  	v3 =	vmul.f32 $1.111111120e-01, v1;
	v4 =	vadd.f32 v7, v4;
	v14 =	vld [tilespmem:s7+$0xFFFFFFD0]  }
.Ltmp2:
0x1f3: {  	v7 =	vmul.f32 $1.111111120e-01, v2;
	v2 =	vadd.f32 v6, v0;
	v1 =	vld [tilespmem:s7+$0xFFFFFFE0];
	(pc) =	sbr.rel @p1 .LBB2_7-.Ltmp2, $4  }
0x1f4: {  	v4 =	vmul.f32 $1.111111120e-01, v4;
	v6 =	vadd.f32 v5, v12;
	v0 =	vld [tilespmem:s7+$0xFFFFFFF0]  }
0x1f5: {  	v5 =	vmul.f32 $1.111111120e-01, v2;
	v8 =	vadd.f32 v13, v8;
	v2 =	vld [tilespmem:s7+$0x0]  }
0x1f6: {  	v6 =	vmul.f32 $1.111111120e-01, v6;
	v10 =	vadd.f32 v11, v10;
	v9 =	vadd.f32 v3, v9;
	v3 =	vld [tilespmem:s7+$0x10]  }
0x1f7: {  	s13 =	sadd.s32 $0x80, s13;
	v8 =	vmul.f32 $1.111111120e-01, v8;
	v11 =	vadd.f32 v7, v14;
	v7 =	vld [tilespmem:s7+$0x20]  }
0x1f8: {  	[tilespmem:s25+$0xFFFFFFC0] =	vst v9;
	v1 =	vadd.f32 v4, v1  }
0x1f9: {  	[tilespmem:s25+$0xFFFFFFD0] =	vst v11;
	v0 =	vadd.f32 v5, v0  }
0x1fa: {  	v4 =	vmul.f32 $1.111111120e-01, v10;
	[tilespmem:s25+$0xFFFFFFE0] =	vst v1;
	v1 =	vadd.f32 v6, v2  }
0x1fb: {  	[tilespmem:s25+$0xFFFFFFF0] =	vst v0;
	v0 =	vadd.f32 v8, v3  }
0x1fc: {  	[tilespmem:s25+$0x0] =	vst v1;
	v1 =	vadd.f32 v4, v7  }
0x1fd: {  	s0 =	sshrl.u32 s31, $0x3;
	[tilespmem:s25+$0x10] =	vst v0  }
0x1fe: {  	s5 =	simm.s32 $0x11800;
	p1 =	seq.s32 s21, $0xF;
	s0 =	sadd.s32 s4, s0;
	[tilespmem:s25+$0x20] =	vst v1  }
0x1ff: {  	[hbm4b:s0+s19] =	stream.strided.scatter [tilespmem:s5], [sflag:$0x3], $0x800, s20, s19, $0x38;
	[tilespmem:$0x1C000] =	vst v63  }
0x200: {  	s0 =	sadd.s32 @!p1 $0x2, s15  }
0x201: {  	s5 =	sand.u32 @!p1 $0x2, s0  }
0x202: {  	s0 =	sshll.u32 @!p1 s0, $0xD;
	s5 =	sor.u32 @!p1 s12, s5  }
0x203: {  	s0 =	sand.u32 @!p1 $0x78000, s0;
	s5 =	sshll.u32 @!p1 s5, $0x4  }
0x204: {  	s0 =	sor.u32 @!p1 s0, s5  }
0x205: {  	s7 =	simm.s32 @!p1 $0x80;
	s0 =	sor.u32 @!p1 s11, s0  }
0x206: {  	s13 =	simm.s32 @!p1 $0x400;
	s15 =	simm.s32 @!p1 $0x8000;
	s5 =	sadd.s32 @!p1 s6, s0  }
0x207: {  	[tilespmem:s15], [sflag:$0x1] =	stream.strided.gather @!p1 [hbm4b:s5+s7], $0x800, s13, s7, $0x38;
	[tilespmem:$0x1C000] =	vst v63  }
0x208: {  	s5 =	sadd.s32 @!p1 s8, s0;
	s15 =	simm.s32 @!p1 $0x8800  }
0x209: {  	[tilespmem:s15], [sflag:$0x1] =	stream.strided.gather @!p1 [hbm4b:s5+s7], $0x800, s13, s7, $0x38;
	[tilespmem:$0x1C000] =	vst v63  }
0x20a: {  	s0 =	sadd.s32 @!p1 s1, s0;
	s5 =	simm.s32 @!p1 $0x9000  }
0x20b: {  	[tilespmem:s5], [sflag:$0x1] =	stream.strided.gather @!p1 [hbm4b:s0+s7], $0x800, s13, s7, $0x38;
	[tilespmem:$0x1C000] =	vst v63  }
0x20c: {  	_ =	swait.ge [sflag:s22], $0x800  }
0x20d: {  	[sflag:s22] =	ssyncset.done $0x0  }
0x20e: {  	[sflag:s22] =	ssyncadd.s32 $0xFFFFF800  }
0x20f: {  	_ =	swait.ge [sflag:s22], $0x800  }
0x210: {  	[sflag:s22] =	ssyncset.done $0x0  }
0x211: {  	[sflag:s22] =	ssyncadd.s32 $0xFFFFF800  }
0x212: {  	_ =	swait.ge [sflag:s22], $0x800  }
0x213: {  	[sflag:s22] =	ssyncset.done $0x0  }
0x214: {  	s0 =	simm.s32 @!p0 $0x4;
	[sflag:s22] =	ssyncadd.s32 $0xFFFFF800  }
0x215: {  	_ =	swait.ge @!p0 [sflag:s0], $0x4000  }
0x216: {  	[sflag:s0] =	ssyncset.done @!p0 $0x0  }
0x217: {  	[sflag:s0] =	ssyncadd.s32 @!p0 $0xFFFFC000  }
0x218: {  	_ =	swait.ge @!p0 [sflag:s0], $0x4000  }
0x219: {  	[sflag:s0] =	ssyncset.done @!p0 $0x0  }
0x21a: {  	[sflag:s0] =	ssyncadd.s32 @!p0 $0xFFFFC000  }
0x21b: {  	_ =	swait.ge @!p0 [sflag:s0], $0x800  }
0x21c: {  	[sflag:s0] =	ssyncset.done @!p0 $0x0  }
0x21d: {  	s31 =	simm.s32 $0x80;
	[sflag:s0] =	ssyncadd.s32 @!p0 $0xFFFFF800  }
0x21e: {  	v0 =	vld [tilespmem:s31+$0x70]  }
0x21f: {  	v1 =	vld [tilespmem:s31+$0xFFFFFF90]  }
0x220: {  	v2 =	vld [tilespmem:s31+$0xFFFFFFA0]  }
0x221: {  	v3 =	vld [tilespmem:s31+$0xFFFFFFB0]  }
0x222: {  	v4 =	vld [tilespmem:s31+$0xFFFFFFC0]  }
0x223: {  	v5 =	vld [tilespmem:s31+$0xFFFFFFD0]  }
0x224: {  	v6 =	vld [tilespmem:s31+$0xFFFFFFE0]  }
0x225: {  	v7 =	vld [tilespmem:s31+$0xFFFFFFF0]  }
0x226: {  	v60 =	vld [tilespmem:s31+$0x0]  }
0x227: {  	v61 =	vld [tilespmem:s31+$0x10]  }
0x228: {  	v62 =	vld [tilespmem:s31+$0x20]  }
0x229: {  	v63 =	vld [tilespmem:s31+$0x30]  }
0x22a: {  	v12 =	vld [tilespmem:s31+$0x40]  }
0x22b: {  	v13 =	vld [tilespmem:s31+$0x50]  }
0x22c: {  	v14 =	vld [tilespmem:s31+$0x60]  }
0x22d: {  	v15 =	vld [tilespmem:s31+$0xFFFFFF80]  }
0x22e: {  	v0 =	vld.idx.msk [tilespmem:v0+s26+$0x0], $0xffff  }
0x22f: {  	v1 =	vld.idx.msk [tilespmem:v1+s26+$0x0], $0xffff  }
0x230: {  	v2 =	vld.idx.msk [tilespmem:v2+s26+$0x0], $0xffff  }
0x231: {  	v3 =	vld.idx.msk [tilespmem:v3+s26+$0x0], $0xffff  }
0x232: {  	v4 =	vld.idx.msk [tilespmem:v4+s26+$0x0], $0xffff  }
0x233: {  	s5 =	simm.s32 $0x13880;
	v5 =	vld.idx.msk [tilespmem:v5+s26+$0x0], $0xffff  }
0x234: {  	v6 =	vld.idx.msk [tilespmem:v6+s26+$0x0], $0xffff;
	[tilespmem:s5+$0x70] =	vst v0  }
0x235: {  	v7 =	vld.idx.msk [tilespmem:v7+s26+$0x0], $0xffff;
	[tilespmem:s5+$0xFFFFFF90] =	vst v1  }
0x236: {  	v15 =	vld.idx.msk [tilespmem:v15+s26+$0x0], $0xffff;
	[tilespmem:s5+$0xFFFFFFA0] =	vst v2  }
0x237: {  	v8 =	vld.idx.msk [tilespmem:v60+s26+$0x0], $0xffff;
	[tilespmem:s5+$0xFFFFFFB0] =	vst v3  }
0x238: {  	[tilespmem:s5+$0xFFFFFFC0] =	vst v4;
	v0 =	vld.idx.msk [tilespmem:v61+s26+$0x0], $0xffff  }
0x239: {  	[tilespmem:s5+$0xFFFFFFD0] =	vst v5;
	v1 =	vld.idx.msk [tilespmem:v62+s26+$0x0], $0xffff  }
0x23a: {  	[tilespmem:s5+$0xFFFFFFE0] =	vst v6;
	v2 =	vld.idx.msk [tilespmem:v63+s26+$0x0], $0xffff  }
0x23b: {  	[tilespmem:s5+$0xFFFFFFF0] =	vst v7;
	v3 =	vld.idx.msk [tilespmem:v12+s26+$0x0], $0xffff  }
0x23c: {  	s0 =	sshll.u32 s14, $0x7;
	[tilespmem:s5+$0xFFFFFF80] =	vst v15;
	v4 =	vld.idx.msk [tilespmem:v13+s26+$0x0], $0xffff  }
0x23d: {  	s7 =	simm.s32 $0x0;
	s13 =	simm.s32 $0x180;
	s14 =	sor.u32 s18, s0;
	[tilespmem:s5+$0x0] =	vst v8;
	v5 =	vld.idx.msk [tilespmem:v14+s26+$0x0], $0xffff  }
.LBB2_9:
0x23e: {  	v6 =	vld [tilespmem:s13+$0x70];
	s7 =	sadd.s32 $0x100, s7;
	[tilespmem:s5+$0x10] =	vst v0  }
0x23f: {  	v0 =	vld [tilespmem:s13+$0xFFFFFF90];
	p0 =	slt.u32 s7, $0x3F00;
	[tilespmem:s5+$0x20] =	vst v1  }
0x240: {  	v1 =	vld [tilespmem:s13+$0xFFFFFFA0];
	[tilespmem:s5+$0x30] =	vst v2  }
0x241: {  	v2 =	vld [tilespmem:s13+$0xFFFFFFB0];
	[tilespmem:s5+$0x40] =	vst v3  }
0x242: {  	v3 =	vld [tilespmem:s13+$0xFFFFFFC0];
	[tilespmem:s5+$0x50] =	vst v4  }
0x243: {  	v4 =	vld [tilespmem:s13+$0xFFFFFFD0];
	[tilespmem:s5+$0x60] =	vst v5  }
0x244: {  	v5 =	vld [tilespmem:s13+$0xFFFFFFE0]  }
0x245: {  	v7 =	vld [tilespmem:s13+$0xFFFFFFF0]  }
0x246: {  	v6 =	vld.idx.msk [tilespmem:v6+s26+$0x0], $0xffff  }
0x247: {  	v8 =	vld [tilespmem:s13+$0x0]  }
0x248: {  	v9 =	vld [tilespmem:s13+$0x10]  }
0x249: {  	v10 =	vld [tilespmem:s13+$0x20]  }
0x24a: {  	v11 =	vld [tilespmem:s13+$0x30]  }
0x24b: {  	s5 =	sadd.s32 $0x100, s5;
	v12 =	vld [tilespmem:s13+$0x40]  }
0x24c: {  	v13 =	vld [tilespmem:s13+$0x50];
	[tilespmem:s5+$0x70] =	vst v6  }
0x24d: {  	v6 =	vld [tilespmem:s13+$0x60]  }
0x24e: {  	v14 =	vld [tilespmem:s13+$0xFFFFFF80]  }
0x24f: {  	v0 =	vld.idx.msk [tilespmem:v0+s26+$0x0], $0xffff  }
0x250: {  	v1 =	vld.idx.msk [tilespmem:v1+s26+$0x0], $0xffff  }
0x251: {  	v2 =	vld.idx.msk [tilespmem:v2+s26+$0x0], $0xffff  }
0x252: {  	v3 =	vld.idx.msk [tilespmem:v3+s26+$0x0], $0xffff  }
0x253: {  	v4 =	vld.idx.msk [tilespmem:v4+s26+$0x0], $0xffff  }
0x254: {  	v5 =	vld.idx.msk [tilespmem:v5+s26+$0x0], $0xffff  }
0x255: {  	[tilespmem:s5+$0xFFFFFF90] =	vst v0;
	v7 =	vld.idx.msk [tilespmem:v7+s26+$0x0], $0xffff  }
0x256: {  	v14 =	vld.idx.msk [tilespmem:v14+s26+$0x0], $0xffff;
	[tilespmem:s5+$0xFFFFFFA0] =	vst v1  }
0x257: {  	[tilespmem:s5+$0xFFFFFFB0] =	vst v2;
	v8 =	vld.idx.msk [tilespmem:v8+s26+$0x0], $0xffff  }
0x258: {  	[tilespmem:s5+$0xFFFFFFC0] =	vst v3;
	v0 =	vld.idx.msk [tilespmem:v9+s26+$0x0], $0xffff  }
.Ltmp3:
0x259: {  	[tilespmem:s5+$0xFFFFFFD0] =	vst v4;
	v1 =	vld.idx.msk [tilespmem:v10+s26+$0x0], $0xffff;
	(pc) =	sbr.rel @p0 .LBB2_9-.Ltmp3, $4  }
0x25a: {  	[tilespmem:s5+$0xFFFFFFE0] =	vst v5;
	v2 =	vld.idx.msk [tilespmem:v11+s26+$0x0], $0xffff  }
0x25b: {  	[tilespmem:s5+$0xFFFFFFF0] =	vst v7;
	v3 =	vld.idx.msk [tilespmem:v12+s26+$0x0], $0xffff  }
0x25c: {  	[tilespmem:s5+$0xFFFFFF80] =	vst v14;
	v4 =	vld.idx.msk [tilespmem:v13+s26+$0x0], $0xffff  }
0x25d: {  	s13 =	sadd.s32 $0x100, s13;
	[tilespmem:s5+$0x0] =	vst v8;
	v5 =	vld.idx.msk [tilespmem:v6+s26+$0x0], $0xffff  }
0x25e: {  	[tilespmem:s5+$0x10] =	vst v0  }
0x25f: {  	[tilespmem:s5+$0x20] =	vst v1  }
0x260: {  	[tilespmem:s5+$0x30] =	vst v2  }
0x261: {  	s0 =	sor.u32 s29, s0;
	[tilespmem:s5+$0x40] =	vst v3  }
0x262: {  	s0 =	sshrl.u32 s0, $0x3;
	[tilespmem:s5+$0x50] =	vst v4  }
0x263: {  	s7 =	simm.s32 $0x80;
	s13 =	simm.s32 $0x13800;
	s31 =	sadd.s32 s2, s0;
	[tilespmem:s5+$0x60] =	vst v5  }
0x264: {  	[hbm4b:s31+s7] =	stream.strided.scatter [tilespmem:s13], [sflag:$0x4], $0x4000, s20, s7, $0x38;
	[tilespmem:$0x1C000] =	vst v63  }
0x265: {  	v0 =	vld [tilespmem:s7+$0x70]  }
0x266: {  	v1 =	vld [tilespmem:s7+$0xFFFFFF90]  }
0x267: {  	v2 =	vld [tilespmem:s7+$0xFFFFFFA0]  }
0x268: {  	v3 =	vld [tilespmem:s7+$0xFFFFFFB0]  }
0x269: {  	v4 =	vld [tilespmem:s7+$0xFFFFFFC0]  }
0x26a: {  	v5 =	vld [tilespmem:s7+$0xFFFFFFD0]  }
0x26b: {  	v6 =	vld [tilespmem:s7+$0xFFFFFFE0]  }
0x26c: {  	v7 =	vld [tilespmem:s7+$0xFFFFFFF0]  }
0x26d: {  	v8 =	vld [tilespmem:s7+$0x0]  }
0x26e: {  	v9 =	vld [tilespmem:s7+$0x10]  }
0x26f: {  	v10 =	vld [tilespmem:s7+$0x20]  }
0x270: {  	v11 =	vld [tilespmem:s7+$0x30]  }
0x271: {  	v12 =	vld [tilespmem:s7+$0x40]  }
0x272: {  	v13 =	vld [tilespmem:s7+$0x50]  }
0x273: {  	v14 =	vld [tilespmem:s7+$0x60]  }
0x274: {  	v15 =	vld [tilespmem:s7+$0xFFFFFF80]  }
0x275: {  	v0 =	vld.idx.msk [tilespmem:v0+s28+$0x0], $0xffff  }
0x276: {  	v1 =	vld.idx.msk [tilespmem:v1+s28+$0x0], $0xffff  }
0x277: {  	v2 =	vld.idx.msk [tilespmem:v2+s28+$0x0], $0xffff  }
0x278: {  	v3 =	vld.idx.msk [tilespmem:v3+s28+$0x0], $0xffff  }
0x279: {  	v4 =	vld.idx.msk [tilespmem:v4+s28+$0x0], $0xffff  }
0x27a: {  	s5 =	simm.s32 $0x17880;
	v5 =	vld.idx.msk [tilespmem:v5+s28+$0x0], $0xffff  }
0x27b: {  	v6 =	vld.idx.msk [tilespmem:v6+s28+$0x0], $0xffff;
	[tilespmem:s5+$0x70] =	vst v0  }
0x27c: {  	v7 =	vld.idx.msk [tilespmem:v7+s28+$0x0], $0xffff;
	[tilespmem:s5+$0xFFFFFF90] =	vst v1  }
0x27d: {  	v15 =	vld.idx.msk [tilespmem:v15+s28+$0x0], $0xffff;
	[tilespmem:s5+$0xFFFFFFA0] =	vst v2  }
0x27e: {  	v8 =	vld.idx.msk [tilespmem:v8+s28+$0x0], $0xffff;
	[tilespmem:s5+$0xFFFFFFB0] =	vst v3  }
0x27f: {  	[tilespmem:s5+$0xFFFFFFC0] =	vst v4;
	v0 =	vld.idx.msk [tilespmem:v9+s28+$0x0], $0xffff  }
0x280: {  	[tilespmem:s5+$0xFFFFFFD0] =	vst v5;
	v1 =	vld.idx.msk [tilespmem:v10+s28+$0x0], $0xffff  }
0x281: {  	[tilespmem:s5+$0xFFFFFFE0] =	vst v6;
	v2 =	vld.idx.msk [tilespmem:v11+s28+$0x0], $0xffff  }
0x282: {  	[tilespmem:s5+$0xFFFFFFF0] =	vst v7;
	v3 =	vld.idx.msk [tilespmem:v12+s28+$0x0], $0xffff  }
0x283: {  	[tilespmem:s5+$0xFFFFFF80] =	vst v15;
	v4 =	vld.idx.msk [tilespmem:v13+s28+$0x0], $0xffff  }
0x284: {  	s13 =	simm.s32 $0x180;
	s7 =	simm.s32 $0x0;
	[tilespmem:s5+$0x0] =	vst v8;
	v5 =	vld.idx.msk [tilespmem:v14+s28+$0x0], $0xffff  }
.LBB2_11:
0x285: {  	v6 =	vld [tilespmem:s13+$0x70];
	s7 =	sadd.s32 $0x100, s7;
	[tilespmem:s5+$0x10] =	vst v0  }
0x286: {  	v0 =	vld [tilespmem:s13+$0xFFFFFF90];
	p0 =	slt.u32 s7, $0x3F00;
	[tilespmem:s5+$0x20] =	vst v1  }
0x287: {  	v1 =	vld [tilespmem:s13+$0xFFFFFFA0];
	[tilespmem:s5+$0x30] =	vst v2  }
0x288: {  	v2 =	vld [tilespmem:s13+$0xFFFFFFB0];
	[tilespmem:s5+$0x40] =	vst v3  }
0x289: {  	v3 =	vld [tilespmem:s13+$0xFFFFFFC0];
	[tilespmem:s5+$0x50] =	vst v4  }
0x28a: {  	v4 =	vld [tilespmem:s13+$0xFFFFFFD0];
	[tilespmem:s5+$0x60] =	vst v5  }
0x28b: {  	v5 =	vld [tilespmem:s13+$0xFFFFFFE0]  }
0x28c: {  	v7 =	vld [tilespmem:s13+$0xFFFFFFF0]  }
0x28d: {  	v6 =	vld.idx.msk [tilespmem:v6+s28+$0x0], $0xffff  }
0x28e: {  	v8 =	vld [tilespmem:s13+$0x0]  }
0x28f: {  	v9 =	vld [tilespmem:s13+$0x10]  }
0x290: {  	v10 =	vld [tilespmem:s13+$0x20]  }
0x291: {  	v11 =	vld [tilespmem:s13+$0x30]  }
0x292: {  	s5 =	sadd.s32 $0x100, s5;
	v12 =	vld [tilespmem:s13+$0x40]  }
0x293: {  	v13 =	vld [tilespmem:s13+$0x50];
	[tilespmem:s5+$0x70] =	vst v6  }
0x294: {  	v6 =	vld [tilespmem:s13+$0x60]  }
0x295: {  	v14 =	vld [tilespmem:s13+$0xFFFFFF80]  }
0x296: {  	v0 =	vld.idx.msk [tilespmem:v0+s28+$0x0], $0xffff  }
0x297: {  	v1 =	vld.idx.msk [tilespmem:v1+s28+$0x0], $0xffff  }
0x298: {  	v2 =	vld.idx.msk [tilespmem:v2+s28+$0x0], $0xffff  }
0x299: {  	v3 =	vld.idx.msk [tilespmem:v3+s28+$0x0], $0xffff  }
0x29a: {  	v4 =	vld.idx.msk [tilespmem:v4+s28+$0x0], $0xffff  }
0x29b: {  	v5 =	vld.idx.msk [tilespmem:v5+s28+$0x0], $0xffff  }
0x29c: {  	[tilespmem:s5+$0xFFFFFF90] =	vst v0;
	v7 =	vld.idx.msk [tilespmem:v7+s28+$0x0], $0xffff  }
0x29d: {  	v14 =	vld.idx.msk [tilespmem:v14+s28+$0x0], $0xffff;
	[tilespmem:s5+$0xFFFFFFA0] =	vst v1  }
0x29e: {  	[tilespmem:s5+$0xFFFFFFB0] =	vst v2;
	v8 =	vld.idx.msk [tilespmem:v8+s28+$0x0], $0xffff  }
0x29f: {  	[tilespmem:s5+$0xFFFFFFC0] =	vst v3;
	v0 =	vld.idx.msk [tilespmem:v9+s28+$0x0], $0xffff  }
.Ltmp4:
0x2a0: {  	[tilespmem:s5+$0xFFFFFFD0] =	vst v4;
	v1 =	vld.idx.msk [tilespmem:v10+s28+$0x0], $0xffff;
	(pc) =	sbr.rel @p0 .LBB2_11-.Ltmp4, $4  }
0x2a1: {  	[tilespmem:s5+$0xFFFFFFE0] =	vst v5;
	v2 =	vld.idx.msk [tilespmem:v11+s28+$0x0], $0xffff  }
0x2a2: {  	[tilespmem:s5+$0xFFFFFFF0] =	vst v7;
	v3 =	vld.idx.msk [tilespmem:v12+s28+$0x0], $0xffff  }
0x2a3: {  	[tilespmem:s5+$0xFFFFFF80] =	vst v14;
	v4 =	vld.idx.msk [tilespmem:v13+s28+$0x0], $0xffff  }
0x2a4: {  	s13 =	sadd.s32 $0x100, s13;
	[tilespmem:s5+$0x0] =	vst v8;
	v5 =	vld.idx.msk [tilespmem:v6+s28+$0x0], $0xffff  }
0x2a5: {  	[tilespmem:s5+$0x10] =	vst v0  }
0x2a6: {  	[tilespmem:s5+$0x20] =	vst v1  }
0x2a7: {  	[tilespmem:s5+$0x30] =	vst v2  }
0x2a8: {  	[tilespmem:s5+$0x40] =	vst v3  }
0x2a9: {  	[tilespmem:s5+$0x50] =	vst v4  }
0x2aa: {  	s0 =	sadd.s32 s3, s0;
	s29 =	simm.s32 $0x17800;
	s31 =	simm.s32 $0x6000;
	[tilespmem:s5+$0x60] =	vst v5  }
0x2ab: {  	[hbm4b:s0+s19] =	stream.strided.scatter [tilespmem:s29], [sflag:$0x4], $0x4000, s20, s19, $0x38;
	[tilespmem:$0x1C000] =	vst v63  }
0x2ac: {  	v0 =	vld [tilespmem:s31+$0xFFFFE070]  }
0x2ad: {  	v1 =	vld [tilespmem:s31+$0xFFFFE000]  }
0x2ae: {  	v2 =	vld [tilespmem:s31+$0xFFFFE870]  }
0x2af: {  	v3 =	vld [tilespmem:s31+$0xFFFFE010]  }
0x2b0: {  	v4 =	vld [tilespmem:s31+$0xFFFFF070]  }
0x2b1: {  	v5 =	vld [tilespmem:s31+$0x870]  }
0x2b2: {  	v6 =	vld [tilespmem:s31+$0xFFFFF870]  }
0x2b3: {  	s0 =	simm.s32 $0x12040;
	v7 =	vld [tilespmem:s31+$0x70]  }
0x2b4: {  	v8 =	vld [tilespmem:s0+$0x30]  }
0x2b5: {  	v9 =	vld [tilespmem:s31+$0x1070]  }
0x2b6: {  	v10 =	vld [tilespmem:s31+$0x1870]  }
0x2b7: {  	v11 =	vld [tilespmem:s31+$0xFFFFE020]  }
0x2b8: {  	v12 =	vld [tilespmem:s31+$0xFFFFE030]  }
0x2b9: {  	v13 =	vld [tilespmem:s31+$0xFFFFE040]  }
0x2ba: {  	v14 =	vld [tilespmem:s31+$0xFFFFE050]  }
0x2bb: {  	v15 =	vld [tilespmem:s31+$0xFFFFE060]  }
0x2bc: {  	v16 =	vld [tilespmem:s31+$0xFFFFE800]  }
0x2bd: {  	v17 =	vld [tilespmem:s31+$0xFFFFE810]  }
0x2be: {  	s7 =	simm.s32 $0x13040;
	v18 =	vld [tilespmem:s31+$0xFFFFE820]  }
0x2bf: {  	v19 =	vld [tilespmem:s7+$0x30]  }
0x2c0: {  	v20 =	vld [tilespmem:s31+$0xFFFFE830]  }
0x2c1: {  	v21 =	vld [tilespmem:s31+$0xFFFFE840]  }
0x2c2: {  	v22 =	vld [tilespmem:s31+$0xFFFFE850]  }
0x2c3: {  	v23 =	vld [tilespmem:s31+$0xFFFFE860]  }
0x2c4: {  	v24 =	vld [tilespmem:s31+$0xFFFFF000]  }
0x2c5: {  	v25 =	vld [tilespmem:s31+$0xFFFFF010]  }
0x2c6: {  	v26 =	vld [tilespmem:s31+$0xFFFFF020]  }
0x2c7: {  	v27 =	vld [tilespmem:s31+$0xFFFFF030]  }
0x2c8: {  	v28 =	vld [tilespmem:s31+$0xFFFFF040]  }
0x2c9: {  	v29 =	vld [tilespmem:s31+$0xFFFFF050]  }
0x2ca: {  	v30 =	vld [tilespmem:s31+$0xFFFFF060]  }
0x2cb: {  	v31 =	vld [tilespmem:s0+$0xFFFFFFD0]  }
0x2cc: {  	v32 =	vld [tilespmem:s0+$0xFFFFFFE0]  }
0x2cd: {  	v33 =	vld [tilespmem:s0+$0xFFFFFFF0]  }
0x2ce: {  	v34 =	vld [tilespmem:s0+$0x0]  }
0x2cf: {  	v35 =	vld [tilespmem:s0+$0x10]  }
0x2d0: {  	v36 =	vld [tilespmem:s0+$0x20]  }
0x2d1: {  	v37 =	vld [tilespmem:s0+$0xFFFFFFC0]  }
0x2d2: {  	v38 =	vld [tilespmem:s31+$0xFFFFF800]  }
0x2d3: {  	v39 =	vld [tilespmem:s31+$0xFFFFF810]  }
0x2d4: {  	v40 =	vld [tilespmem:s31+$0xFFFFF820]  }
0x2d5: {  	v41 =	vld [tilespmem:s31+$0xFFFFF830]  }
0x2d6: {  	v42 =	vld [tilespmem:s31+$0xFFFFF840]  }
0x2d7: {  	v43 =	vld [tilespmem:s31+$0xFFFFF850]  }
0x2d8: {  	v44 =	vld [tilespmem:s31+$0xFFFFF860]  }
0x2d9: {  	v45 =	vld [tilespmem:s31+$0x0]  }
0x2da: {  	v46 =	vld [tilespmem:s31+$0x10]  }
0x2db: {  	v47 =	vld [tilespmem:s31+$0x20]  }
0x2dc: {  	v48 =	vld [tilespmem:s31+$0x30]  }
0x2dd: {  	v49 =	vld [tilespmem:s31+$0x40]  }
0x2de: {  	v50 =	vld [tilespmem:s31+$0x50]  }
0x2df: {  	v51 =	vld [tilespmem:s31+$0x60]  }
0x2e0: {  	v52 =	vld [tilespmem:s31+$0x800]  }
0x2e1: {  	v53 =	vld [tilespmem:s31+$0x810]  }
0x2e2: {  	v54 =	vld [tilespmem:s31+$0x820]  }
0x2e3: {  	v55 =	vld [tilespmem:s31+$0x830]  }
0x2e4: {  	v56 =	vld [tilespmem:s31+$0x840]  }
0x2e5: {  	v57 =	vld [tilespmem:s31+$0x850]  }
0x2e6: {  	v58 =	vld [tilespmem:s31+$0x860]  }
0x2e7: {  	v59 =	vld [tilespmem:s31+$0x1010]  }
0x2e8: {  	v60 =	vld [tilespmem:s31+$0x1030]  }
0x2e9: {  	v61 =	vld [tilespmem:s31+$0x1050]  }
0x2ea: {  	v62 =	vld [tilespmem:s31+$0x1860]  }
0x2eb: {  	v0 =	vld.idx.msk [tilespmem:v0+s26+$0x0], $0xffff  }
0x2ec: {  	v2 =	vld.idx.msk [tilespmem:v2+s26+$0x0], $0xffff  }
0x2ed: {  	v4 =	vld.idx.msk [tilespmem:v4+s26+$0x0], $0xffff  }
0x2ee: {  	v6 =	vld.idx.msk [tilespmem:v6+s26+$0x0], $0xffff  }
0x2ef: {  	v7 =	vld.idx.msk [tilespmem:v7+s26+$0x0], $0xffff  }
0x2f0: {  	v5 =	vld.idx.msk [tilespmem:v5+s26+$0x0], $0xffff  }
0x2f1: {  	v9 =	vld.idx.msk [tilespmem:v9+s26+$0x0], $0xffff  }
0x2f2: {  	v10 =	vld.idx.msk [tilespmem:v10+s26+$0x0], $0xffff  }
0x2f3: {  	v1 =	vld.idx.msk [tilespmem:v1+s26+$0x0], $0xffff  }
0x2f4: {  	v3 =	vld.idx.msk [tilespmem:v3+s26+$0x0], $0xffff  }
0x2f5: {  	v11 =	vld.idx.msk [tilespmem:v11+s26+$0x0], $0xffff  }
0x2f6: {  	v12 =	vld.idx.msk [tilespmem:v12+s26+$0x0], $0xffff  }
0x2f7: {  	v13 =	vld.idx.msk [tilespmem:v13+s26+$0x0], $0xffff  }
0x2f8: {  	v14 =	vld.idx.msk [tilespmem:v14+s26+$0x0], $0xffff  }
0x2f9: {  	v15 =	vld.idx.msk [tilespmem:v15+s26+$0x0], $0xffff  }
0x2fa: {  	v16 =	vld.idx.msk [tilespmem:v16+s26+$0x0], $0xffff  }
0x2fb: {  	v17 =	vld.idx.msk [tilespmem:v17+s26+$0x0], $0xffff  }
0x2fc: {  	v18 =	vld.idx.msk [tilespmem:v18+s26+$0x0], $0xffff  }
0x2fd: {  	v20 =	vld.idx.msk [tilespmem:v20+s26+$0x0], $0xffff  }
0x2fe: {  	v21 =	vld.idx.msk [tilespmem:v21+s26+$0x0], $0xffff  }
0x2ff: {  	v22 =	vld.idx.msk [tilespmem:v22+s26+$0x0], $0xffff  }
0x300: {  	v23 =	vld.idx.msk [tilespmem:v23+s26+$0x0], $0xffff  }
0x301: {  	v24 =	vld.idx.msk [tilespmem:v24+s26+$0x0], $0xffff  }
0x302: {  	v25 =	vld.idx.msk [tilespmem:v25+s26+$0x0], $0xffff  }
0x303: {  	v26 =	vld.idx.msk [tilespmem:v26+s26+$0x0], $0xffff  }
0x304: {  	v27 =	vld.idx.msk [tilespmem:v27+s26+$0x0], $0xffff  }
0x305: {  	v28 =	vld.idx.msk [tilespmem:v28+s26+$0x0], $0xffff  }
0x306: {  	v29 =	vld.idx.msk [tilespmem:v29+s26+$0x0], $0xffff  }
0x307: {  	v30 =	vld.idx.msk [tilespmem:v30+s26+$0x0], $0xffff  }
0x308: {  	v38 =	vld.idx.msk [tilespmem:v38+s26+$0x0], $0xffff  }
0x309: {  	v39 =	vld.idx.msk [tilespmem:v39+s26+$0x0], $0xffff  }
0x30a: {  	v40 =	vld.idx.msk [tilespmem:v40+s26+$0x0], $0xffff  }
0x30b: {  	v41 =	vld.idx.msk [tilespmem:v41+s26+$0x0], $0xffff  }
0x30c: {  	v42 =	vld.idx.msk [tilespmem:v42+s26+$0x0], $0xffff  }
0x30d: {  	v43 =	vld.idx.msk [tilespmem:v43+s26+$0x0], $0xffff  }
0x30e: {  	v44 =	vld.idx.msk [tilespmem:v44+s26+$0x0], $0xffff  }
0x30f: {  	v45 =	vld.idx.msk [tilespmem:v45+s26+$0x0], $0xffff  }
0x310: {  	v63 =	vld.idx.msk [tilespmem:v52+s26+$0x0], $0xffff  }
0x311: {  	v52 =	vld.idx.msk [tilespmem:v57+s26+$0x0], $0xffff  }
0x312: {  	v0 =	vadd.f32 v0, v8;
	v8 =	vld [tilespmem:s31+$0x1000]  }
0x313: {  	v3 =	vadd.f32 v3, v31;
	v31 =	vld [tilespmem:s31+$0x1850]  }
0x314: {  	v13 =	vadd.f32 v13, v34;
	v34 =	vld.idx.msk [tilespmem:v53+s26+$0x0], $0xffff  }
0x315: {  	v14 =	vadd.f32 v14, v35;
	v35 =	vld.idx.msk [tilespmem:v54+s26+$0x0], $0xffff  }
0x316: {  	v15 =	vadd.f32 v15, v36;
	v36 =	vld.idx.msk [tilespmem:v55+s26+$0x0], $0xffff  }
0x317: {  	v1 =	vadd.f32 v1, v37;
	v37 =	vld.idx.msk [tilespmem:v56+s26+$0x0], $0xffff  }
0x318: {  	v53 =	vld.idx.msk [tilespmem:v58+s26+$0x0], $0xffff;
	v0 =	vadd.f32 v2, v0  }
0x319: {  	v54 =	vld.idx.msk [tilespmem:v59+s26+$0x0], $0xffff  }
0x31a: {  	v55 =	vld.idx.msk [tilespmem:v60+s26+$0x0], $0xffff;
	v0 =	vadd.f32 v4, v0  }
0x31b: {  	v2 =	vld [tilespmem:s31+$0x1020]  }
0x31c: {  	v4 =	vld [tilespmem:s31+$0x1040];
	v0 =	vadd.f32 v6, v0  }
0x31d: {  	v6 =	vld [tilespmem:s31+$0x1060]  }
0x31e: {  	v11 =	vadd.f32 v11, v32;
	v0 =	vadd.f32 v7, v0;
	v7 =	vld.idx.msk [tilespmem:v46+s26+$0x0], $0xffff  }
0x31f: {  	v12 =	vadd.f32 v12, v33;
	v1 =	vadd.f32 v16, v1;
	v46 =	vld.idx.msk [tilespmem:v47+s26+$0x0], $0xffff  }
0x320: {  	v3 =	vadd.f32 v17, v3;
	v11 =	vadd.f32 v18, v11;
	v47 =	vld.idx.msk [tilespmem:v49+s26+$0x0], $0xffff  }
0x321: {  	v12 =	vadd.f32 v20, v12;
	v13 =	vadd.f32 v21, v13;
	v49 =	vld [tilespmem:s31+$0x1810]  }
0x322: {  	v14 =	vadd.f32 v22, v14;
	v15 =	vadd.f32 v23, v15;
	v8 =	vld.idx.msk [tilespmem:v8+s26+$0x0], $0xffff  }
0x323: {  	v1 =	vadd.f32 v24, v1;
	v0 =	vadd.f32 v5, v0;
	v5 =	vld.idx.msk [tilespmem:v48+s26+$0x0], $0xffff  }
0x324: {  	v3 =	vadd.f32 v25, v3;
	v11 =	vadd.f32 v26, v11;
	v48 =	vld.idx.msk [tilespmem:v51+s26+$0x0], $0xffff  }
0x325: {  	v12 =	vadd.f32 v27, v12;
	v51 =	vld [tilespmem:s31+$0x1830];
	v0 =	vadd.f32 v9, v0  }
0x326: {  	v13 =	vadd.f32 v28, v13;
	v14 =	vadd.f32 v29, v14;
	v2 =	vld.idx.msk [tilespmem:v2+s26+$0x0], $0xffff  }
0x327: {  	v15 =	vadd.f32 v30, v15;
	v9 =	vld.idx.msk [tilespmem:v50+s26+$0x0], $0xffff;
	v0 =	vadd.f32 v10, v0  }
0x328: {  	v1 =	vadd.f32 v38, v1;
	v3 =	vadd.f32 v39, v3;
	v50 =	vld [tilespmem:s31+$0x1820]  }
0x329: {  	v11 =	vadd.f32 v40, v11;
	v12 =	vadd.f32 v41, v12;
	v10 =	vld [tilespmem:s31+$0x1800];
	v0 =	vmul.f32 $1.111111120e-01, v0  }
0x32a: {  	v13 =	vadd.f32 v42, v13;
	v14 =	vadd.f32 v43, v14;
	v4 =	vld.idx.msk [tilespmem:v4+s26+$0x0], $0xffff  }
0x32b: {  	v1 =	vadd.f32 v45, v1;
	v19 =	vadd.f32 v0, v19;
	v0 =	vld [tilespmem:s31+$0x1840]  }
0x32c: {  	v15 =	vadd.f32 v44, v15;
	v3 =	vadd.f32 v7, v3;
	v7 =	vld.idx.msk [tilespmem:v61+s26+$0x0], $0xffff  }
0x32d: {  	v1 =	vadd.f32 v63, v1;
	v11 =	vadd.f32 v46, v11;
	v6 =	vld.idx.msk [tilespmem:v6+s26+$0x0], $0xffff  }
0x32e: {  	v56 =	vadd.f32 v47, v13;
	v58 =	vld.idx.msk [tilespmem:v49+s26+$0x0], $0xffff;
	v9 =	vadd.f32 v9, v14  }
0x32f: {  	v5 =	vadd.f32 v5, v12;
	v57 =	vadd.f32 v48, v15;
	v60 =	vld.idx.msk [tilespmem:v51+s26+$0x0], $0xffff  }
0x330: {  	v3 =	vadd.f32 v34, v3;
	v9 =	vadd.f32 v52, v9;
	v59 =	vld.idx.msk [tilespmem:v50+s26+$0x0], $0xffff  }
0x331: {  	v11 =	vadd.f32 v35, v11;
	v12 =	vadd.f32 v37, v56;
	v10 =	vld.idx.msk [tilespmem:v10+s26+$0x0], $0xffff  }
0x332: {  	v5 =	vadd.f32 v36, v5;
	v7 =	vadd.f32 v7, v9;
	v9 =	vld [tilespmem:s7+$0xFFFFFFC0]  }
0x333: {  	v13 =	vadd.f32 v53, v57;
	v2 =	vadd.f32 v2, v11;
	v61 =	vld.idx.msk [tilespmem:v0+s26+$0x0], $0xffff  }
0x334: {  	v0 =	vadd.f32 v8, v1;
	v1 =	vadd.f32 v54, v3;
	v3 =	vld.idx.msk [tilespmem:v31+s26+$0x0], $0xffff  }
0x335: {  	v5 =	vadd.f32 v55, v5;
	v11 =	vadd.f32 v6, v13;
	v8 =	vld.idx.msk [tilespmem:v62+s26+$0x0], $0xffff  }
0x336: {  	v62 =	vld [tilespmem:s7+$0xFFFFFFD0];
	v0 =	vadd.f32 v10, v0;
	v6 =	vadd.f32 v58, v1  }
0x337: {  	v4 =	vadd.f32 v4, v12;
	v2 =	vadd.f32 v59, v2;
	v1 =	vld [tilespmem:s7+$0xFFFFFFE0]  }
0x338: {  	v5 =	vadd.f32 v60, v5;
	v10 =	vmul.f32 $1.111111120e-01, v0;
	v0 =	vld [tilespmem:s7+$0xFFFFFFF0];
	v14 =	vmul.f32 $1.111111120e-01, v6  }
0x339: {  	v63 =	vadd.f32 v61, v4;
	v4 =	vmul.f32 $1.111111120e-01, v2;
	v2 =	vld [tilespmem:s7+$0x0];
	v7 =	vadd.f32 v3, v7  }
0x33a: {  	s15 =	simm.s32 $0x1B840;
	v5 =	vmul.f32 $1.111111120e-01, v5;
	v3 =	vld [tilespmem:s7+$0x10];
	v9 =	vadd.f32 v10, v9;
	v10 =	vadd.f32 v8, v11  }
0x33b: {  	s13 =	simm.s32 $0x6080;
	s5 =	simm.s32 $0x0;
	[tilespmem:s15+$0x30] =	vst v19;
	v11 =	vadd.f32 v14, v62;
	v6 =	vmul.f32 $1.111111120e-01, v63;
	v8 =	vmul.f32 $1.111111120e-01, v7;
	v7 =	vld [tilespmem:s7+$0x20]  }
.LBB2_13:
0x33c: {  	v12 =	vld [tilespmem:s13+$0xFFFFE070];
	s5 =	sadd.s32 $0x80, s5;
	[tilespmem:s15+$0xFFFFFFC0] =	vst v9;
	v1 =	vadd.f32 v4, v1;
	v4 =	vmul.f32 $1.111111120e-01, v10  }
0x33d: {  	v9 =	vld [tilespmem:s13+$0xFFFFE000];
	p0 =	slt.u32 s5, $0x780;
	[tilespmem:s15+$0xFFFFFFD0] =	vst v11;
	v0 =	vadd.f32 v5, v0  }
0x33e: {  	v5 =	vld [tilespmem:s13+$0xFFFFE870];
	[tilespmem:s15+$0xFFFFFFE0] =	vst v1;
	v1 =	vadd.f32 v6, v2  }
0x33f: {  	v2 =	vld [tilespmem:s13+$0xFFFFE010];
	[tilespmem:s15+$0xFFFFFFF0] =	vst v0;
	v0 =	vadd.f32 v8, v3  }
0x340: {  	v3 =	vld [tilespmem:s13+$0xFFFFF070];
	[tilespmem:s15+$0x0] =	vst v1;
	v1 =	vadd.f32 v4, v7  }
0x341: {  	v4 =	vld [tilespmem:s13+$0x870];
	[tilespmem:s15+$0x10] =	vst v0  }
0x342: {  	v0 =	vld [tilespmem:s13+$0xFFFFF870];
	[tilespmem:s15+$0x20] =	vst v1  }
0x343: {  	v1 =	vld [tilespmem:s13+$0x70]  }
0x344: {  	s0 =	sadd.s32 $0x80, s0;
	v6 =	vld.idx.msk [tilespmem:v12+s26+$0x0], $0xffff  }
0x345: {  	v7 =	vld [tilespmem:s0+$0x30]  }
0x346: {  	v5 =	vld.idx.msk [tilespmem:v5+s26+$0x0], $0xffff  }
0x347: {  	v8 =	vld [tilespmem:s13+$0x1070]  }
0x348: {  	v3 =	vld.idx.msk [tilespmem:v3+s26+$0x0], $0xffff  }
0x349: {  	v10 =	vld [tilespmem:s13+$0x1870]  }
0x34a: {  	v6 =	vadd.f32 v6, v7;
	v0 =	vld.idx.msk [tilespmem:v0+s26+$0x0], $0xffff  }
0x34b: {  	v7 =	vld [tilespmem:s13+$0xFFFFE020]  }
0x34c: {  	v5 =	vadd.f32 v5, v6;
	v1 =	vld.idx.msk [tilespmem:v1+s26+$0x0], $0xffff  }
0x34d: {  	v6 =	vld [tilespmem:s13+$0xFFFFE030]  }
0x34e: {  	v3 =	vadd.f32 v3, v5;
	v4 =	vld.idx.msk [tilespmem:v4+s26+$0x0], $0xffff  }
0x34f: {  	v5 =	vld [tilespmem:s13+$0xFFFFE040]  }
0x350: {  	v0 =	vadd.f32 v0, v3;
	v3 =	vld.idx.msk [tilespmem:v8+s26+$0x0], $0xffff  }
0x351: {  	v8 =	vld [tilespmem:s13+$0xFFFFE050]  }
0x352: {  	v0 =	vadd.f32 v1, v0;
	v1 =	vld.idx.msk [tilespmem:v10+s26+$0x0], $0xffff  }
0x353: {  	v10 =	vld [tilespmem:s13+$0xFFFFE060]  }
0x354: {  	v11 =	vld [tilespmem:s13+$0xFFFFE800];
	v0 =	vadd.f32 v4, v0  }
0x355: {  	v4 =	vld [tilespmem:s13+$0xFFFFE810]  }
0x356: {  	s7 =	sadd.s32 $0x80, s7;
	v12 =	vld [tilespmem:s13+$0xFFFFE820];
	v0 =	vadd.f32 v3, v0  }
0x357: {  	v3 =	vld [tilespmem:s7+$0x30]  }
0x358: {  	v13 =	vld [tilespmem:s13+$0xFFFFE830];
	v0 =	vadd.f32 v1, v0  }
0x359: {  	v1 =	vld [tilespmem:s13+$0xFFFFE840]  }
0x35a: {  	v14 =	vld [tilespmem:s13+$0xFFFFE850];
	v0 =	vmul.f32 $1.111111120e-01, v0  }
0x35b: {  	v15 =	vld [tilespmem:s13+$0xFFFFE860]  }
0x35c: {  	v16 =	vld [tilespmem:s13+$0xFFFFF000];
	v0 =	vadd.f32 v0, v3  }
0x35d: {  	s15 =	sadd.s32 $0x80, s15;
	v3 =	vld [tilespmem:s13+$0xFFFFF010]  }
0x35e: {  	v17 =	vld [tilespmem:s13+$0xFFFFF020];
	[tilespmem:s15+$0x30] =	vst v0  }
0x35f: {  	v0 =	vld [tilespmem:s13+$0xFFFFF030]  }
0x360: {  	v18 =	vld [tilespmem:s13+$0xFFFFF040]  }
0x361: {  	v19 =	vld [tilespmem:s13+$0xFFFFF050]  }
0x362: {  	v20 =	vld [tilespmem:s13+$0xFFFFF060]  }
0x363: {  	v9 =	vld.idx.msk [tilespmem:v9+s26+$0x0], $0xffff  }
0x364: {  	v2 =	vld.idx.msk [tilespmem:v2+s26+$0x0], $0xffff  }
0x365: {  	v7 =	vld.idx.msk [tilespmem:v7+s26+$0x0], $0xffff  }
0x366: {  	v6 =	vld.idx.msk [tilespmem:v6+s26+$0x0], $0xffff  }
0x367: {  	v5 =	vld.idx.msk [tilespmem:v5+s26+$0x0], $0xffff  }
0x368: {  	v8 =	vld.idx.msk [tilespmem:v8+s26+$0x0], $0xffff  }
0x369: {  	v10 =	vld.idx.msk [tilespmem:v10+s26+$0x0], $0xffff  }
0x36a: {  	v21 =	vld [tilespmem:s0+$0xFFFFFFD0]  }
0x36b: {  	v22 =	vld [tilespmem:s0+$0xFFFFFFE0]  }
0x36c: {  	v23 =	vld [tilespmem:s0+$0xFFFFFFF0]  }
0x36d: {  	v24 =	vld [tilespmem:s0+$0x0]  }
0x36e: {  	v25 =	vld [tilespmem:s0+$0x10]  }
0x36f: {  	v2 =	vadd.f32 v2, v21;
	v21 =	vld [tilespmem:s0+$0x20]  }
0x370: {  	v26 =	vld [tilespmem:s0+$0xFFFFFFC0];
	v7 =	vadd.f32 v7, v22  }
0x371: {  	v22 =	vld [tilespmem:s13+$0xFFFFF800];
	v6 =	vadd.f32 v6, v23  }
0x372: {  	v23 =	vld [tilespmem:s13+$0xFFFFF810];
	v5 =	vadd.f32 v5, v24  }
0x373: {  	v24 =	vld [tilespmem:s13+$0xFFFFF820];
	v8 =	vadd.f32 v8, v25  }
0x374: {  	v25 =	vld [tilespmem:s13+$0xFFFFF830];
	v10 =	vadd.f32 v10, v21  }
0x375: {  	v9 =	vadd.f32 v9, v26;
	v21 =	vld [tilespmem:s13+$0xFFFFF840]  }
0x376: {  	v26 =	vld [tilespmem:s13+$0xFFFFF850]  }
0x377: {  	v27 =	vld [tilespmem:s13+$0xFFFFF860]  }
0x378: {  	v11 =	vld.idx.msk [tilespmem:v11+s26+$0x0], $0xffff  }
0x379: {  	v4 =	vld.idx.msk [tilespmem:v4+s26+$0x0], $0xffff  }
0x37a: {  	v12 =	vld.idx.msk [tilespmem:v12+s26+$0x0], $0xffff  }
0x37b: {  	v13 =	vld.idx.msk [tilespmem:v13+s26+$0x0], $0xffff  }
0x37c: {  	v1 =	vld.idx.msk [tilespmem:v1+s26+$0x0], $0xffff  }
0x37d: {  	v14 =	vld.idx.msk [tilespmem:v14+s26+$0x0], $0xffff  }
0x37e: {  	v9 =	vadd.f32 v11, v9;
	v11 =	vld.idx.msk [tilespmem:v15+s26+$0x0], $0xffff  }
0x37f: {  	v2 =	vadd.f32 v4, v2;
	v15 =	vld [tilespmem:s13+$0x0]  }
0x380: {  	v7 =	vadd.f32 v12, v7;
	v4 =	vld [tilespmem:s13+$0x10]  }
0x381: {  	v6 =	vadd.f32 v13, v6;
	v12 =	vld [tilespmem:s13+$0x20]  }
0x382: {  	v1 =	vadd.f32 v1, v5;
	v13 =	vld [tilespmem:s13+$0x30]  }
0x383: {  	v8 =	vadd.f32 v14, v8;
	v5 =	vld [tilespmem:s13+$0x40]  }
0x384: {  	v10 =	vadd.f32 v11, v10;
	v14 =	vld [tilespmem:s13+$0x50]  }
0x385: {  	v11 =	vld [tilespmem:s13+$0x60]  }
0x386: {  	v16 =	vld.idx.msk [tilespmem:v16+s26+$0x0], $0xffff  }
0x387: {  	v3 =	vld.idx.msk [tilespmem:v3+s26+$0x0], $0xffff  }
0x388: {  	v17 =	vld.idx.msk [tilespmem:v17+s26+$0x0], $0xffff  }
0x389: {  	v0 =	vld.idx.msk [tilespmem:v0+s26+$0x0], $0xffff  }
0x38a: {  	v18 =	vld.idx.msk [tilespmem:v18+s26+$0x0], $0xffff  }
0x38b: {  	v19 =	vld.idx.msk [tilespmem:v19+s26+$0x0], $0xffff  }
0x38c: {  	v9 =	vadd.f32 v16, v9;
	v16 =	vld.idx.msk [tilespmem:v20+s26+$0x0], $0xffff  }
0x38d: {  	v2 =	vadd.f32 v3, v2;
	v20 =	vld [tilespmem:s13+$0x800]  }
0x38e: {  	v7 =	vadd.f32 v17, v7;
	v3 =	vld [tilespmem:s13+$0x810]  }
0x38f: {  	v0 =	vadd.f32 v0, v6;
	v17 =	vld [tilespmem:s13+$0x820]  }
0x390: {  	v1 =	vadd.f32 v18, v1;
	v6 =	vld [tilespmem:s13+$0x830]  }
0x391: {  	v8 =	vadd.f32 v19, v8;
	v18 =	vld [tilespmem:s13+$0x840]  }
0x392: {  	v10 =	vadd.f32 v16, v10;
	v19 =	vld [tilespmem:s13+$0x850]  }
0x393: {  	v16 =	vld [tilespmem:s13+$0x860]  }
0x394: {  	v22 =	vld.idx.msk [tilespmem:v22+s26+$0x0], $0xffff  }
0x395: {  	v23 =	vld.idx.msk [tilespmem:v23+s26+$0x0], $0xffff  }
0x396: {  	v24 =	vld.idx.msk [tilespmem:v24+s26+$0x0], $0xffff  }
0x397: {  	v25 =	vld.idx.msk [tilespmem:v25+s26+$0x0], $0xffff  }
0x398: {  	v21 =	vld.idx.msk [tilespmem:v21+s26+$0x0], $0xffff  }
0x399: {  	v26 =	vld.idx.msk [tilespmem:v26+s26+$0x0], $0xffff  }
0x39a: {  	v9 =	vadd.f32 v22, v9;
	v22 =	vld.idx.msk [tilespmem:v27+s26+$0x0], $0xffff  }
0x39b: {  	v2 =	vadd.f32 v23, v2;
	v27 =	vld [tilespmem:s13+$0x1000]  }
0x39c: {  	v7 =	vadd.f32 v24, v7;
	v23 =	vld [tilespmem:s13+$0x1010]  }
0x39d: {  	v0 =	vadd.f32 v25, v0;
	v24 =	vld [tilespmem:s13+$0x1020]  }
0x39e: {  	v1 =	vadd.f32 v21, v1;
	v25 =	vld [tilespmem:s13+$0x1030]  }
0x39f: {  	v8 =	vadd.f32 v26, v8;
	v21 =	vld [tilespmem:s13+$0x1040]  }
0x3a0: {  	v10 =	vadd.f32 v22, v10;
	v26 =	vld [tilespmem:s13+$0x1050]  }
0x3a1: {  	v22 =	vld [tilespmem:s13+$0x1060]  }
0x3a2: {  	v15 =	vld.idx.msk [tilespmem:v15+s26+$0x0], $0xffff  }
0x3a3: {  	v4 =	vld.idx.msk [tilespmem:v4+s26+$0x0], $0xffff  }
0x3a4: {  	v12 =	vld.idx.msk [tilespmem:v12+s26+$0x0], $0xffff  }
0x3a5: {  	v13 =	vld.idx.msk [tilespmem:v13+s26+$0x0], $0xffff  }
0x3a6: {  	v5 =	vld.idx.msk [tilespmem:v5+s26+$0x0], $0xffff  }
0x3a7: {  	v14 =	vld.idx.msk [tilespmem:v14+s26+$0x0], $0xffff  }
0x3a8: {  	v9 =	vadd.f32 v15, v9;
	v11 =	vld.idx.msk [tilespmem:v11+s26+$0x0], $0xffff  }
0x3a9: {  	v2 =	vadd.f32 v4, v2;
	v15 =	vld [tilespmem:s13+$0x1800]  }
0x3aa: {  	v7 =	vadd.f32 v12, v7;
	v4 =	vld [tilespmem:s13+$0x1810]  }
0x3ab: {  	v0 =	vadd.f32 v13, v0;
	v12 =	vld [tilespmem:s13+$0x1820]  }
0x3ac: {  	v1 =	vadd.f32 v5, v1;
	v13 =	vld [tilespmem:s13+$0x1830]  }
0x3ad: {  	v8 =	vadd.f32 v14, v8;
	v5 =	vld [tilespmem:s13+$0x1840]  }
0x3ae: {  	v10 =	vadd.f32 v11, v10;
	v14 =	vld [tilespmem:s13+$0x1850]  }
0x3af: {  	v11 =	vld [tilespmem:s13+$0x1860]  }
0x3b0: {  	v20 =	vld.idx.msk [tilespmem:v20+s26+$0x0], $0xffff  }
0x3b1: {  	v3 =	vld.idx.msk [tilespmem:v3+s26+$0x0], $0xffff  }
0x3b2: {  	v17 =	vld.idx.msk [tilespmem:v17+s26+$0x0], $0xffff  }
0x3b3: {  	v6 =	vld.idx.msk [tilespmem:v6+s26+$0x0], $0xffff  }
0x3b4: {  	v18 =	vld.idx.msk [tilespmem:v18+s26+$0x0], $0xffff  }
0x3b5: {  	v19 =	vld.idx.msk [tilespmem:v19+s26+$0x0], $0xffff  }
0x3b6: {  	v9 =	vadd.f32 v20, v9;
	v16 =	vld.idx.msk [tilespmem:v16+s26+$0x0], $0xffff  }
0x3b7: {  	v2 =	vadd.f32 v3, v2;
	v20 =	vld.idx.msk [tilespmem:v27+s26+$0x0], $0xffff  }
0x3b8: {  	v7 =	vadd.f32 v17, v7;
	v3 =	vld.idx.msk [tilespmem:v23+s26+$0x0], $0xffff  }
0x3b9: {  	v0 =	vadd.f32 v6, v0;
	v17 =	vld.idx.msk [tilespmem:v24+s26+$0x0], $0xffff  }
0x3ba: {  	v1 =	vadd.f32 v18, v1;
	v6 =	vld.idx.msk [tilespmem:v25+s26+$0x0], $0xffff  }
0x3bb: {  	v8 =	vadd.f32 v19, v8;
	v18 =	vld.idx.msk [tilespmem:v21+s26+$0x0], $0xffff  }
0x3bc: {  	v10 =	vadd.f32 v16, v10;
	v19 =	vld.idx.msk [tilespmem:v26+s26+$0x0], $0xffff  }
0x3bd: {  	v9 =	vadd.f32 v20, v9;
	v16 =	vld.idx.msk [tilespmem:v22+s26+$0x0], $0xffff  }
0x3be: {  	v2 =	vadd.f32 v3, v2;
	v15 =	vld.idx.msk [tilespmem:v15+s26+$0x0], $0xffff  }
0x3bf: {  	v3 =	vld.idx.msk [tilespmem:v4+s26+$0x0], $0xffff;
	v4 =	vadd.f32 v17, v7  }
0x3c0: {  	v0 =	vadd.f32 v6, v0;
	v7 =	vld.idx.msk [tilespmem:v12+s26+$0x0], $0xffff  }
0x3c1: {  	v12 =	vadd.f32 v18, v1;
	v6 =	vld.idx.msk [tilespmem:v13+s26+$0x0], $0xffff  }
0x3c2: {  	v8 =	vadd.f32 v19, v8;
	v5 =	vld.idx.msk [tilespmem:v5+s26+$0x0], $0xffff  }
0x3c3: {  	v10 =	vadd.f32 v16, v10;
	v13 =	vld.idx.msk [tilespmem:v14+s26+$0x0], $0xffff  }
0x3c4: {  	v1 =	vadd.f32 v15, v9;
	v11 =	vld.idx.msk [tilespmem:v11+s26+$0x0], $0xffff  }
0x3c5: {  	v2 =	vadd.f32 v3, v2;
	v9 =	vld [tilespmem:s7+$0xFFFFFFC0]  }
0x3c6: {  	v3 =	vmul.f32 $1.111111120e-01, v1;
	v4 =	vadd.f32 v7, v4;
	v14 =	vld [tilespmem:s7+$0xFFFFFFD0]  }
.Ltmp5:
0x3c7: {  	v7 =	vmul.f32 $1.111111120e-01, v2;
	v2 =	vadd.f32 v6, v0;
	v1 =	vld [tilespmem:s7+$0xFFFFFFE0];
	(pc) =	sbr.rel @p0 .LBB2_13-.Ltmp5, $4  }
0x3c8: {  	v4 =	vmul.f32 $1.111111120e-01, v4;
	v6 =	vadd.f32 v5, v12;
	v0 =	vld [tilespmem:s7+$0xFFFFFFF0]  }
0x3c9: {  	v5 =	vmul.f32 $1.111111120e-01, v2;
	v8 =	vadd.f32 v13, v8;
	v2 =	vld [tilespmem:s7+$0x0]  }
0x3ca: {  	v6 =	vmul.f32 $1.111111120e-01, v6;
	v10 =	vadd.f32 v11, v10;
	v9 =	vadd.f32 v3, v9;
	v3 =	vld [tilespmem:s7+$0x10]  }
0x3cb: {  	s13 =	sadd.s32 $0x80, s13;
	v8 =	vmul.f32 $1.111111120e-01, v8;
	v11 =	vadd.f32 v7, v14;
	v7 =	vld [tilespmem:s7+$0x20]  }
0x3cc: {  	[tilespmem:s15+$0xFFFFFFC0] =	vst v9;
	v1 =	vadd.f32 v4, v1  }
0x3cd: {  	s21 =	sadd.s32 $0x1, s21;
	[tilespmem:s15+$0xFFFFFFD0] =	vst v11;
	v0 =	vadd.f32 v5, v0  }
0x3ce: {  	v60 =	vmul.f32 $1.111111120e-01, v10;
	p0 =	sne.s32 s21, $0x10;
	[tilespmem:s15+$0xFFFFFFE0] =	vst v1;
	v61 =	vadd.f32 v6, v2  }
.Ltmp6:
0x3cf: {  	[tilespmem:s15+$0xFFFFFFF0] =	vst v0;
	v62 =	vadd.f32 v8, v3;
	(pc) =	sbr.rel @p0 .LBB2_2-.Ltmp6, $4  }
0x3d0: {  	[tilespmem:s15+$0x0] =	vst v61;
	v63 =	vadd.f32 v60, v7  }
0x3d1: {  	s0 =	sshrl.u32 s14, $0x3;
	[tilespmem:s15+$0x10] =	vst v62  }
0x3d2: {  	s5 =	simm.s32 $0x1B800;
	s0 =	sadd.s32 s4, s0;
	[tilespmem:s15+$0x20] =	vst v63  }
0x3d3: {  	[hbm4b:s0+s19] =	stream.strided.scatter [tilespmem:s5], [sflag:$0x4], $0x800, s20, s19, $0x38;
	[tilespmem:$0x1C000] =	vst v63  }
0x3d4: {  	s0 =	simm.s32 $0x3  }
0x3d5: {  	_ =	swait.ge [sflag:s0], $0x4000  }
0x3d6: {  	[sflag:s0] =	ssyncset.done $0x0  }
0x3d7: {  	[sflag:s0] =	ssyncadd.s32 $0xFFFFC000  }
0x3d8: {  	_ =	swait.ge [sflag:s0], $0x4000  }
0x3d9: {  	[sflag:s0] =	ssyncset.done $0x0  }
0x3da: {  	[sflag:s0] =	ssyncadd.s32 $0xFFFFC000  }
0x3db: {  	_ =	swait.ge [sflag:s0], $0x800  }
0x3dc: {  	[sflag:s0] =	ssyncset.done $0x0  }
0x3dd: {  	s5 =	simm.s32 $0x4;
	[sflag:s0] =	ssyncadd.s32 $0xFFFFF800  }
0x3de: {  	_ =	swait.ge [sflag:s5], $0x4000  }
0x3df: {  	[sflag:s5] =	ssyncset.done $0x0  }
0x3e0: {  	[sflag:s5] =	ssyncadd.s32 $0xFFFFC000  }
0x3e1: {  	_ =	swait.ge [sflag:s5], $0x4000  }
0x3e2: {  	[sflag:s5] =	ssyncset.done $0x0  }
0x3e3: {  	[sflag:s5] =	ssyncadd.s32 $0xFFFFC000  }
0x3e4: {  	_ =	swait.ge [sflag:s5], $0x800  }
0x3e5: {  	s7 =	rddreg [dreg:$0xa]  }
0x3e6: {  	s31 =	rddreg [dreg:$0x9];
	s7 =	sadd.s32 $0x1, s7  }
0x3e7: {  	p0 =	sne.s32 s7, s31  }
.Ltmp7:
0x3e8: {  	_ = 	snop;
	(pc) =	sbr.rel @p0 .LBB2_1-.Ltmp7, $3  }
0x3e9: {  	_ =	sdelay $0x1  }
0x3ea: {  	[sflag:s5] =	ssyncset.done $0x0  }
0x3eb: {  	[sflag:s5] =	ssyncadd.s32 $0xFFFFF800  }
0x3ec: {  	_ =	sfence.sel $0x180000  }
0x3ed: {  	[bflag:$0x0] =	sbarrier.arrive $0xFFFF  }
0x3ee: {  	_ =	strace $0x90000047  }
0x3ef: {  	s0 =	stileid.u32;
	[bflag:$0x2] =	sbarrier.arrive $0xFFFF  }
0x3f0: {  	p0 =	sne.s32 s0, $0x0;
	s0 =	rddreg [dreg:$0x5]  }
0x3f1: {  	s0 =	sadd.s32 @!p0 $0x100000, s0  }
0x3f2: {  	[sflag:s0] =	ssyncadd.tile.s32 @!p0 $0x1;
	_ =	shalt  }
.Lfunc_end2:
_tile_overlayer_lowered:
.L_overlay_start_2:
0x3f3: {  	(tag) =	ssettag $0x2  }
0x3f4: {  	s0 =	rddreg [dreg:$0x0];
	s2 =	stileid.u32  }
0x3f5: {  	s1 =	rddreg [dreg:$0x1];
	p0 =	sne.s32 s2, $0x0  }
0x3f6: {  	s3 =	rddreg [dreg:$0x2];
	[bflag:$0x3] =	sbarrier.arrive $0xFFFF;
	s2 =	simm.s32 @!p0 $0x1C05  }
0x3f7: {  	[timem:s3], [sflag:s2] =	dma.local @!p0 [hbm:s0], s1  }
0x3f8: {  	s0 =	simm.s32 @!p0 $0x5  }
0x3f9: {  	_ =	swait.ge @!p0 [sflag:s0], s1  }
0x3fa: {  	s1 =	ssub.s32 @!p0 $0x0, s1;
	[sflag:s0] =	ssyncset.done @!p0 $0x0  }
0x3fb: {  	[sflag:s0] =	ssyncadd.s32 @!p0 s1  }
0x3fc: {  	[bflag:$0x3] =	sbarrier.arrive $0xFFFF  }
0x3fd: {  	_ =	shalt  }

// kernel: sparse-core-data-format-call.1.cloned.1.call-start
scs
called_computation.1_lowered:
.L_overlay_start_0:
0x0: {  	s2 =	sld [smem:$0x3FD9]  }
0x1: {  	s3 =	sld [smem:$0x3FFE];
	_ =	sdelay $0x1  }
0x2: {  	s1 =	srdreg.scid  }
0x3: {  	s0 =	sand.u32 $0x1, s1  }
0x4: {  	s16 =	sshll.u32 s0, $0xA;
	s2 =	sadd.s32 s3, s2  }
0x5: {  	s2 =	sadd.s32 s2, s16  }
0x6: {  	[smem:$0x3FC5] =	sst s2  }
0x7: {  	_ = 	snop  }
0x8: {  	s2 =	sld [smem:$0x3FD0];
	_ =	sdelay $0x2  }
0x9: {  	s17 =	simm.s32 $0xB;
	s4 =	simm.s32 $0x10  }
0xa: {  	[smem:s4], [sflag:s17] =	dma.local [hbm:s2], $0x1  }
0xb: {  	_ =	swait.eq [sflag:s17], $0x1  }
0xc: {  	[sflag:s17] =	ssyncset.done $0x0  }
0xd: {  	[sflag:s17] =	ssyncadd.s32 $0xFFFFFFFF  }
0xe: {  	s18 =	sld [smem:$0x12];
	(tm) =	ssettm $0x1  }
0xf: {  	s19 =	sld [smem:$0x3FFB];
	_ =	sdelay $0x3  }
0x10: {  	_ =	strace s19  }
0x11: {  	s2 =	sld [smem:$0x3FFC];
	_ =	sdelay $0x3  }
0x12: {  	_ =	strace s2  }
0x13: {  	s2 =	sld [smem:$0x3FFD];
	_ =	sdelay $0x3  }
0x14: {  	_ =	strace s2  }
0x15: {  	_ =	strace $0x8FFFFFFF  }
0x16: {  	s20 =	sld [smem:$0x3FDB];
	_ =	sdelay $0x1  }
0x17: {  	s21 =	simm.s32 $_scs_section_size  }
0x18: {  	s5 =	simm.s32 $_size__tile_overlayer_lowered;
	s6 =	simm.s32 $_tile_overlayer_lowered  }
0x19: {  	s7 =	simm.s32 $0x1BFF;
	s22 =	sshll.u32 s6, $0x1;
	s4 =	sadd.s32 s21, s20  }
0x1a: {  	s23 =	simm.s32 $0x0;
	s5 =	sshll.u32 s5, $0x1;
	s6 =	sadd.s32 s22, s4  }
0x1b: {  	[timem:s23], [sflag:s7] =	dma.local [hbm:s6], s5  }
0x1c: {  	_ =	swait.ge [sflag:s7], s5  }
0x1d: {  	s5 =	ssub.s32 $0x0, s5;
	[sflag:s7] =	ssyncset.done $0x0  }
0x1e: {  	[sflag:s7] =	ssyncadd.s32 s5;
	_ =	sdelay $0x1  }
0x1f: {  	s24 =	simm.s32 $0x1B8B  }
0x20: {  	_ =	swait.ge [sflag:s24], $0x1  }
0x21: {  	[sflag:s24] =	ssyncset.done $0x0  }
0x22: {  	[sflag:s24] =	ssyncadd.s32 $0xFFFFFFFF  }
0x23: {  	s5 =	sld [smem:$0x0]  }
0x24: {  	s6 =	sand.u32 $0xFFFFFFFE, s1  }
0x25: {  	p0 =	sne.s32 s1, s6  }
0x26: {  	s6 =	sshll.u32 @p0 s6, $0xE  }
0x27: {  	s6 =	sadd.s32 @p0 $0x11B8D, s6;
	s7 =	sshll.u32 @p0 s5, $0x11  }
0x28: {  	s6 =	sor.u32 @p0 s7, s6  }
0x29: {  	[sflag:s6] =	ssyncadd.remote.s32 @p0 $0x1;
	_ =	sdelay $0x1  }
0x2a: {  	s6 =	simm.s32 @p0 $0x1B8D  }
0x2b: {  	_ =	swait.eq @p0 [sflag:s6], $0x1  }
0x2c: {  	[sflag:s6] =	ssyncadd.s32 @p0 $0xFFFFFFFF  }
0x2d: {  	s7 =	sshll.u32 @!p0 s1, $0xE  }
0x2e: {  	s7 =	sor.u32 @!p0 $0x4000, s7;
	s6 =	simm.s32 @!p0 $0x1B8D  }
0x2f: {  	s5 =	sshll.u32 @!p0 s5, $0x11;
	s7 =	sadd.s32 @!p0 $0x11B8D, s7;
	_ =	swait.eq @!p0 [sflag:s6], $0x1  }
0x30: {  	s5 =	sor.u32 @!p0 s5, s7;
	[sflag:s6] =	ssyncadd.s32 @!p0 $0xFFFFFFFF  }
0x31: {  	s26 =	simm.s32 $0x1B8E;
	s25 =	sld [smem:$0x3FFE];
	[sflag:s5] =	ssyncadd.remote.s32 @!p0 $0x1  }
0x32: {  	s27 =	simm.s32 $execute0_lowered;
	[smem:$0x3FD2] =	sst s26  }
0x33: {  	s6 =	sshll.u32 s27, $0x1;
	_ =	strace $0x8000004C;
	[dreg:$0x1] =	wrdreg $0xFFFFFFFF  }
0x34: {  	s28 =	simm.s32 $_size_execute0_lowered;
	s4 =	sadd.s32 s4, s6;
	[dreg:$0x0] =	wrdreg $0x0  }
0x35: {  	s6 =	sshll.u32 s28, $0x1;
	[dreg:$0x2] =	wrdreg s4  }
0x36: {  	[dreg:$0x3] =	wrdreg s6  }
0x37: {  	[dreg:$0x4] =	wrdreg $0xC0  }
0x38: {  	_ =	task [dreg:s23], $0x5FFFF  }
0x39: {  	[dreg:$0x1] =	wrdreg $0xFFFFFFFF  }
0x3a: {  	[dreg:$0x0] =	wrdreg $0x60  }
0x3b: {  	[dreg:$0x2] =	wrdreg s25  }
0x3c: {  	[dreg:$0x3] =	wrdreg s18  }
0x3d: {  	[dreg:$0x4] =	wrdreg $0xA  }
0x3e: {  	_ =	task.clear_ibuf [dreg:s23], $0x5FFFF;
	_ =	strace $0x9000004C  }
0x3f: {  	s29 =	simm.s32 $0xA;
	_ =	strace $0x8000004E  }
0x40: {  	_ =	swait.ge [sflag:s29], $0x1  }
0x41: {  	[sflag:s29] =	ssyncadd.s32 $0xFFFFFFFF  }
0x42: {  	_ =	strace $0x9000004E  }
0x43: {  	_ =	sfence  }
0x44: {  	s30 =	sld [smem:$0x0];
	_ =	sdelay $0x2  }
0x45: {  	s31 =	sshll.u32 s1, $0xD;
	s1 =	sshrl.u32 s1, $0x2  }
0x46: {  	s4 =	sand.u32 $0x4000, s31;
	s1 =	sadd.s32 s1, s30  }
0x47: {  	s0 =	sor.u32 s4, s0;
	s1 =	sshll.u32 s1, $0x11  }
0x48: {  	s0 =	sor.u32 s1, s0  }
0x49: {  	s0 =	sadd.s32 $0x8F2B, s0  }
0x4a: {  	[sflag:s0] =	ssyncadd.remote.s32 $0x1  }
0x4b: {  	_ =	sfence.sel $0xFFFF  }
0x4c: {  	[dreg:$0x0] =	wrdreg $0xFFFFFFFF;
	(pc) =	sbr.abs _section_cstart, $3  }
0x4d: {  	[dreg:$0x1] =	wrdreg $0xFFFFFFFF  }
0x4e: {  	_ =	task.clear_ibuf [dreg:s23], $0x2FFFF;
	_ =	strace $0x9FFFFFFF  }
0x4f: {  	(tm) =	ssettm $0x7FFFFFFF  }
tec
execute0_lowered:
.L_overlay_start_1:
0x0: {  	(tag) =	ssettag $0x1  }
0x1: {  	s0 =	stileid.u32;
	s4 =	rddreg [dreg:$0x0]  }
0x2: {  	s1 =	srdreg.scid;
	s3 =	rddreg [dreg:$0x1];
	s7 =	simm.s32 $0x1  }
0x3: {  	s31 =	simm.s32 $0x2;
	s2 =	sshll.u32 s0, $0x4;
	s1 =	sshll.u32 s1, $0x8  }
0x4: {  	s16 =	simm.s32 $0x0;
	s9 =	simm.s32 $0x4000;
	s1 =	sor.u32 s2, s1  }
0x5: {  	s14 =	simm.s32 $0x0;
	s15 =	simm.s32 $0x0;
	s2 =	sand.u32 $0x180, s1  }
0x6: {  	s10 =	simm.s32 $0x0;
	s13 =	simm.s32 $0x0;
	s5 =	ssub.s32 $0x800, s2  }
0x7: {  	s4 =	sadd.s32 $0x241C00, s4;
	s1 =	rddreg [dreg:$0x2];
	s6 =	sand.u32 $0x180, s5  }
.Ltmp0:
0x8: {  	_ =	strace $0x8000004D;
	p0 =	sne.s32 s6, $0x0;
	(pc) =	sbr.rel .LBB1_1-.Ltmp0, $4  }
0x9: {  	s11 =	smov.u32 s2;
	s8 =	sshrl.u32 s5, $0x9;
	s7 =	simm.s32 @!p0 $0x0  }
0xa: {  	s5 =	sand.u32 $0x7, s0;
	s6 =	simm.s32 $0x1;
	s7 =	sadd.s32 s7, s8  }
0xb: {  	s12 =	smov.u32 s5;
	[sflag:s6] =	ssyncpa.u1 $0x0;
	s7 =	sshll.u32 s7, $0x3  }
0xc: {  	p0 =	por $0x0, $0x0;
	[sflag:s31] =	ssyncpa.u1 $0x0;
	s8 =	sor.u32 $0x1, s7  }
.LBB1_4:
0xd: {  	v5 =	vld [tilespmem:s20+$0xFFFFFFD0];
	[tilespmem:s19+$0x2040 ss:$0x81] =	vst.msk $0xffff, v1  }
0xe: {  	v58 =	vld [tilespmem:s20+$0xFFFFFFE0];
	[tilespmem:s19+$0x2850 ss:$0x81] =	vst.msk $0xffff, v2  }
0xf: {  	s21 =	sshra.s32 s21, $0x2;
	v59 =	vld [tilespmem:s20+$0xFFFFFFF0];
	[tilespmem:s19+$0x3060 ss:$0x81] =	vst.msk $0xffff, v3  }
0x10: {  	v60 =	vld [tilespmem:s20+$0x0];
	[tilespmem:s19+$0x0 ss:$0x81] =	vst.msk $0xffff, v0;
	s18 =	sadd.s32 s21, s18  }
0x11: {  	v61 =	vld [tilespmem:s20+$0x10];
	[tilespmem:s18+$0x3870 ss:$0x81] =	vst.msk $0xffff, v4  }
0x12: {  	v62 =	vld [tilespmem:s20+$0x20];
	[tilespmem:s18+$0x810 ss:$0x81] =	vst.msk $0xffff, v5  }
0x13: {  	s28 =	sshll.u32 s14, $0x3;
	v63 =	vld [tilespmem:s20+$0xFFFFFFC0];
	s29 =	sand.u32 $0x78, s14;
	[tilespmem:s18+$0x1020 ss:$0x81] =	vst.msk $0xffff, v58  }
0x14: {  	s16 =	sshll.u32 s16, $0x7;
	s15 =	sshll.u32 s15, $0x12;
	s19 =	sand.u32 $0x400, s28;
	[tilespmem:s18+$0x1830 ss:$0x81] =	vst.msk $0xffff, v59  }
0x15: {  	s30 =	sand.u32 $0x700, s14;
	s16 =	sand.u32 $0x380, s16;
	s19 =	sor.u32 s29, s19;
	[tilespmem:s18+$0x2040 ss:$0x81] =	vst.msk $0xffff, v60  }
0x16: {  	s31 =	sand.u32 $0x7, s14;
	s15 =	sadd.s32 s3, s15;
	s16 =	sor.u32 s16, s19;
	[tilespmem:s18+$0x2850 ss:$0x81] =	vst.msk $0xffff, v61  }
0x17: {  	s14 =	sshll.u32 s31, $0x12;
	s15 =	sadd.s32 s30, s15;
	s16 =	sshrl.u32 s16, $0x3;
	[tilespmem:s18+$0x3060 ss:$0x81] =	vst.msk $0xffff, v62  }
0x18: {  	s14 =	sor.u32 $0x80, s14;
	[tilespmem:s18+$0x0 ss:$0x81] =	vst.msk $0xffff, v63;
	s15 =	sadd.s32 s16, s15  }
0x19: {  	[hbm4b:s15+s14] =	stream.strided.scatter [tilespmem:s17], [sflag:$0x2], $0x4000, s9, s14, $0x20;
	[tilespmem:$0x10100] =	vst v63  }
.LBB1_5:
0x1a: {  	s17 =	sadd.s32 $0x1, s10  }
0x1b: {  	s14 =	sadd.s32 $0x200, s11;
	s18 =	smov.u32 s11;
	p2 =	sgt.s32 s17, $0x7  }
0x1c: {  	s18 =	smov.u32 @p2 s14  }
0x1d: {  	s20 =	smov.u32 s12;
	s14 =	sadd.s32 $0x8, s12;
	p3 =	sgt.s32 s18, $0x7FF  }
0x1e: {  	s20 =	smov.u32 @p3 s14  }
0x1f: {  	s17 =	simm.s32 @p2 $0x0;
	p2 =	sgt.s32 s20, $0x7  }
0x20: {  	p1 =	slt.u32 s13, $0x2;
	s20 =	smov.u32 @p2 s5;
	p2 =	sne.s32 s13, s8  }
.Ltmp1:
0x21: {  	s19 =	simm.s32 @!p1 $0x2;
	(pc) =	sbr.rel @!p2 .LBB1_6-.Ltmp1, $4  }
0x22: {  	s16 =	smov.u32 s10;
	s15 =	smov.u32 s12;
	_ =	swait.ge @!p1 [sflag:s19], $0x4000  }
0x23: {  	p0 =	por !p0, !p0;
	[sflag:s19] =	ssyncset.done @!p1 $0x0;
	s10 =	smov.u32 s17  }
0x24: {  	s18 =	smov.u32 @p3 s2;
	s14 =	smov.u32 s11;
	[sflag:s19] =	ssyncadd.s32 @!p1 $0xFFFFC000  }
0x25: {  	s11 =	smov.u32 s18;
	s13 =	sadd.s32 $0x1, s13;
	s12 =	smov.u32 s20  }
.LBB1_1:
0x26: {  	p1 =	sge.u32 s13, s7;
	s31 =	sadd.s32 $0xFFFFFFFF, s13  }
0x27: {  	s17 =	sxor.u32 @!p1 $0xFFFFFFFF, s13;
	s18 =	sshll.u32 @!p1 s12, $0x12;
	s19 =	sshll.u32 @!p1 s11, $0x7  }
0x28: {  	s20 =	sshll.u32 @!p1 s10, $0x4;
	s17 =	sshll.u32 @!p1 s17, $0xE;
	s18 =	sadd.s32 @!p1 s4, s18  }
0x29: {  	s20 =	sand.u32 @!p1 $0x70, s20;
	s17 =	sand.u32 @!p1 $0x4000, s17;
	s18 =	sadd.s32 @!p1 s19, s18  }
0x2a: {  	s19 =	simm.s32 @!p1 $0x80;
	s18 =	sadd.s32 @!p1 s20, s18;
	s20 =	simm.s32 @!p1 $0x400  }
0x2b: {  	[tilespmem:s17], [sflag:$0x1] =	stream.strided.gather @!p1 [hbm4b:s18+s19], $0x4000, s20, s19, $0x38;
	[tilespmem:$0x10100] =	vst v63  }
0x2c: {  	p1 =	sge.u32 s31, s7  }
.Ltmp2:
0x2d: {  	_ = 	snop;
	(pc) =	sbr.rel @p1 .LBB1_5-.Ltmp2, $1  }
0x2e: {  	_ =	sdelay $0x3  }
0x2f: {  	s17 =	simm.s32 $0x1  }
0x30: {  	_ =	swait.ge [sflag:s6], $0x4000;
	s17 =	simm.s32 @!p0 $0x0  }
0x31: {  	[sflag:s6] =	ssyncset.done $0x0;
	s18 =	sshll.u32 s17, $0xE  }
0x32: {  	[sflag:s6] =	ssyncadd.s32 $0xFFFFC000;
	s20 =	sor.u32 $0x40, s18  }
0x33: {  	s17 =	smul.u32 $0x10200, s17;
	v0 =	vld [tilespmem:s20+$0x30]  }
0x34: {  	v3 =	vld [tilespmem:s20+$0xFFFFFFD0]  }
0x35: {  	s17 =	sshrl.u32 s17, $0x2;
	v4 =	vld [tilespmem:s20+$0xFFFFFFE0]  }
0x36: {  	v5 =	vld [tilespmem:s20+$0xFFFFFFF0];
	s18 =	sor.u32 $0x8000, s17  }
0x37: {  	s31 =	sand.u32 $0x1, s13;
	v1 =	vld [tilespmem:s20+$0x0];
	s19 =	sadd.s32 $0x0, s18  }
0x38: {  	v2 =	vld [tilespmem:s20+$0x10];
	s17 =	smul.u32 $0x10200, s31;
	[tilespmem:s19+$0x3870 ss:$0x81] =	vst.msk $0xffff, v0  }
0x39: {  	[tilespmem:s19+$0x810 ss:$0x81] =	vst.msk $0xffff, v3;
	v3 =	vld [tilespmem:s20+$0x20]  }
0x3a: {  	s17 =	sshrl.u32 s17, $0x2;
	v0 =	vld [tilespmem:s20+$0xFFFFFFC0];
	[tilespmem:s19+$0x1020 ss:$0x81] =	vst.msk $0xffff, v4;
	s20 =	sadd.s32 $0x80, s20  }
0x3b: {  	s21 =	simm.s32 $0x4;
	s22 =	simm.s32 $0x8;
	s17 =	sor.u32 $0x8000, s17;
	[tilespmem:s19+$0x1830 ss:$0x81] =	vst.msk $0xffff, v5;
	v4 =	vld [tilespmem:s20+$0x30]  }
.LBB1_3:
0x3c: {  	p1 =	sne.s32 s22, $0x1FC;
	v5 =	vld [tilespmem:s20+$0xFFFFFFD0];
	[tilespmem:s19+$0x2040 ss:$0x81] =	vst.msk $0xffff, v1  }
0x3d: {  	v6 =	vld [tilespmem:s20+$0xFFFFFFE0];
	[tilespmem:s19+$0x2850 ss:$0x81] =	vst.msk $0xffff, v2  }
0x3e: {  	s23 =	sshra.s32 s21, $0x2;
	s21 =	smov.u32 s22;
	v7 =	vld [tilespmem:s20+$0xFFFFFFF0];
	[tilespmem:s19+$0x3060 ss:$0x81] =	vst.msk $0xffff, v3  }
.Ltmp3:
0x3f: {  	v1 =	vld [tilespmem:s20+$0x0];
	[tilespmem:s19+$0x0 ss:$0x81] =	vst.msk $0xffff, v0;
	s19 =	sadd.s32 s23, s18;
	(pc) =	sbr.rel @p1 .LBB1_3-.Ltmp3, $4  }
0x40: {  	v2 =	vld [tilespmem:s20+$0x10];
	[tilespmem:s19+$0x3870 ss:$0x81] =	vst.msk $0xffff, v4  }
0x41: {  	[tilespmem:s19+$0x810 ss:$0x81] =	vst.msk $0xffff, v5;
	v3 =	vld [tilespmem:s20+$0x20]  }
0x42: {  	v0 =	vld [tilespmem:s20+$0xFFFFFFC0];
	[tilespmem:s19+$0x1020 ss:$0x81] =	vst.msk $0xffff, v6;
	s20 =	sadd.s32 $0x80, s20  }
0x43: {  	s22 =	sadd.s32 $0x4, s22;
	v4 =	vld [tilespmem:s20+$0x30];
	[tilespmem:s19+$0x1830 ss:$0x81] =	vst.msk $0xffff, v7  }
.Ltmp4:
0x44: {  	_ = 	snop;
	(pc) =	sbr.rel .LBB1_4-.Ltmp4, $1  }
0x45: {  	_ =	sdelay $0x3  }
.LBB1_6:
0x46: {  	_ =	sfence.sel $0x180000  }
0x47: {  	s2 =	simm.s32 $0x1;
	[bflag:$0x0] =	sbarrier.arrive $0xFFFF  }
0x48: {  	s31 =	simm.s32 $0x2;
	[sflag:s2] =	ssyncpa.u1 $0x1  }
0x49: {  	[sflag:s31] =	ssyncpa.u1 $0x1  }
0x4a: {  	p0 =	sne.s32 s0, $0x0;
	_ =	strace $0x9000004D  }
0x4b: {  	s0 =	sadd.s32 @!p0 $0x100000, s1;
	[bflag:$0x2] =	sbarrier.arrive $0xFFFF  }
0x4c: {  	[sflag:s0] =	ssyncadd.tile.s32 @!p0 $0x1;
	_ =	shalt  }
.Lfunc_end1:
_tile_overlayer_lowered:
.L_overlay_start_2:
0x4d: {  	(tag) =	ssettag $0x2  }
0x4e: {  	s0 =	rddreg [dreg:$0x0];
	s2 =	stileid.u32  }
0x4f: {  	s1 =	rddreg [dreg:$0x1];
	p0 =	sne.s32 s2, $0x0  }
0x50: {  	s3 =	rddreg [dreg:$0x2];
	[bflag:$0x3] =	sbarrier.arrive $0xFFFF;
	s2 =	simm.s32 @!p0 $0x1C01  }
0x51: {  	[timem:s3], [sflag:s2] =	dma.local @!p0 [hbm:s0], s1  }
0x52: {  	s0 =	simm.s32 @!p0 $0x1  }
0x53: {  	_ =	swait.ge @!p0 [sflag:s0], s1  }
0x54: {  	s1 =	ssub.s32 @!p0 $0x0, s1;
	[sflag:s0] =	ssyncset.done @!p0 $0x0  }
0x55: {  	[sflag:s0] =	ssyncadd.s32 @!p0 s1  }
0x56: {  	[bflag:$0x3] =	sbarrier.arrive $0xFFFF  }
0x57: {  	_ =	shalt  }

// kernel: sparse-core-data-format-call.cloned.1.call-start
scs
called_computation_lowered:
.L_overlay_start_0:
0x0: {  	s2 =	sld [smem:$0x3FD9]  }
0x1: {  	s3 =	sld [smem:$0x3FFE];
	_ =	sdelay $0x1  }
0x2: {  	s1 =	srdreg.scid  }
0x3: {  	s0 =	sand.u32 $0x1, s1  }
0x4: {  	s15 =	sshll.u32 s0, $0xA;
	s2 =	sadd.s32 s3, s2  }
0x5: {  	s2 =	sadd.s32 s2, s15  }
0x6: {  	[smem:$0x3FC5] =	sst s2  }
0x7: {  	_ = 	snop  }
0x8: {  	s2 =	sld [smem:$0x3FD0];
	_ =	sdelay $0x2  }
0x9: {  	s16 =	simm.s32 $0xB;
	s4 =	simm.s32 $0x10  }
0xa: {  	[smem:s4], [sflag:s16] =	dma.local [hbm:s2], $0x1  }
0xb: {  	_ =	swait.eq [sflag:s16], $0x1  }
0xc: {  	[sflag:s16] =	ssyncset.done $0x0  }
0xd: {  	[sflag:s16] =	ssyncadd.s32 $0xFFFFFFFF  }
0xe: {  	s17 =	sld [smem:$0x13];
	(tm) =	ssettm $0x1  }
0xf: {  	s18 =	sld [smem:$0x3FFB];
	_ =	sdelay $0x3  }
0x10: {  	_ =	strace s18  }
0x11: {  	s3 =	sld [smem:$0x3FFC];
	_ =	sdelay $0x3  }
0x12: {  	_ =	strace s3  }
0x13: {  	s3 =	sld [smem:$0x3FFD];
	_ =	sdelay $0x3  }
0x14: {  	_ =	strace s3  }
0x15: {  	_ =	strace $0x8FFFFFFF  }
0x16: {  	s19 =	sld [smem:$0x3FDB];
	_ =	sdelay $0x1  }
0x17: {  	s20 =	simm.s32 $_scs_section_size  }
0x18: {  	s5 =	simm.s32 $_size__tile_overlayer_lowered;
	s6 =	simm.s32 $_tile_overlayer_lowered  }
0x19: {  	s23 =	simm.s32 $0x1BFF;
	s22 =	sshll.u32 s6, $0x1;
	s3 =	sadd.s32 s20, s19  }
0x1a: {  	s7 =	simm.s32 $0x0;
	s21 =	sshll.u32 s5, $0x1;
	s5 =	sadd.s32 s22, s3  }
0x1b: {  	[timem:s7], [sflag:s23] =	dma.local [hbm:s5], s21  }
0x1c: {  	_ =	swait.ge [sflag:s23], s21  }
0x1d: {  	s4 =	ssub.s32 $0x0, s21;
	[sflag:s23] =	ssyncset.done $0x0  }
0x1e: {  	[sflag:s23] =	ssyncadd.s32 s4;
	_ =	sdelay $0x1  }
0x1f: {  	s24 =	simm.s32 $0x1B8B  }
0x20: {  	_ =	swait.ge [sflag:s24], $0x1  }
0x21: {  	[sflag:s24] =	ssyncset.done $0x0  }
0x22: {  	s26 =	simm.s32 $0x1B8E;
	s25 =	sld [smem:$0x3FFE];
	[sflag:s24] =	ssyncadd.s32 $0xFFFFFFFF  }
0x23: {  	s27 =	simm.s32 $execute0_lowered;
	[smem:$0x3FD2] =	sst s26  }
0x24: {  	s5 =	sshll.u32 s27, $0x1;
	_ =	strace $0x80000049;
	[dreg:$0x1] =	wrdreg $0xFFFFFFFF  }
0x25: {  	s28 =	simm.s32 $_size_execute0_lowered;
	s3 =	sadd.s32 s3, s5;
	[dreg:$0x0] =	wrdreg $0x0  }
0x26: {  	s5 =	sshll.u32 s28, $0x1;
	[dreg:$0x2] =	wrdreg s3  }
0x27: {  	[dreg:$0x3] =	wrdreg s5  }
0x28: {  	[dreg:$0x4] =	wrdreg $0xC0  }
0x29: {  	_ =	task [dreg:s7], $0x5FFFF  }
0x2a: {  	[dreg:$0x1] =	wrdreg $0xFFFFFFFF  }
0x2b: {  	[dreg:$0x0] =	wrdreg $0x60  }
0x2c: {  	[dreg:$0x2] =	wrdreg s25  }
0x2d: {  	[dreg:$0x3] =	wrdreg s17  }
0x2e: {  	[dreg:$0x4] =	wrdreg $0x9  }
0x2f: {  	_ =	task.clear_ibuf [dreg:s7], $0x5FFFF;
	_ =	strace $0x90000049  }
0x30: {  	s29 =	simm.s32 $0x9;
	_ =	strace $0x8000004B  }
0x31: {  	_ =	swait.ge [sflag:s29], $0x1  }
0x32: {  	[sflag:s29] =	ssyncadd.s32 $0xFFFFFFFF  }
0x33: {  	_ =	strace $0x9000004B  }
0x34: {  	_ =	sfence  }
0x35: {  	s30 =	sld [smem:$0x0];
	_ =	sdelay $0x2  }
0x36: {  	s31 =	sshll.u32 s1, $0xD;
	s1 =	sshrl.u32 s1, $0x2  }
0x37: {  	s3 =	sand.u32 $0x4000, s31;
	s1 =	sadd.s32 s1, s30  }
0x38: {  	s0 =	sor.u32 s3, s0;
	s1 =	sshll.u32 s1, $0x11  }
0x39: {  	s0 =	sor.u32 s1, s0  }
0x3a: {  	s0 =	sadd.s32 $0x8F2B, s0  }
0x3b: {  	[sflag:s0] =	ssyncadd.remote.s32 $0x1  }
0x3c: {  	_ =	sfence.sel $0xFFFF  }
0x3d: {  	[dreg:$0x0] =	wrdreg $0xFFFFFFFF;
	(pc) =	sbr.abs _section_cstart, $3  }
0x3e: {  	[dreg:$0x1] =	wrdreg $0xFFFFFFFF  }
0x3f: {  	_ =	task.clear_ibuf [dreg:s7], $0x2FFFF;
	_ =	strace $0x9FFFFFFF  }
0x40: {  	(tm) =	ssettm $0x7FFFFFFF  }
0x41: {  	_ =	shalt  }
tec
execute0_lowered:
.L_overlay_start_1:
0x0: {  	(tag) =	ssettag $0x1  }
0x1: {  	s0 =	stileid.u32;
	s4 =	rddreg [dreg:$0x0]  }
0x2: {  	s1 =	srdreg.scid;
	s3 =	rddreg [dreg:$0x1];
	s7 =	simm.s32 $0x1  }
0x3: {  	s31 =	simm.s32 $0x2;
	s2 =	sshll.u32 s0, $0x4;
	s1 =	sshll.u32 s1, $0x8  }
0x4: {  	s16 =	simm.s32 $0x0;
	s9 =	simm.s32 $0x4000;
	s1 =	sor.u32 s2, s1  }
0x5: {  	s14 =	simm.s32 $0x0;
	s15 =	simm.s32 $0x0;
	s2 =	sand.u32 $0x180, s1  }
0x6: {  	s10 =	simm.s32 $0x0;
	s13 =	simm.s32 $0x0;
	s5 =	ssub.s32 $0x800, s2  }
0x7: {  	s4 =	sadd.s32 $0x41C00, s4;
	s1 =	rddreg [dreg:$0x2];
	s6 =	sand.u32 $0x180, s5  }
.Ltmp0:
0x8: {  	_ =	strace $0x8000004A;
	p0 =	sne.s32 s6, $0x0;
	(pc) =	sbr.rel .LBB1_1-.Ltmp0, $4  }
0x9: {  	s11 =	smov.u32 s2;
	s8 =	sshrl.u32 s5, $0x9;
	s7 =	simm.s32 @!p0 $0x0  }
0xa: {  	s5 =	sand.u32 $0x7, s0;
	s6 =	simm.s32 $0x1;
	s7 =	sadd.s32 s7, s8  }
0xb: {  	s12 =	smov.u32 s5;
	[sflag:s6] =	ssyncpa.u1 $0x0;
	s7 =	sshll.u32 s7, $0x3  }
0xc: {  	p0 =	por $0x0, $0x0;
	[sflag:s31] =	ssyncpa.u1 $0x0;
	s8 =	sor.u32 $0x1, s7  }
.LBB1_4:
0xd: {  	v5 =	vld [tilespmem:s20+$0xFFFFFFD0];
	[tilespmem:s19+$0x2040 ss:$0x81] =	vst.msk $0xffff, v1  }
0xe: {  	v58 =	vld [tilespmem:s20+$0xFFFFFFE0];
	[tilespmem:s19+$0x2850 ss:$0x81] =	vst.msk $0xffff, v2  }
0xf: {  	s21 =	sshra.s32 s21, $0x2;
	v59 =	vld [tilespmem:s20+$0xFFFFFFF0];
	[tilespmem:s19+$0x3060 ss:$0x81] =	vst.msk $0xffff, v3  }
0x10: {  	v60 =	vld [tilespmem:s20+$0x0];
	[tilespmem:s19+$0x0 ss:$0x81] =	vst.msk $0xffff, v0;
	s18 =	sadd.s32 s21, s18  }
0x11: {  	v61 =	vld [tilespmem:s20+$0x10];
	[tilespmem:s18+$0x3870 ss:$0x81] =	vst.msk $0xffff, v4  }
0x12: {  	v62 =	vld [tilespmem:s20+$0x20];
	[tilespmem:s18+$0x810 ss:$0x81] =	vst.msk $0xffff, v5  }
0x13: {  	s28 =	sshll.u32 s14, $0x3;
	v63 =	vld [tilespmem:s20+$0xFFFFFFC0];
	s29 =	sand.u32 $0x78, s14;
	[tilespmem:s18+$0x1020 ss:$0x81] =	vst.msk $0xffff, v58  }
0x14: {  	s16 =	sshll.u32 s16, $0x7;
	s15 =	sshll.u32 s15, $0x12;
	s19 =	sand.u32 $0x400, s28;
	[tilespmem:s18+$0x1830 ss:$0x81] =	vst.msk $0xffff, v59  }
0x15: {  	s30 =	sand.u32 $0x700, s14;
	s16 =	sand.u32 $0x380, s16;
	s19 =	sor.u32 s29, s19;
	[tilespmem:s18+$0x2040 ss:$0x81] =	vst.msk $0xffff, v60  }
0x16: {  	s31 =	sand.u32 $0x7, s14;
	s15 =	sadd.s32 s3, s15;
	s16 =	sor.u32 s16, s19;
	[tilespmem:s18+$0x2850 ss:$0x81] =	vst.msk $0xffff, v61  }
0x17: {  	s14 =	sshll.u32 s31, $0x12;
	s15 =	sadd.s32 s30, s15;
	s16 =	sshrl.u32 s16, $0x3;
	[tilespmem:s18+$0x3060 ss:$0x81] =	vst.msk $0xffff, v62  }
0x18: {  	s14 =	sor.u32 $0x80, s14;
	[tilespmem:s18+$0x0 ss:$0x81] =	vst.msk $0xffff, v63;
	s15 =	sadd.s32 s16, s15  }
0x19: {  	[hbm4b:s15+s14] =	stream.strided.scatter [tilespmem:s17], [sflag:$0x2], $0x4000, s9, s14, $0x20;
	[tilespmem:$0x10100] =	vst v63  }
.LBB1_5:
0x1a: {  	s17 =	sadd.s32 $0x1, s10  }
0x1b: {  	s14 =	sadd.s32 $0x200, s11;
	s18 =	smov.u32 s11;
	p2 =	sgt.s32 s17, $0x7  }
0x1c: {  	s18 =	smov.u32 @p2 s14  }
0x1d: {  	s20 =	smov.u32 s12;
	s14 =	sadd.s32 $0x8, s12;
	p3 =	sgt.s32 s18, $0x7FF  }
0x1e: {  	s20 =	smov.u32 @p3 s14  }
0x1f: {  	s17 =	simm.s32 @p2 $0x0;
	p2 =	sgt.s32 s20, $0x7  }
0x20: {  	p1 =	slt.u32 s13, $0x2;
	s20 =	smov.u32 @p2 s5;
	p2 =	sne.s32 s13, s8  }
.Ltmp1:
0x21: {  	s19 =	simm.s32 @!p1 $0x2;
	(pc) =	sbr.rel @!p2 .LBB1_6-.Ltmp1, $4  }
0x22: {  	s16 =	smov.u32 s10;
	s15 =	smov.u32 s12;
	_ =	swait.ge @!p1 [sflag:s19], $0x4000  }
0x23: {  	p0 =	por !p0, !p0;
	[sflag:s19] =	ssyncset.done @!p1 $0x0;
	s10 =	smov.u32 s17  }
0x24: {  	s18 =	smov.u32 @p3 s2;
	s14 =	smov.u32 s11;
	[sflag:s19] =	ssyncadd.s32 @!p1 $0xFFFFC000  }
0x25: {  	s11 =	smov.u32 s18;
	s13 =	sadd.s32 $0x1, s13;
	s12 =	smov.u32 s20  }
.LBB1_1:
0x26: {  	p1 =	sge.u32 s13, s7;
	s31 =	sadd.s32 $0xFFFFFFFF, s13  }
0x27: {  	s17 =	sxor.u32 @!p1 $0xFFFFFFFF, s13;
	s18 =	sshll.u32 @!p1 s12, $0x12;
	s19 =	sshll.u32 @!p1 s11, $0x7  }
0x28: {  	s20 =	sshll.u32 @!p1 s10, $0x4;
	s17 =	sshll.u32 @!p1 s17, $0xE;
	s18 =	sadd.s32 @!p1 s4, s18  }
0x29: {  	s20 =	sand.u32 @!p1 $0x70, s20;
	s17 =	sand.u32 @!p1 $0x4000, s17;
	s18 =	sadd.s32 @!p1 s19, s18  }
0x2a: {  	s19 =	simm.s32 @!p1 $0x80;
	s18 =	sadd.s32 @!p1 s20, s18;
	s20 =	simm.s32 @!p1 $0x400  }
0x2b: {  	[tilespmem:s17], [sflag:$0x1] =	stream.strided.gather @!p1 [hbm4b:s18+s19], $0x4000, s20, s19, $0x38;
	[tilespmem:$0x10100] =	vst v63  }
0x2c: {  	p1 =	sge.u32 s31, s7  }
.Ltmp2:
0x2d: {  	_ = 	snop;
	(pc) =	sbr.rel @p1 .LBB1_5-.Ltmp2, $1  }
0x2e: {  	_ =	sdelay $0x3  }
0x2f: {  	s17 =	simm.s32 $0x1  }
0x30: {  	_ =	swait.ge [sflag:s6], $0x4000;
	s17 =	simm.s32 @!p0 $0x0  }
0x31: {  	[sflag:s6] =	ssyncset.done $0x0;
	s18 =	sshll.u32 s17, $0xE  }
0x32: {  	[sflag:s6] =	ssyncadd.s32 $0xFFFFC000;
	s20 =	sor.u32 $0x40, s18  }
0x33: {  	s17 =	smul.u32 $0x10200, s17;
	v0 =	vld [tilespmem:s20+$0x30]  }
0x34: {  	v3 =	vld [tilespmem:s20+$0xFFFFFFD0]  }
0x35: {  	s17 =	sshrl.u32 s17, $0x2;
	v4 =	vld [tilespmem:s20+$0xFFFFFFE0]  }
0x36: {  	v5 =	vld [tilespmem:s20+$0xFFFFFFF0];
	s18 =	sor.u32 $0x8000, s17  }
0x37: {  	s31 =	sand.u32 $0x1, s13;
	v1 =	vld [tilespmem:s20+$0x0];
	s19 =	sadd.s32 $0x0, s18  }
0x38: {  	v2 =	vld [tilespmem:s20+$0x10];
	s17 =	smul.u32 $0x10200, s31;
	[tilespmem:s19+$0x3870 ss:$0x81] =	vst.msk $0xffff, v0  }
0x39: {  	[tilespmem:s19+$0x810 ss:$0x81] =	vst.msk $0xffff, v3;
	v3 =	vld [tilespmem:s20+$0x20]  }
0x3a: {  	s17 =	sshrl.u32 s17, $0x2;
	v0 =	vld [tilespmem:s20+$0xFFFFFFC0];
	[tilespmem:s19+$0x1020 ss:$0x81] =	vst.msk $0xffff, v4;
	s20 =	sadd.s32 $0x80, s20  }
0x3b: {  	s21 =	simm.s32 $0x4;
	s22 =	simm.s32 $0x8;
	s17 =	sor.u32 $0x8000, s17;
	[tilespmem:s19+$0x1830 ss:$0x81] =	vst.msk $0xffff, v5;
	v4 =	vld [tilespmem:s20+$0x30]  }
.LBB1_3:
0x3c: {  	p1 =	sne.s32 s22, $0x1FC;
	v5 =	vld [tilespmem:s20+$0xFFFFFFD0];
	[tilespmem:s19+$0x2040 ss:$0x81] =	vst.msk $0xffff, v1  }
0x3d: {  	v6 =	vld [tilespmem:s20+$0xFFFFFFE0];
	[tilespmem:s19+$0x2850 ss:$0x81] =	vst.msk $0xffff, v2  }
0x3e: {  	s23 =	sshra.s32 s21, $0x2;
	s21 =	smov.u32 s22;
	v7 =	vld [tilespmem:s20+$0xFFFFFFF0];
	[tilespmem:s19+$0x3060 ss:$0x81] =	vst.msk $0xffff, v3  }
.Ltmp3:
0x3f: {  	v1 =	vld [tilespmem:s20+$0x0];
	[tilespmem:s19+$0x0 ss:$0x81] =	vst.msk $0xffff, v0;
	s19 =	sadd.s32 s23, s18;
	(pc) =	sbr.rel @p1 .LBB1_3-.Ltmp3, $4  }
0x40: {  	v2 =	vld [tilespmem:s20+$0x10];
	[tilespmem:s19+$0x3870 ss:$0x81] =	vst.msk $0xffff, v4  }
0x41: {  	[tilespmem:s19+$0x810 ss:$0x81] =	vst.msk $0xffff, v5;
	v3 =	vld [tilespmem:s20+$0x20]  }
0x42: {  	v0 =	vld [tilespmem:s20+$0xFFFFFFC0];
	[tilespmem:s19+$0x1020 ss:$0x81] =	vst.msk $0xffff, v6;
	s20 =	sadd.s32 $0x80, s20  }
0x43: {  	s22 =	sadd.s32 $0x4, s22;
	v4 =	vld [tilespmem:s20+$0x30];
	[tilespmem:s19+$0x1830 ss:$0x81] =	vst.msk $0xffff, v7  }
.Ltmp4:
0x44: {  	_ = 	snop;
	(pc) =	sbr.rel .LBB1_4-.Ltmp4, $1  }
0x45: {  	_ =	sdelay $0x3  }
.LBB1_6:
0x46: {  	_ =	sfence.sel $0x180000  }
0x47: {  	s2 =	simm.s32 $0x1;
	[bflag:$0x0] =	sbarrier.arrive $0xFFFF  }
0x48: {  	s31 =	simm.s32 $0x2;
	[sflag:s2] =	ssyncpa.u1 $0x1  }
0x49: {  	[sflag:s31] =	ssyncpa.u1 $0x1  }
0x4a: {  	p0 =	sne.s32 s0, $0x0;
	_ =	strace $0x9000004A  }
0x4b: {  	s0 =	sadd.s32 @!p0 $0x100000, s1;
	[bflag:$0x2] =	sbarrier.arrive $0xFFFF  }
0x4c: {  	[sflag:s0] =	ssyncadd.tile.s32 @!p0 $0x1;
	_ =	shalt  }
.Lfunc_end1:
_tile_overlayer_lowered:
.L_overlay_start_2:
0x4d: {  	(tag) =	ssettag $0x2  }
0x4e: {  	s0 =	rddreg [dreg:$0x0];
	s2 =	stileid.u32  }
0x4f: {  	s1 =	rddreg [dreg:$0x1];
	p0 =	sne.s32 s2, $0x0  }
0x50: {  	s3 =	rddreg [dreg:$0x2];
	[bflag:$0x3] =	sbarrier.arrive $0xFFFF;
	s2 =	simm.s32 @!p0 $0x1C01  }
0x51: {  	[timem:s3], [sflag:s2] =	dma.local @!p0 [hbm:s0], s1  }
0x52: {  	s0 =	simm.s32 @!p0 $0x1  }
0x53: {  	_ =	swait.ge @!p0 [sflag:s0], s1  }
0x54: {  	s1 =	ssub.s32 @!p0 $0x0, s1;
	[sflag:s0] =	ssyncset.done @!p0 $0x0  }
0x55: {  	[sflag:s0] =	ssyncadd.s32 @!p0 s1  }
0x56: {  	[bflag:$0x3] =	sbarrier.arrive $0xFFFF  }
0x57: {  	_ =	shalt  }

</sc_bundles>
